<compile_context>
chip_gen: v7x
topology: tpu7x:2x2x1
jax: 0.10.2.dev20260603
libtpu: 0.0.44.dev20260713+nightly
codegen_flags: <defaults>
</compile_context>

<pallas_src>
import functools

import jax
import jax.numpy as jnp
from jax import lax
from jax.experimental import pallas as pl
from jax.experimental.pallas import tpu as pltpu
from jax.experimental.pallas import tpu_sc as plsc

N = 10000
E = 320000
D = 128
H = 4
C = 32
ED = 16
DFF = 4 * D

ROW = 128
TQW = 256
NC = 2
NS = 16
HALF = N // NC
AROWS = HALF + 120
CHUNK = 32
NCH = E // CHUNK
CPS = NCH // NS
GROUPS = CHUNK // 16
RPS = AROWS // NS
ZROWS = 16
INV_SQRT_C = 1.0 / (C ** 0.5)

_f32 = jnp.float32
_i32 = jnp.int32



def _pre_body(x_ref, wq_ref, bq_ref, wk_ref, bk_ref, wv_ref, bv_ref, wet_ref,
              wskip_ref, bskip_ref, g1_ref, b1_ref, tq_ref, tkv_ref, skip_ref):
    x = x_ref[...]
    mu = jnp.mean(x, axis=-1, keepdims=True)
    var = jnp.mean((x - mu) ** 2, axis=-1, keepdims=True)
    h = (x - mu) / jnp.sqrt(var + 1e-5) * g1_ref[...] + b1_ref[...]
    q = h @ wq_ref[...] + bq_ref[...]
    k = h @ wk_ref[...] + bk_ref[...]
    v = h @ wv_ref[...] + bv_ref[...]
    wet = wet_ref[...]
    qe = [q[:, i * C:(i + 1) * C] @ wet[i * C:(i + 1) * C, :] for i in range(H)]
    pad = jnp.zeros((x.shape[0], TQW - D - H * ED), _f32)
    tq_ref[...] = jnp.concatenate([q] + qe + [pad], axis=1)
    tkv_ref[...] = jnp.concatenate([k, v], axis=1)
    skip_ref[...] = h @ wskip_ref[...] + bskip_ref[...]



def _sc_body(tq_hbm, tkv_hbm, ea_hbm, src_hbm, dst_hbm, outv_hbm, outs_hbm,
             accv, accs, src0, src1, dst0, dst1, idx_v, ea0, ea1,
             kv0, kv1, q0, q1, pay_a, pay_b, zbuf,
             semi0, semi1, semk0, semk1, semq0, semq1):
    cid = lax.axis_index("c")
    sid = lax.axis_index("s")
    zeros16 = jnp.zeros((16,), _f32)
    lane = lax.iota(_i32, 16)
    rots = [(lane + sh) & 15 for sh in (8, 4, 2, 1)]
    dst_lo = cid * HALF
    srcs = (src0, src1)
    dsts = (dst0, dst1)
    eas = (ea0, ea1)
    kvs = (kv0, kv1)
    qs = (q0, q1)
    semis = (semi0, semi1)
    semks = (semk0, semk1)
    semqs = (semq0, semq1)

    def _zrow(r, carry):
        for j0 in range(0, ROW, 16):
            zbuf[r, pl.ds(j0, 16)] = zeros16
        return carry
    lax.fori_loop(0, ZROWS, _zrow, 0)

    def _zacc(i, carry):
        pltpu.sync_copy(zbuf, accv.at[pl.ds(sid * RPS + i * ZROWS, ZROWS)])
        pltpu.sync_copy(zbuf, accs.at[pl.ds(sid * RPS + i * ZROWS, ZROWS)])
        return carry
    lax.fori_loop(0, RPS // ZROWS, _zacc, 0)

    def _zpay(r, carry):
        for j0 in (80, 96, 112):
            pay_b[r, pl.ds(j0, 16)] = zeros16
        return carry
    lax.fori_loop(0, CHUNK, _zpay, 0)
    plsc.subcore_barrier()

    def _issue_idx(j, b):
        base = (sid + NS * j) * CHUNK
        c1 = pltpu.async_copy(src_hbm.at[pl.ds(base, CHUNK)], srcs[b],
                              semis[b])
        c2 = pltpu.async_copy(dst_hbm.at[pl.ds(base, CHUNK)], dsts[b],
                              semis[b])
        c3 = pltpu.async_copy(ea_hbm.at[pl.ds(base * ED, CHUNK * ED)], eas[b],
                              semis[b])
        return (c1, c2, c3)

    def _issue_gather(b):
        ck = pltpu.async_copy(tkv_hbm.at[srcs[b]], kvs[b], semks[b])
        cq = pltpu.async_copy(tq_hbm.at[dsts[b]], qs[b], semqs[b])
        return (ck, cq)

    def _wait(handles):
        for h in handles:
            h.wait()

    def _process(b):
        dst_v = dsts[b]
        ea_v = eas[b]
        kv_v = kvs[b]
        q_v = qs[b]
        for g in range(GROUPS):
            dv = dst_v[pl.ds(g * 16, 16)] - dst_lo
            ok = (dv >= 0) & (dv < HALF)
            idx_v[pl.ds(g * 16, 16)] = jnp.where(ok, dv, HALF)

        def _edge(e, carry2):
            ea = ea_v[pl.ds(e * ED, ED)]
            tquad = zeros16
            for i in range(H):
                qk = (q_v[e, pl.ds(i * C, 16)] * kv_v[e, pl.ds(i * C, 16)]
                      + q_v[e, pl.ds(i * C + 16, 16)]
                      * kv_v[e, pl.ds(i * C + 16, 16)]
                      + ea * q_v[e, pl.ds(D + i * ED, 16)])
                for r in rots:
                    qk = qk + qk[r]
                alpha = qk * INV_SQRT_C
                alpha = jnp.minimum(jnp.maximum(alpha, -50.0), 50.0)
                t = jnp.exp(alpha)
                pay_a[e, pl.ds(i * C, 16)] = t * kv_v[e, pl.ds(D + i * C, 16)]
                pay_a[e, pl.ds(i * C + 16, 16)] = (
                    t * kv_v[e, pl.ds(D + i * C + 16, 16)])
                pay_b[e, pl.ds(i * ED, 16)] = t * ea
                tquad = jnp.where(lane == i, t, tquad)
            pay_b[e, pl.ds(H * ED, 16)] = tquad
            return carry2
        lax.fori_loop(0, CHUNK, _edge, 0)
        pltpu.sync_copy(pay_a, accv.at[idx_v], add=True)
        pltpu.sync_copy(pay_b, accs.at[idx_v], add=True)

    def _pair(p, carry):
        i0 = _issue_idx(2 * p, 0)
        i1 = _issue_idx(2 * p + 1, 1)
        _wait(i0)
        g0 = _issue_gather(0)
        _wait(i1)
        g1 = _issue_gather(1)
        _wait(g0)
        _process(0)
        _wait(g1)
        _process(1)
        return carry
    lax.fori_loop(0, CPS // 2, _pair, 0)
    ilast = _issue_idx(CPS - 1, 0)
    _wait(ilast)
    glast = _issue_gather(0)
    _wait(glast)
    _process(0)
    plsc.subcore_barrier()

    def _out(i, carry):
        r0 = sid * RPS + i * ZROWS
        pltpu.sync_copy(accv.at[pl.ds(r0, ZROWS)],
                        outv_hbm.at[cid, pl.ds(r0, ZROWS)])
        pltpu.sync_copy(accs.at[pl.ds(r0, ZROWS)],
                        outs_hbm.at[cid, pl.ds(r0, ZROWS)])
        return carry
    lax.fori_loop(0, RPS // ZROWS, _out, 0)



def _post_body(x_ref, skip_ref, accv_ref, accs_ref, we_ref, g2_ref, b2_ref,
               wf1_ref, bf1_ref, wf2_ref, bf2_ref, out_ref):
    accv = accv_ref[...]
    accs = accs_ref[...]
    we = we_ref[...]
    parts = []
    for i in range(H):
        aggv = accv[:, i * C:(i + 1) * C]
        s = accs[:, i * ED:(i + 1) * ED]
        den = accs[:, H * ED + i:H * ED + i + 1]
        parts.append((aggv + s @ we[:, i * C:(i + 1) * C]) / (den + 1e-16))
    conv = jnp.concatenate(parts, axis=1) + skip_ref[...]
    x1 = x_ref[...] + conv
    mu = jnp.mean(x1, axis=-1, keepdims=True)
    var = jnp.mean((x1 - mu) ** 2, axis=-1, keepdims=True)
    h2 = (x1 - mu) / jnp.sqrt(var + 1e-5) * g2_ref[...] + b2_ref[...]
    z = h2 @ wf1_ref[...] + bf1_ref[...]
    gelu = 0.5 * z * (1.0 + lax.erf(z * (2.0 ** -0.5)))
    ffn = gelu @ wf2_ref[...] + bf2_ref[...]
    out_ref[...] = x1 + ffn



_BN = 1000


def _full(shape):
    return pl.BlockSpec(shape, lambda i: tuple(0 for _ in shape))


def _rows(cols):
    return pl.BlockSpec((_BN, cols), lambda i: (i, 0))


@jax.jit
def _run(x, edge_index, edge_attr, Wq, bq, Wk, bk, Wv, bv, We, Wskip, bskip,
         ln1_g, ln1_b, ln2_g, ln2_b, Wf1, bf1, Wf2, bf2):
    src = edge_index[0]
    dst = edge_index[1]
    ea_flat = edge_attr.reshape(-1)
    r2 = lambda a: a.reshape(1, -1)

    tq, tkv, skip = pl.pallas_call(
        _pre_body,
        grid=(N // _BN,),
        in_specs=[_rows(D), _full((D, D)), _full((1, D)), _full((D, D)),
                  _full((1, D)), _full((D, D)), _full((1, D)), _full((D, ED)),
                  _full((D, D)), _full((1, D)), _full((1, D)), _full((1, D))],
        out_specs=[_rows(TQW), _rows(2 * D), _rows(D)],
        out_shape=[jax.ShapeDtypeStruct((N, TQW), _f32),
                   jax.ShapeDtypeStruct((N, 2 * D), _f32),
                   jax.ShapeDtypeStruct((N, D), _f32)],
    )(x, Wq, r2(bq), Wk, r2(bk), Wv, r2(bv), We.T, Wskip, r2(bskip),
      r2(ln1_g), r2(ln1_b))

    sc_edge = functools.partial(
        pl.kernel,
        mesh=plsc.VectorSubcoreMesh(core_axis_name="c", subcore_axis_name="s"),
        out_type=[jax.ShapeDtypeStruct((NC, AROWS, ROW), _f32),
                  jax.ShapeDtypeStruct((NC, AROWS, ROW), _f32)],
        scratch_types=[
            pltpu.VMEM_SHARED((AROWS, ROW), _f32),
            pltpu.VMEM_SHARED((AROWS, ROW), _f32),
            pltpu.VMEM((CHUNK,), _i32),
            pltpu.VMEM((CHUNK,), _i32),
            pltpu.VMEM((CHUNK,), _i32),
            pltpu.VMEM((CHUNK,), _i32),
            pltpu.VMEM((CHUNK,), _i32),
            pltpu.VMEM((CHUNK * ED,), _f32),
            pltpu.VMEM((CHUNK * ED,), _f32),
            pltpu.VMEM((CHUNK, 2 * D), _f32),
            pltpu.VMEM((CHUNK, 2 * D), _f32),
            pltpu.VMEM((CHUNK, TQW), _f32),
            pltpu.VMEM((CHUNK, TQW), _f32),
            pltpu.VMEM((CHUNK, ROW), _f32),
            pltpu.VMEM((CHUNK, ROW), _f32),
            pltpu.VMEM((ZROWS, ROW), _f32),
            pltpu.SemaphoreType.DMA,
            pltpu.SemaphoreType.DMA,
            pltpu.SemaphoreType.DMA,
            pltpu.SemaphoreType.DMA,
            pltpu.SemaphoreType.DMA,
            pltpu.SemaphoreType.DMA,
        ],
    )(_sc_body)
    ov, os_ = sc_edge(tq, tkv, ea_flat, src, dst)
    accv = jnp.concatenate([ov[0, :HALF], ov[1, :HALF]], axis=0)
    accse = jnp.concatenate([os_[0, :HALF], os_[1, :HALF]], axis=0)

    out = pl.pallas_call(
        _post_body,
        grid=(N // _BN,),
        in_specs=[_rows(D), _rows(D), _rows(ROW), _rows(ROW), _full((ED, D)),
                  _full((1, D)), _full((1, D)), _full((D, DFF)),
                  _full((1, DFF)), _full((DFF, D)), _full((1, D))],
        out_specs=_rows(D),
        out_shape=jax.ShapeDtypeStruct((N, D), _f32),
    )(x, skip, accv, accse, We, r2(ln2_g), r2(ln2_b), Wf1, r2(bf1),
      Wf2, r2(bf2))
    return out


def kernel(x, edge_index, edge_attr, Wq, bq, Wk, bk, Wv, bv, We, Wskip, bskip,
           ln1_g, ln1_b, ln2_g, ln2_b, Wf1, bf1, Wf2, bf2):
    return _run(x, edge_index, edge_attr, Wq, bq, Wk, bk, Wv, bv, We, Wskip,
                bskip, ln1_g, ln1_b, ln2_g, ln2_b, Wf1, bf1, Wf2, bf2)

# --- scband reference (transcript-rebuilt; emitter-appended) ---
"""Pipeline reference for scband-local-transformer-block-9809705304973 (READ-ONLY COPY).

The authoritative reference and input builder live on the scoring server;
editing this copy changes nothing except your own understanding.
"""

import jax, jax.numpy as jnp
import numpy as np

N = 10000
E = 320000
D = 128
H = 4
C = D // H  # 32
ED = 16
DFF = 4 * D


def _layer_norm(x, g, b, eps=1e-5):
    mu = jnp.mean(x, axis=-1, keepdims=True)
    var = jnp.mean((x - mu) ** 2, axis=-1, keepdims=True)
    return (x - mu) / jnp.sqrt(var + eps) * g + b


def setup_inputs(seed: int = 0) -> dict:
    key = jax.random.key(seed)
    ks = jax.random.split(key, 24)
    s = lambda fan: 1.0 / np.sqrt(fan)
    inp = {}
    inp["x"] = jax.random.normal(ks[0], (N, D), dtype=jnp.float32)
    inp["edge_index"] = jax.random.randint(ks[1], (2, E), 0, N, dtype=jnp.int32)
    inp["edge_attr"] = jax.random.normal(ks[2], (E, ED), dtype=jnp.float32)
    # TransformerConv params
    inp["Wq"] = jax.random.normal(ks[3], (D, H * C), dtype=jnp.float32) * s(D)
    inp["bq"] = jnp.zeros((H * C,), dtype=jnp.float32)
    inp["Wk"] = jax.random.normal(ks[4], (D, H * C), dtype=jnp.float32) * s(D)
    inp["bk"] = jnp.zeros((H * C,), dtype=jnp.float32)
    inp["Wv"] = jax.random.normal(ks[5], (D, H * C), dtype=jnp.float32) * s(D)
    inp["bv"] = jnp.zeros((H * C,), dtype=jnp.float32)
    inp["We"] = jax.random.normal(ks[6], (ED, H * C), dtype=jnp.float32) * s(ED)
    inp["Wskip"] = jax.random.normal(ks[7], (D, H * C), dtype=jnp.float32) * s(D)
    inp["bskip"] = jnp.zeros((H * C,), dtype=jnp.float32)
    # norms
    inp["ln1_g"] = jnp.ones((D,), dtype=jnp.float32)
    inp["ln1_b"] = jnp.zeros((D,), dtype=jnp.float32)
    inp["ln2_g"] = jnp.ones((D,), dtype=jnp.float32)
    inp["ln2_b"] = jnp.zeros((D,), dtype=jnp.float32)
    # FFN
    inp["Wf1"] = jax.random.normal(ks[8], (D, DFF), dtype=jnp.float32) * s(D)
    inp["bf1"] = jnp.zeros((DFF,), dtype=jnp.float32)
    inp["Wf2"] = jax.random.normal(ks[9], (DFF, D), dtype=jnp.float32) * s(DFF)
    inp["bf2"] = jnp.zeros((D,), dtype=jnp.float32)
    return inp


def reference(x, edge_index, edge_attr, Wq, bq, Wk, bk, Wv, bv, We, Wskip, bskip,
              ln1_g, ln1_b, ln2_g, ln2_b, Wf1, bf1, Wf2, bf2):
    n = x.shape[0]
    e = edge_index.shape[1]
    src = edge_index[0]
    dst = edge_index[1]

    # --- TransformerConv on norm1(x) ---
    h = _layer_norm(x, ln1_g, ln1_b)
    q = (h @ Wq + bq).reshape(n, H, C)
    k = (h @ Wk + bk).reshape(n, H, C)
    v = (h @ Wv + bv).reshape(n, H, C)
    eemb = (edge_attr @ We).reshape(e, H, C)  # lin_edge (no bias)

    k_j = k[src] + eemb
    v_j = v[src] + eemb
    q_i = q[dst]

    alpha = jnp.sum(q_i * k_j, axis=-1) / jnp.sqrt(float(C))  # [E, H]
    m = jax.ops.segment_max(alpha, dst, num_segments=n)
    alpha = jnp.exp(alpha - m[dst])
    denom = jax.ops.segment_sum(alpha, dst, num_segments=n)
    p = alpha / (denom[dst] + 1e-16)  # softmax over incoming edges

    agg = jax.ops.segment_sum(p[:, :, None] * v_j, dst, num_segments=n)  # [N, H, C]
    conv_out = agg.reshape(n, H * C) + (h @ Wskip + bskip)  # root/skip weight

    x1 = x + conv_out

    # --- FFN on norm2(x1) ---
    h2 = _layer_norm(x1, ln2_g, ln2_b)
    ffn = jax.nn.gelu(h2 @ Wf1 + bf1, approximate=False) @ Wf2 + bf2
    return x1 + ffn

if __name__ == "__main__":
    import jax
    _d = setup_inputs()
    print(jax.jit(kernel)(*tuple(_d.values())))

</pallas_src>

<mosaic_0001>
#map = affine_map<(d0, d1) -> (0, 0)>
#map1 = affine_map<(d0, d1) -> (0)>
#map2 = affine_map<(d0, d1) -> (0, 0, 0)>
module attributes {stable_mosaic.version = 14 : i64} {
  func.func @_sc_body(%arg0: i32, %arg1: i32, %arg2: memref<10000x256xf32, #tpu.memory_space<hbm>>, %arg3: memref<10000x256xf32, #tpu.memory_space<hbm>>, %arg4: memref<5120000xf32, #tpu.memory_space<hbm>>, %arg5: memref<320000xi32, #tpu.memory_space<hbm>>, %arg6: memref<320000xi32, #tpu.memory_space<hbm>>, %arg7: memref<2x5120x128xf32, #tpu.memory_space<hbm>>, %arg8: memref<2x5120x128xf32, #tpu.memory_space<hbm>>, %arg9: memref<5120x128xf32, #tpu.memory_space<vmem_shared>>, %arg10: memref<5120x128xf32, #tpu.memory_space<vmem_shared>>, %arg11: memref<32xi32, #tpu.memory_space<vmem>>, %arg12: memref<32xi32, #tpu.memory_space<vmem>>, %arg13: memref<32xi32, #tpu.memory_space<vmem>>, %arg14: memref<32xi32, #tpu.memory_space<vmem>>, %arg15: memref<32xi32, #tpu.memory_space<vmem>>, %arg16: memref<512xf32, #tpu.memory_space<vmem>>, %arg17: memref<512xf32, #tpu.memory_space<vmem>>, %arg18: memref<32x256xf32, #tpu.memory_space<vmem>>, %arg19: memref<32x256xf32, #tpu.memory_space<vmem>>, %arg20: memref<32x256xf32, #tpu.memory_space<vmem>>, %arg21: memref<32x256xf32, #tpu.memory_space<vmem>>, %arg22: memref<32x128xf32, #tpu.memory_space<vmem>>, %arg23: memref<32x128xf32, #tpu.memory_space<vmem>>, %arg24: memref<16x128xf32, #tpu.memory_space<vmem>>, %arg25: memref<!tpu.dma_semaphore, #tpu.memory_space<semaphore_mem>>, %arg26: memref<!tpu.dma_semaphore, #tpu.memory_space<semaphore_mem>>, %arg27: memref<!tpu.dma_semaphore, #tpu.memory_space<semaphore_mem>>, %arg28: memref<!tpu.dma_semaphore, #tpu.memory_space<semaphore_mem>>, %arg29: memref<!tpu.dma_semaphore, #tpu.memory_space<semaphore_mem>>, %arg30: memref<!tpu.dma_semaphore, #tpu.memory_space<semaphore_mem>>) attributes {dimension_semantics = [#tpu.dimension_semantics<core_parallel>, #tpu.dimension_semantics<subcore_parallel>], iteration_bounds = array<i64: 2, 16>, scalar_prefetch = 0 : i64, scratch_operands = 22 : i64, tpu.core_type = #tpu.core_type<sc_vector_subcore>, window_params = [{transform_indices = #map}, {transform_indices = #map}, {transform_indices = #map1}, {transform_indices = #map1}, {transform_indices = #map1}, {transform_indices = #map2}, {transform_indices = #map2}]} {
    %broadcast_in_dim3A = arith.constant 0.000000e+00 : f32
    %broadcast_in_dim3A_0 = vector.broadcast %broadcast_in_dim3A : f32 to vector<16xf32>
    %iota3A = tpu.iota {dimensions = array<i32: 0>} : vector<16xi32>
    %add3A = arith.constant 8 : i32
    %add3A_1 = vector.broadcast %add3A : i32 to vector<16xi32>
    %add3A_2 = arith.addi %iota3A, %add3A_1 : vector<16xi32>
    %and3A = arith.constant 15 : i32
    %and3A_3 = vector.broadcast %and3A : i32 to vector<16xi32>
    %and3A_4 = arith.andi %add3A_2, %and3A_3 : vector<16xi32>
    %add3A_5 = arith.constant 4 : i32
    %add3A_6 = vector.broadcast %add3A_5 : i32 to vector<16xi32>
    %add3A_7 = arith.addi %iota3A, %add3A_6 : vector<16xi32>
    %and3A_8 = arith.constant 15 : i32
    %and3A_9 = vector.broadcast %and3A_8 : i32 to vector<16xi32>
    %and3A_10 = arith.andi %add3A_7, %and3A_9 : vector<16xi32>
    %add3A_11 = arith.constant 2 : i32
    %add3A_12 = vector.broadcast %add3A_11 : i32 to vector<16xi32>
    %add3A_13 = arith.addi %iota3A, %add3A_12 : vector<16xi32>
    %and3A_14 = arith.constant 15 : i32
    %and3A_15 = vector.broadcast %and3A_14 : i32 to vector<16xi32>
    %and3A_16 = arith.andi %add3A_13, %and3A_15 : vector<16xi32>
    %add3A_17 = arith.constant 1 : i32
    %add3A_18 = vector.broadcast %add3A_17 : i32 to vector<16xi32>
    %add3A_19 = arith.addi %iota3A, %add3A_18 : vector<16xi32>
    %and3A_20 = arith.constant 15 : i32
    %and3A_21 = vector.broadcast %and3A_20 : i32 to vector<16xi32>
    %and3A_22 = arith.andi %add3A_19, %and3A_21 : vector<16xi32>
    %mul3A = arith.constant 5000 : i32
    %mul3A_23 = arith.muli %arg0, %mul3A : i32
    %scan3A = arith.constant 0 : i32
    %scan3A_24 = arith.constant 0 : i32
    %scan3A_25 = arith.constant 16 : i32
    %scan3A_26 = arith.addi %scan3A_24, %scan3A_25 : i32
    %scan3A_27 = arith.constant 1 : i32
    scf.for %scan3A_119 = %scan3A_24 to %scan3A_26 step %scan3A_27  : i32 {
      %swap3A_120 = arith.index_cast %scan3A_119 : i32 to index
      %swap3A_121 = arith.constant 0 : index
      %swap3A_122 = tpu.vector_load %arg24[%swap3A_120, %swap3A_121] {strides = array<i32>} : memref<16x128xf32, #tpu.memory_space<vmem>>, vector<1x16xf32>,
      %swap3A_123 = vector.shape_cast %swap3A_122 : vector<1x16xf32> to vector<16xf32>
      %swap3A_124 = vector.shape_cast %broadcast_in_dim3A_0 : vector<16xf32> to vector<1x16xf32>
      tpu.vector_store %arg24[%swap3A_120, %swap3A_121], %swap3A_124 {strides = array<i32>} : memref<16x128xf32, #tpu.memory_space<vmem>>, vector<1x16xf32>,
      %swap3A_125 = arith.index_cast %scan3A_119 : i32 to index
      %swap3A_126 = arith.constant 16 : index
      %swap3A_127 = tpu.vector_load %arg24[%swap3A_125, %swap3A_126] {strides = array<i32>} : memref<16x128xf32, #tpu.memory_space<vmem>>, vector<1x16xf32>,
      %swap3A_128 = vector.shape_cast %swap3A_127 : vector<1x16xf32> to vector<16xf32>
      %swap3A_129 = vector.shape_cast %broadcast_in_dim3A_0 : vector<16xf32> to vector<1x16xf32>
      tpu.vector_store %arg24[%swap3A_125, %swap3A_126], %swap3A_129 {strides = array<i32>} : memref<16x128xf32, #tpu.memory_space<vmem>>, vector<1x16xf32>,
      %swap3A_130 = arith.index_cast %scan3A_119 : i32 to index
      %swap3A_131 = arith.constant 32 : index
      %swap3A_132 = tpu.vector_load %arg24[%swap3A_130, %swap3A_131] {strides = array<i32>} : memref<16x128xf32, #tpu.memory_space<vmem>>, vector<1x16xf32>,
      %swap3A_133 = vector.shape_cast %swap3A_132 : vector<1x16xf32> to vector<16xf32>
      %swap3A_134 = vector.shape_cast %broadcast_in_dim3A_0 : vector<16xf32> to vector<1x16xf32>
      tpu.vector_store %arg24[%swap3A_130, %swap3A_131], %swap3A_134 {strides = array<i32>} : memref<16x128xf32, #tpu.memory_space<vmem>>, vector<1x16xf32>,
      %swap3A_135 = arith.index_cast %scan3A_119 : i32 to index
      %swap3A_136 = arith.constant 48 : index
      %swap3A_137 = tpu.vector_load %arg24[%swap3A_135, %swap3A_136] {strides = array<i32>} : memref<16x128xf32, #tpu.memory_space<vmem>>, vector<1x16xf32>,
      %swap3A_138 = vector.shape_cast %swap3A_137 : vector<1x16xf32> to vector<16xf32>
      %swap3A_139 = vector.shape_cast %broadcast_in_dim3A_0 : vector<16xf32> to vector<1x16xf32>
      tpu.vector_store %arg24[%swap3A_135, %swap3A_136], %swap3A_139 {strides = array<i32>} : memref<16x128xf32, #tpu.memory_space<vmem>>, vector<1x16xf32>,
      %swap3A_140 = arith.index_cast %scan3A_119 : i32 to index
      %swap3A_141 = arith.constant 64 : index
      %swap3A_142 = tpu.vector_load %arg24[%swap3A_140, %swap3A_141] {strides = array<i32>} : memref<16x128xf32, #tpu.memory_space<vmem>>, vector<1x16xf32>,
      %swap3A_143 = vector.shape_cast %swap3A_142 : vector<1x16xf32> to vector<16xf32>
      %swap3A_144 = vector.shape_cast %broadcast_in_dim3A_0 : vector<16xf32> to vector<1x16xf32>
      tpu.vector_store %arg24[%swap3A_140, %swap3A_141], %swap3A_144 {strides = array<i32>} : memref<16x128xf32, #tpu.memory_space<vmem>>, vector<1x16xf32>,
      %swap3A_145 = arith.index_cast %scan3A_119 : i32 to index
      %swap3A_146 = arith.constant 80 : index
      %swap3A_147 = tpu.vector_load %arg24[%swap3A_145, %swap3A_146] {strides = array<i32>} : memref<16x128xf32, #tpu.memory_space<vmem>>, vector<1x16xf32>,
      %swap3A_148 = vector.shape_cast %swap3A_147 : vector<1x16xf32> to vector<16xf32>
      %swap3A_149 = vector.shape_cast %broadcast_in_dim3A_0 : vector<16xf32> to vector<1x16xf32>
      tpu.vector_store %arg24[%swap3A_145, %swap3A_146], %swap3A_149 {strides = array<i32>} : memref<16x128xf32, #tpu.memory_space<vmem>>, vector<1x16xf32>,
      %swap3A_150 = arith.index_cast %scan3A_119 : i32 to index
      %swap3A_151 = arith.constant 96 : index
      %swap3A_152 = tpu.vector_load %arg24[%swap3A_150, %swap3A_151] {strides = array<i32>} : memref<16x128xf32, #tpu.memory_space<vmem>>, vector<1x16xf32>,
      %swap3A_153 = vector.shape_cast %swap3A_152 : vector<1x16xf32> to vector<16xf32>
      %swap3A_154 = vector.shape_cast %broadcast_in_dim3A_0 : vector<16xf32> to vector<1x16xf32>
      tpu.vector_store %arg24[%swap3A_150, %swap3A_151], %swap3A_154 {strides = array<i32>} : memref<16x128xf32, #tpu.memory_space<vmem>>, vector<1x16xf32>,
      %swap3A_155 = arith.index_cast %scan3A_119 : i32 to index
      %swap3A_156 = arith.constant 112 : index
      %swap3A_157 = tpu.vector_load %arg24[%swap3A_155, %swap3A_156] {strides = array<i32>} : memref<16x128xf32, #tpu.memory_space<vmem>>, vector<1x16xf32>,
      %swap3A_158 = vector.shape_cast %swap3A_157 : vector<1x16xf32> to vector<16xf32>
      %swap3A_159 = vector.shape_cast %broadcast_in_dim3A_0 : vector<16xf32> to vector<1x16xf32>
      tpu.vector_store %arg24[%swap3A_155, %swap3A_156], %swap3A_159 {strides = array<i32>} : memref<16x128xf32, #tpu.memory_space<vmem>>, vector<1x16xf32>,
    }
    %scan3A_28 = arith.constant 16 : i32
    %scan3A_29 = arith.constant 0 : i32
    %scan3A_30 = arith.constant 0 : i32
    %scan3A_31 = arith.constant 20 : i32
    %scan3A_32 = arith.addi %scan3A_30, %scan3A_31 : i32
    %scan3A_33 = arith.constant 1 : i32
    scf.for %scan3A_119 = %scan3A_30 to %scan3A_32 step %scan3A_33  : i32 {
      %mul3A_120 = arith.constant 320 : i32
      %mul3A_121 = arith.muli %arg1, %mul3A_120 : i32
      %mul3A_122 = arith.constant 16 : i32
      %mul3A_123 = arith.muli %scan3A_119, %mul3A_122 : i32
      %add3A_124 = arith.addi %mul3A_121, %mul3A_123 : i32
      "tpu.region"() ({
        %run_scoped3A = tpu.sem_alloc : memref<!tpu.dma_semaphore, #tpu.memory_space<semaphore_mem>>
        %dma_start3A_130 = arith.constant 0 : i32
        %dma_start3A_131 = tpu.memref_slice %arg9[%add3A_124, %dma_start3A_130] : memref<5120x128xf32, #tpu.memory_space<vmem_shared>> -> memref<16x128xf32, #tpu.memory_space<vmem_shared>>
        %dma_start3A_132 = arith.constant 0 : i32
        %dma_start3A_133 = tpu.memref_slice %arg9[%add3A_124, %dma_start3A_132] : memref<5120x128xf32, #tpu.memory_space<vmem_shared>> -> memref<16x128xf32, #tpu.memory_space<vmem_shared>>
        tpu.enqueue_dma source(%arg24 : memref<16x128xf32, #tpu.memory_space<vmem>>) target(%dma_start3A_133 : memref<16x128xf32, #tpu.memory_space<vmem_shared>>) target_semaphore(%run_scoped3A : memref<!tpu.dma_semaphore, #tpu.memory_space<semaphore_mem>>)
        %dma_wait3A_134 = arith.constant 0 : i32
        %dma_wait3A_135 = tpu.memref_slice %arg9[%add3A_124, %dma_wait3A_134] : memref<5120x128xf32, #tpu.memory_space<vmem_shared>> -> memref<16x128xf32, #tpu.memory_space<vmem_shared>>
        %dma_wait3A_136 = arith.constant 0 : i32
        %dma_wait3A_137 = tpu.memref_slice %arg9[%add3A_124, %dma_wait3A_136] : memref<5120x128xf32, #tpu.memory_space<vmem_shared>> -> memref<16x128xf32, #tpu.memory_space<vmem_shared>>
        tpu.wait_dma2 semaphore(%run_scoped3A : memref<!tpu.dma_semaphore, #tpu.memory_space<semaphore_mem>>) src(%arg24 : memref<16x128xf32, #tpu.memory_space<vmem>>) dst(%dma_wait3A_137 : memref<16x128xf32, #tpu.memory_space<vmem_shared>>)
        tpu.yield
      }) : () -> ()
      %mul3A_125 = arith.constant 320 : i32
      %mul3A_126 = arith.muli %arg1, %mul3A_125 : i32
      %mul3A_127 = arith.constant 16 : i32
      %mul3A_128 = arith.muli %scan3A_119, %mul3A_127 : i32
      %add3A_129 = arith.addi %mul3A_126, %mul3A_128 : i32
      "tpu.region"() ({
        %run_scoped3A = tpu.sem_alloc : memref<!tpu.dma_semaphore, #tpu.memory_space<semaphore_mem>>
        %dma_start3A_130 = arith.constant 0 : i32
        %dma_start3A_131 = tpu.memref_slice %arg10[%add3A_129, %dma_start3A_130] : memref<5120x128xf32, #tpu.memory_space<vmem_shared>> -> memref<16x128xf32, #tpu.memory_space<vmem_shared>>
        %dma_start3A_132 = arith.constant 0 : i32
        %dma_start3A_133 = tpu.memref_slice %arg10[%add3A_129, %dma_start3A_132] : memref<5120x128xf32, #tpu.memory_space<vmem_shared>> -> memref<16x128xf32, #tpu.memory_space<vmem_shared>>
        tpu.enqueue_dma source(%arg24 : memref<16x128xf32, #tpu.memory_space<vmem>>) target(%dma_start3A_133 : memref<16x128xf32, #tpu.memory_space<vmem_shared>>) target_semaphore(%run_scoped3A : memref<!tpu.dma_semaphore, #tpu.memory_space<semaphore_mem>>)
        %dma_wait3A_134 = arith.constant 0 : i32
        %dma_wait3A_135 = tpu.memref_slice %arg10[%add3A_129, %dma_wait3A_134] : memref<5120x128xf32, #tpu.memory_space<vmem_shared>> -> memref<16x128xf32, #tpu.memory_space<vmem_shared>>
        %dma_wait3A_136 = arith.constant 0 : i32
        %dma_wait3A_137 = tpu.memref_slice %arg10[%add3A_129, %dma_wait3A_136] : memref<5120x128xf32, #tpu.memory_space<vmem_shared>> -> memref<16x128xf32, #tpu.memory_space<vmem_shared>>
        tpu.wait_dma2 semaphore(%run_scoped3A : memref<!tpu.dma_semaphore, #tpu.memory_space<semaphore_mem>>) src(%arg24 : memref<16x128xf32, #tpu.memory_space<vmem>>) dst(%dma_wait3A_137 : memref<16x128xf32, #tpu.memory_space<vmem_shared>>)
        tpu.yield
      }) : () -> ()
    }
    %scan3A_34 = arith.constant 20 : i32
    %scan3A_35 = arith.constant 0 : i32
    %scan3A_36 = arith.constant 0 : i32
    %scan3A_37 = arith.constant 32 : i32
    %scan3A_38 = arith.addi %scan3A_36, %scan3A_37 : i32
    %scan3A_39 = arith.constant 1 : i32
    scf.for %scan3A_119 = %scan3A_36 to %scan3A_38 step %scan3A_39  : i32 {
      %swap3A_120 = arith.index_cast %scan3A_119 : i32 to index
      %swap3A_121 = arith.constant 80 : index
      %swap3A_122 = tpu.vector_load %arg23[%swap3A_120, %swap3A_121] {strides = array<i32>} : memref<32x128xf32, #tpu.memory_space<vmem>>, vector<1x16xf32>,
      %swap3A_123 = vector.shape_cast %swap3A_122 : vector<1x16xf32> to vector<16xf32>
      %swap3A_124 = vector.shape_cast %broadcast_in_dim3A_0 : vector<16xf32> to vector<1x16xf32>
      tpu.vector_store %arg23[%swap3A_120, %swap3A_121], %swap3A_124 {strides = array<i32>} : memref<32x128xf32, #tpu.memory_space<vmem>>, vector<1x16xf32>,
      %swap3A_125 = arith.index_cast %scan3A_119 : i32 to index
      %swap3A_126 = arith.constant 96 : index
      %swap3A_127 = tpu.vector_load %arg23[%swap3A_125, %swap3A_126] {strides = array<i32>} : memref<32x128xf32, #tpu.memory_space<vmem>>, vector<1x16xf32>,
      %swap3A_128 = vector.shape_cast %swap3A_127 : vector<1x16xf32> to vector<16xf32>
      %swap3A_129 = vector.shape_cast %broadcast_in_dim3A_0 : vector<16xf32> to vector<1x16xf32>
      tpu.vector_store %arg23[%swap3A_125, %swap3A_126], %swap3A_129 {strides = array<i32>} : memref<32x128xf32, #tpu.memory_space<vmem>>, vector<1x16xf32>,
      %swap3A_130 = arith.index_cast %scan3A_119 : i32 to index
      %swap3A_131 = arith.constant 112 : index
      %swap3A_132 = tpu.vector_load %arg23[%swap3A_130, %swap3A_131] {strides = array<i32>} : memref<32x128xf32, #tpu.memory_space<vmem>>, vector<1x16xf32>,
      %swap3A_133 = vector.shape_cast %swap3A_132 : vector<1x16xf32> to vector<16xf32>
      %swap3A_134 = vector.shape_cast %broadcast_in_dim3A_0 : vector<16xf32> to vector<1x16xf32>
      tpu.vector_store %arg23[%swap3A_130, %swap3A_131], %swap3A_134 {strides = array<i32>} : memref<32x128xf32, #tpu.memory_space<vmem>>, vector<1x16xf32>,
    }
    %scan3A_40 = arith.constant 32 : i32
    %barrier3A = arith.constant 0 : index
    tpu.barrier barrier_id(%barrier3A)
    %scan3A_41 = arith.constant 0 : i32
    %scan3A_42 = arith.constant 0 : i32
    %scan3A_43 = arith.constant 312 : i32
    %scan3A_44 = arith.addi %scan3A_42, %scan3A_43 : i32
    %scan3A_45 = arith.constant 1 : i32
    scf.for %scan3A_119 = %scan3A_42 to %scan3A_44 step %scan3A_45  : i32 {
      %mul3A_120 = arith.constant 2 : i32
      %mul3A_121 = arith.muli %mul3A_120, %scan3A_119 : i32
      %mul3A_122 = arith.constant 16 : i32
      %mul3A_123 = arith.muli %mul3A_122, %mul3A_121 : i32
      %add3A_124 = arith.addi %arg1, %mul3A_123 : i32
      %mul3A_125 = arith.constant 32 : i32
      %mul3A_126 = arith.muli %add3A_124, %mul3A_125 : i32
      %dma_start3A_127 = tpu.memref_slice %arg5[%mul3A_126] : memref<320000xi32, #tpu.memory_space<hbm>> -> memref<32xi32, #tpu.memory_space<hbm>>
      %dma_start3A_128 = tpu.memref_slice %arg5[%mul3A_126] : memref<320000xi32, #tpu.memory_space<hbm>> -> memref<32xi32, #tpu.memory_space<hbm>>
      tpu.enqueue_dma source(%dma_start3A_128 : memref<32xi32, #tpu.memory_space<hbm>>) target(%arg11 : memref<32xi32, #tpu.memory_space<vmem>>) target_semaphore(%arg25 : memref<!tpu.dma_semaphore, #tpu.memory_space<semaphore_mem>>)
      %dma_start3A_129 = tpu.memref_slice %arg6[%mul3A_126] : memref<320000xi32, #tpu.memory_space<hbm>> -> memref<32xi32, #tpu.memory_space<hbm>>
      %dma_start3A_130 = tpu.memref_slice %arg6[%mul3A_126] : memref<320000xi32, #tpu.memory_space<hbm>> -> memref<32xi32, #tpu.memory_space<hbm>>
      tpu.enqueue_dma source(%dma_start3A_130 : memref<32xi32, #tpu.memory_space<hbm>>) target(%arg13 : memref<32xi32, #tpu.memory_space<vmem>>) target_semaphore(%arg25 : memref<!tpu.dma_semaphore, #tpu.memory_space<semaphore_mem>>)
      %mul3A_131 = arith.constant 16 : i32
      %mul3A_132 = arith.muli %mul3A_126, %mul3A_131 : i32
      %dma_start3A_133 = tpu.memref_slice %arg4[%mul3A_132] : memref<5120000xf32, #tpu.memory_space<hbm>> -> memref<512xf32, #tpu.memory_space<hbm>>
      %dma_start3A_134 = tpu.memref_slice %arg4[%mul3A_132] : memref<5120000xf32, #tpu.memory_space<hbm>> -> memref<512xf32, #tpu.memory_space<hbm>>
      tpu.enqueue_dma source(%dma_start3A_134 : memref<512xf32, #tpu.memory_space<hbm>>) target(%arg16 : memref<512xf32, #tpu.memory_space<vmem>>) target_semaphore(%arg25 : memref<!tpu.dma_semaphore, #tpu.memory_space<semaphore_mem>>)
      %mul3A_135 = arith.constant 2 : i32
      %mul3A_136 = arith.muli %mul3A_135, %scan3A_119 : i32
      %add3A_137 = arith.constant 1 : i32
      %add3A_138 = arith.addi %mul3A_136, %add3A_137 : i32
      %mul3A_139 = arith.constant 16 : i32
      %mul3A_140 = arith.muli %mul3A_139, %add3A_138 : i32
      %add3A_141 = arith.addi %arg1, %mul3A_140 : i32
      %mul3A_142 = arith.constant 32 : i32
      %mul3A_143 = arith.muli %add3A_141, %mul3A_142 : i32
      %dma_start3A_144 = tpu.memref_slice %arg5[%mul3A_143] : memref<320000xi32, #tpu.memory_space<hbm>> -> memref<32xi32, #tpu.memory_space<hbm>>
      %dma_start3A_145 = tpu.memref_slice %arg5[%mul3A_143] : memref<320000xi32, #tpu.memory_space<hbm>> -> memref<32xi32, #tpu.memory_space<hbm>>
      tpu.enqueue_dma source(%dma_start3A_145 : memref<32xi32, #tpu.memory_space<hbm>>) target(%arg12 : memref<32xi32, #tpu.memory_space<vmem>>) target_semaphore(%arg26 : memref<!tpu.dma_semaphore, #tpu.memory_space<semaphore_mem>>)
      %dma_start3A_146 = tpu.memref_slice %arg6[%mul3A_143] : memref<320000xi32, #tpu.memory_space<hbm>> -> memref<32xi32, #tpu.memory_space<hbm>>
      %dma_start3A_147 = tpu.memref_slice %arg6[%mul3A_143] : memref<320000xi32, #tpu.memory_space<hbm>> -> memref<32xi32, #tpu.memory_space<hbm>>
      tpu.enqueue_dma source(%dma_start3A_147 : memref<32xi32, #tpu.memory_space<hbm>>) target(%arg14 : memref<32xi32, #tpu.memory_space<vmem>>) target_semaphore(%arg26 : memref<!tpu.dma_semaphore, #tpu.memory_space<semaphore_mem>>)
      %mul3A_148 = arith.constant 16 : i32
      %mul3A_149 = arith.muli %mul3A_143, %mul3A_148 : i32
      %dma_start3A_150 = tpu.memref_slice %arg4[%mul3A_149] : memref<5120000xf32, #tpu.memory_space<hbm>> -> memref<512xf32, #tpu.memory_space<hbm>>
      %dma_start3A_151 = tpu.memref_slice %arg4[%mul3A_149] : memref<5120000xf32, #tpu.memory_space<hbm>> -> memref<512xf32, #tpu.memory_space<hbm>>
      tpu.enqueue_dma source(%dma_start3A_151 : memref<512xf32, #tpu.memory_space<hbm>>) target(%arg17 : memref<512xf32, #tpu.memory_space<vmem>>) target_semaphore(%arg26 : memref<!tpu.dma_semaphore, #tpu.memory_space<semaphore_mem>>)
      %dma_wait3A_152 = tpu.memref_slice %arg5[%mul3A_126] : memref<320000xi32, #tpu.memory_space<hbm>> -> memref<32xi32, #tpu.memory_space<hbm>>
      %dma_wait3A_153 = tpu.memref_slice %arg5[%mul3A_126] : memref<320000xi32, #tpu.memory_space<hbm>> -> memref<32xi32, #tpu.memory_space<hbm>>
      tpu.wait_dma2 semaphore(%arg25 : memref<!tpu.dma_semaphore, #tpu.memory_space<semaphore_mem>>) src(%dma_wait3A_153 : memref<32xi32, #tpu.memory_space<hbm>>) dst(%arg11 : memref<32xi32, #tpu.memory_space<vmem>>)
      %dma_wait3A_154 = tpu.memref_slice %arg6[%mul3A_126] : memref<320000xi32, #tpu.memory_space<hbm>> -> memref<32xi32, #tpu.memory_space<hbm>>
      %dma_wait3A_155 = tpu.memref_slice %arg6[%mul3A_126] : memref<320000xi32, #tpu.memory_space<hbm>> -> memref<32xi32, #tpu.memory_space<hbm>>
      tpu.wait_dma2 semaphore(%arg25 : memref<!tpu.dma_semaphore, #tpu.memory_space<semaphore_mem>>) src(%dma_wait3A_155 : memref<32xi32, #tpu.memory_space<hbm>>) dst(%arg13 : memref<32xi32, #tpu.memory_space<vmem>>)
      %dma_wait3A_156 = tpu.memref_slice %arg4[%mul3A_132] : memref<5120000xf32, #tpu.memory_space<hbm>> -> memref<512xf32, #tpu.memory_space<hbm>>
      %dma_wait3A_157 = tpu.memref_slice %arg4[%mul3A_132] : memref<5120000xf32, #tpu.memory_space<hbm>> -> memref<512xf32, #tpu.memory_space<hbm>>
      tpu.wait_dma2 semaphore(%arg25 : memref<!tpu.dma_semaphore, #tpu.memory_space<semaphore_mem>>) src(%dma_wait3A_157 : memref<512xf32, #tpu.memory_space<hbm>>) dst(%arg16 : memref<512xf32, #tpu.memory_space<vmem>>)
      %dma_start3A_158 = arith.constant 0 : i32
      %dma_start3A_159 = arith.constant 0 : i32
      %dma_start3A_160 = tpu.memref_slice %arg3[%dma_start3A_158, %dma_start3A_159] : memref<10000x256xf32, #tpu.memory_space<hbm>> -> memref<10000x256xf32, #tpu.memory_space<hbm>>
      tpu.enqueue_indirect_dma source(%dma_start3A_160 : memref<10000x256xf32, #tpu.memory_space<hbm>>) target(%arg18 : memref<32x256xf32, #tpu.memory_space<vmem>>) offsets(%arg11 : memref<32xi32, #tpu.memory_space<vmem>>) semaphore(%arg27 : memref<!tpu.dma_semaphore, #tpu.memory_space<semaphore_mem>>)
      %dma_start3A_161 = arith.constant 0 : i32
      %dma_start3A_162 = arith.constant 0 : i32
      %dma_start3A_163 = tpu.memref_slice %arg2[%dma_start3A_161, %dma_start3A_162] : memref<10000x256xf32, #tpu.memory_space<hbm>> -> memref<10000x256xf32, #tpu.memory_space<hbm>>
      tpu.enqueue_indirect_dma source(%dma_start3A_163 : memref<10000x256xf32, #tpu.memory_space<hbm>>) target(%arg20 : memref<32x256xf32, #tpu.memory_space<vmem>>) offsets(%arg13 : memref<32xi32, #tpu.memory_space<vmem>>) semaphore(%arg29 : memref<!tpu.dma_semaphore, #tpu.memory_space<semaphore_mem>>)
      %dma_wait3A_164 = tpu.memref_slice %arg5[%mul3A_143] : memref<320000xi32, #tpu.memory_space<hbm>> -> memref<32xi32, #tpu.memory_space<hbm>>
      %dma_wait3A_165 = tpu.memref_slice %arg5[%mul3A_143] : memref<320000xi32, #tpu.memory_space<hbm>> -> memref<32xi32, #tpu.memory_space<hbm>>
      tpu.wait_dma2 semaphore(%arg26 : memref<!tpu.dma_semaphore, #tpu.memory_space<semaphore_mem>>) src(%dma_wait3A_165 : memref<32xi32, #tpu.memory_space<hbm>>) dst(%arg12 : memref<32xi32, #tpu.memory_space<vmem>>)
      %dma_wait3A_166 = tpu.memref_slice %arg6[%mul3A_143] : memref<320000xi32, #tpu.memory_space<hbm>> -> memref<32xi32, #tpu.memory_space<hbm>>
      %dma_wait3A_167 = tpu.memref_slice %arg6[%mul3A_143] : memref<320000xi32, #tpu.memory_space<hbm>> -> memref<32xi32, #tpu.memory_space<hbm>>
      tpu.wait_dma2 semaphore(%arg26 : memref<!tpu.dma_semaphore, #tpu.memory_space<semaphore_mem>>) src(%dma_wait3A_167 : memref<32xi32, #tpu.memory_space<hbm>>) dst(%arg14 : memref<32xi32, #tpu.memory_space<vmem>>)
      %dma_wait3A_168 = tpu.memref_slice %arg4[%mul3A_149] : memref<5120000xf32, #tpu.memory_space<hbm>> -> memref<512xf32, #tpu.memory_space<hbm>>
      %dma_wait3A_169 = tpu.memref_slice %arg4[%mul3A_149] : memref<5120000xf32, #tpu.memory_space<hbm>> -> memref<512xf32, #tpu.memory_space<hbm>>
      tpu.wait_dma2 semaphore(%arg26 : memref<!tpu.dma_semaphore, #tpu.memory_space<semaphore_mem>>) src(%dma_wait3A_169 : memref<512xf32, #tpu.memory_space<hbm>>) dst(%arg17 : memref<512xf32, #tpu.memory_space<vmem>>)
      %dma_start3A_170 = arith.constant 0 : i32
      %dma_start3A_171 = arith.constant 0 : i32
      %dma_start3A_172 = tpu.memref_slice %arg3[%dma_start3A_170, %dma_start3A_171] : memref<10000x256xf32, #tpu.memory_space<hbm>> -> memref<10000x256xf32, #tpu.memory_space<hbm>>
      tpu.enqueue_indirect_dma source(%dma_start3A_172 : memref<10000x256xf32, #tpu.memory_space<hbm>>) target(%arg19 : memref<32x256xf32, #tpu.memory_space<vmem>>) offsets(%arg12 : memref<32xi32, #tpu.memory_space<vmem>>) semaphore(%arg28 : memref<!tpu.dma_semaphore, #tpu.memory_space<semaphore_mem>>)
      %dma_start3A_173 = arith.constant 0 : i32
      %dma_start3A_174 = arith.constant 0 : i32
      %dma_start3A_175 = tpu.memref_slice %arg2[%dma_start3A_173, %dma_start3A_174] : memref<10000x256xf32, #tpu.memory_space<hbm>> -> memref<10000x256xf32, #tpu.memory_space<hbm>>
      tpu.enqueue_indirect_dma source(%dma_start3A_175 : memref<10000x256xf32, #tpu.memory_space<hbm>>) target(%arg21 : memref<32x256xf32, #tpu.memory_space<vmem>>) offsets(%arg14 : memref<32xi32, #tpu.memory_space<vmem>>) semaphore(%arg30 : memref<!tpu.dma_semaphore, #tpu.memory_space<semaphore_mem>>)
      %dma_wait3A_176 = arith.constant 0 : i32
      %dma_wait3A_177 = arith.constant 0 : i32
      %dma_wait3A_178 = tpu.memref_slice %arg3[%dma_wait3A_176, %dma_wait3A_177] : memref<10000x256xf32, #tpu.memory_space<hbm>> -> memref<10000x256xf32, #tpu.memory_space<hbm>>
      tpu.wait_indirect_dma semaphore(%arg27 : memref<!tpu.dma_semaphore, #tpu.memory_space<semaphore_mem>>) src(%dma_wait3A_178 : memref<10000x256xf32, #tpu.memory_space<hbm>>) dst(%arg18 : memref<32x256xf32, #tpu.memory_space<vmem>>)
      %dma_wait3A_179 = arith.constant 0 : i32
      %dma_wait3A_180 = arith.constant 0 : i32
      %dma_wait3A_181 = tpu.memref_slice %arg2[%dma_wait3A_179, %dma_wait3A_180] : memref<10000x256xf32, #tpu.memory_space<hbm>> -> memref<10000x256xf32, #tpu.memory_space<hbm>>
      tpu.wait_indirect_dma semaphore(%arg29 : memref<!tpu.dma_semaphore, #tpu.memory_space<semaphore_mem>>) src(%dma_wait3A_181 : memref<10000x256xf32, #tpu.memory_space<hbm>>) dst(%arg20 : memref<32x256xf32, #tpu.memory_space<vmem>>)
      %get3A_182 = arith.constant 0 : index
      %get3A_183 = tpu.vector_load %arg13[%get3A_182] {strides = array<i32>} : memref<32xi32, #tpu.memory_space<vmem>>, vector<16xi32>,
      %get3A_184 = vector.shape_cast %get3A_183 : vector<16xi32> to vector<16xi32>
      %sub3A_185 = vector.broadcast %mul3A_23 : i32 to vector<16xi32>
      %sub3A_186 = arith.subi %get3A_184, %sub3A_185 : vector<16xi32>
      %ge3A_187 = arith.constant 0 : i32
      %ge3A_188 = vector.broadcast %ge3A_187 : i32 to vector<16xi32>
      %ge3A_189 = arith.cmpi sge, %sub3A_186, %ge3A_188 : vector<16xi32>
      %lt3A_190 = arith.constant 5000 : i32
      %lt3A_191 = vector.broadcast %lt3A_190 : i32 to vector<16xi32>
      %lt3A_192 = arith.cmpi slt, %sub3A_186, %lt3A_191 : vector<16xi32>
      %and3A_193 = arith.andi %ge3A_189, %lt3A_192 : vector<16xi1>
      %jit3A_194 = arith.constant 5000 : i32
      %broadcast_in_dim3A_195 = vector.broadcast %jit3A_194 : i32 to vector<16xi32>
      %select_n3A_196 = arith.select %and3A_193, %sub3A_186, %broadcast_in_dim3A_195 : vector<16xi1>, vector<16xi32>
      %swap3A_197 = arith.constant 0 : index
      %swap3A_198 = tpu.vector_load %arg15[%swap3A_197] {strides = array<i32>} : memref<32xi32, #tpu.memory_space<vmem>>, vector<16xi32>,
      %swap3A_199 = vector.shape_cast %swap3A_198 : vector<16xi32> to vector<16xi32>
      %swap3A_200 = vector.shape_cast %select_n3A_196 : vector<16xi32> to vector<16xi32>
      tpu.vector_store %arg15[%swap3A_197], %swap3A_200 {strides = array<i32>} : memref<32xi32, #tpu.memory_space<vmem>>, vector<16xi32>,
      %get3A_201 = arith.constant 16 : index
      %get3A_202 = tpu.vector_load %arg13[%get3A_201] {strides = array<i32>} : memref<32xi32, #tpu.memory_space<vmem>>, vector<16xi32>,
      %get3A_203 = vector.shape_cast %get3A_202 : vector<16xi32> to vector<16xi32>
      %sub3A_204 = vector.broadcast %mul3A_23 : i32 to vector<16xi32>
      %sub3A_205 = arith.subi %get3A_203, %sub3A_204 : vector<16xi32>
      %ge3A_206 = arith.constant 0 : i32
      %ge3A_207 = vector.broadcast %ge3A_206 : i32 to vector<16xi32>
      %ge3A_208 = arith.cmpi sge, %sub3A_205, %ge3A_207 : vector<16xi32>
      %lt3A_209 = arith.constant 5000 : i32
      %lt3A_210 = vector.broadcast %lt3A_209 : i32 to vector<16xi32>
      %lt3A_211 = arith.cmpi slt, %sub3A_205, %lt3A_210 : vector<16xi32>
      %and3A_212 = arith.andi %ge3A_208, %lt3A_211 : vector<16xi1>
      %jit3A_213 = arith.constant 5000 : i32
      %broadcast_in_dim3A_214 = vector.broadcast %jit3A_213 : i32 to vector<16xi32>
      %select_n3A_215 = arith.select %and3A_212, %sub3A_205, %broadcast_in_dim3A_214 : vector<16xi1>, vector<16xi32>
      %swap3A_216 = arith.constant 16 : index
      %swap3A_217 = tpu.vector_load %arg15[%swap3A_216] {strides = array<i32>} : memref<32xi32, #tpu.memory_space<vmem>>, vector<16xi32>,
      %swap3A_218 = vector.shape_cast %swap3A_217 : vector<16xi32> to vector<16xi32>
      %swap3A_219 = vector.shape_cast %select_n3A_215 : vector<16xi32> to vector<16xi32>
      tpu.vector_store %arg15[%swap3A_216], %swap3A_219 {strides = array<i32>} : memref<32xi32, #tpu.memory_space<vmem>>, vector<16xi32>,
      %scan3A_220 = arith.constant 0 : i32
      %scan3A_221 = arith.constant 0 : i32
      %scan3A_222 = arith.constant 32 : i32
      %scan3A_223 = arith.addi %scan3A_221, %scan3A_222 : i32
      %scan3A_224 = arith.constant 1 : i32
      scf.for %scan3A_276 = %scan3A_221 to %scan3A_223 step %scan3A_224  : i32 {
        %mul3A_277 = arith.constant 16 : i32
        %mul3A_278 = arith.muli %scan3A_276, %mul3A_277 : i32
        %get3A_279 = arith.index_cast %mul3A_278 : i32 to index
        %get3A_280 = tpu.vector_load %arg16[%get3A_279] {strides = array<i32>} : memref<512xf32, #tpu.memory_space<vmem>>, vector<16xf32>,
        %get3A_281 = vector.shape_cast %get3A_280 : vector<16xf32> to vector<16xf32>
        %get3A_282 = arith.index_cast %scan3A_276 : i32 to index
        %get3A_283 = arith.constant 0 : index
        %get3A_284 = tpu.vector_load %arg20[%get3A_282, %get3A_283] {strides = array<i32>} : memref<32x256xf32, #tpu.memory_space<vmem>>, vector<1x16xf32>,
        %get3A_285 = vector.shape_cast %get3A_284 : vector<1x16xf32> to vector<16xf32>
        %get3A_286 = arith.index_cast %scan3A_276 : i32 to index
        %get3A_287 = arith.constant 0 : index
        %get3A_288 = tpu.vector_load %arg18[%get3A_286, %get3A_287] {strides = array<i32>} : memref<32x256xf32, #tpu.memory_space<vmem>>, vector<1x16xf32>,
        %get3A_289 = vector.shape_cast %get3A_288 : vector<1x16xf32> to vector<16xf32>
        %mul3A_290 = arith.mulf %get3A_285, %get3A_289 : vector<16xf32>
        %get3A_291 = arith.index_cast %scan3A_276 : i32 to index
        %get3A_292 = arith.constant 16 : index
        %get3A_293 = tpu.vector_load %arg20[%get3A_291, %get3A_292] {strides = array<i32>} : memref<32x256xf32, #tpu.memory_space<vmem>>, vector<1x16xf32>,
        %get3A_294 = vector.shape_cast %get3A_293 : vector<1x16xf32> to vector<16xf32>
        %get3A_295 = arith.index_cast %scan3A_276 : i32 to index
        %get3A_296 = arith.constant 16 : index
        %get3A_297 = tpu.vector_load %arg18[%get3A_295, %get3A_296] {strides = array<i32>} : memref<32x256xf32, #tpu.memory_space<vmem>>, vector<1x16xf32>,
        %get3A_298 = vector.shape_cast %get3A_297 : vector<1x16xf32> to vector<16xf32>
        %mul3A_299 = arith.mulf %get3A_294, %get3A_298 : vector<16xf32>
        %add3A_300 = arith.addf %mul3A_290, %mul3A_299 : vector<16xf32>
        %get3A_301 = arith.index_cast %scan3A_276 : i32 to index
        %get3A_302 = arith.constant 128 : index
        %get3A_303 = tpu.vector_load %arg20[%get3A_301, %get3A_302] {strides = array<i32>} : memref<32x256xf32, #tpu.memory_space<vmem>>, vector<1x16xf32>,
        %get3A_304 = vector.shape_cast %get3A_303 : vector<1x16xf32> to vector<16xf32>
        %mul3A_305 = arith.mulf %get3A_281, %get3A_304 : vector<16xf32>
        %add3A_306 = arith.addf %add3A_300, %mul3A_305 : vector<16xf32>
        %lt3A_307 = arith.constant 0 : i32
        %lt3A_308 = vector.broadcast %lt3A_307 : i32 to vector<16xi32>
        %lt3A_309 = arith.cmpi slt, %and3A_4, %lt3A_308 : vector<16xi32>
        %add3A_310 = arith.constant 16 : i32
        %add3A_311 = vector.broadcast %add3A_310 : i32 to vector<16xi32>
        %add3A_312 = arith.addi %and3A_4, %add3A_311 : vector<16xi32>
        %select_n3A_313 = arith.select %lt3A_309, %add3A_312, %and3A_4 : vector<16xi1>, vector<16xi32>
        %broadcast_in_dim3A_314 = vector.shape_cast %select_n3A_313 : vector<16xi32> to vector<16x1xi32>
        %gather3A = vector.shape_cast %broadcast_in_dim3A_314 : vector<16x1xi32> to vector<16xi32>
        %gather3A_315 = tpu.dynamic_gather %add3A_306[%gather3A] in [0] : vector<16xf32>, vector<16xi32> -> vector<16xf32>
        %add3A_316 = arith.addf %add3A_306, %gather3A_315 : vector<16xf32>
        %lt3A_317 = arith.constant 0 : i32
        %lt3A_318 = vector.broadcast %lt3A_317 : i32 to vector<16xi32>
        %lt3A_319 = arith.cmpi slt, %and3A_10, %lt3A_318 : vector<16xi32>
        %add3A_320 = arith.constant 16 : i32
        %add3A_321 = vector.broadcast %add3A_320 : i32 to vector<16xi32>
        %add3A_322 = arith.addi %and3A_10, %add3A_321 : vector<16xi32>
        %select_n3A_323 = arith.select %lt3A_319, %add3A_322, %and3A_10 : vector<16xi1>, vector<16xi32>
        %broadcast_in_dim3A_324 = vector.shape_cast %select_n3A_323 : vector<16xi32> to vector<16x1xi32>
        %gather3A_325 = vector.shape_cast %broadcast_in_dim3A_324 : vector<16x1xi32> to vector<16xi32>
        %gather3A_326 = tpu.dynamic_gather %add3A_316[%gather3A_325] in [0] : vector<16xf32>, vector<16xi32> -> vector<16xf32>
        %add3A_327 = arith.addf %add3A_316, %gather3A_326 : vector<16xf32>
        %lt3A_328 = arith.constant 0 : i32
        %lt3A_329 = vector.broadcast %lt3A_328 : i32 to vector<16xi32>
        %lt3A_330 = arith.cmpi slt, %and3A_16, %lt3A_329 : vector<16xi32>
        %add3A_331 = arith.constant 16 : i32
        %add3A_332 = vector.broadcast %add3A_331 : i32 to vector<16xi32>
        %add3A_333 = arith.addi %and3A_16, %add3A_332 : vector<16xi32>
        %select_n3A_334 = arith.select %lt3A_330, %add3A_333, %and3A_16 : vector<16xi1>, vector<16xi32>
        %broadcast_in_dim3A_335 = vector.shape_cast %select_n3A_334 : vector<16xi32> to vector<16x1xi32>
        %gather3A_336 = vector.shape_cast %broadcast_in_dim3A_335 : vector<16x1xi32> to vector<16xi32>
        %gather3A_337 = tpu.dynamic_gather %add3A_327[%gather3A_336] in [0] : vector<16xf32>, vector<16xi32> -> vector<16xf32>
        %add3A_338 = arith.addf %add3A_327, %gather3A_337 : vector<16xf32>
        %lt3A_339 = arith.constant 0 : i32
        %lt3A_340 = vector.broadcast %lt3A_339 : i32 to vector<16xi32>
        %lt3A_341 = arith.cmpi slt, %and3A_22, %lt3A_340 : vector<16xi32>
        %add3A_342 = arith.constant 16 : i32
        %add3A_343 = vector.broadcast %add3A_342 : i32 to vector<16xi32>
        %add3A_344 = arith.addi %and3A_22, %add3A_343 : vector<16xi32>
        %select_n3A_345 = arith.select %lt3A_341, %add3A_344, %and3A_22 : vector<16xi1>, vector<16xi32>
        %broadcast_in_dim3A_346 = vector.shape_cast %select_n3A_345 : vector<16xi32> to vector<16x1xi32>
        %gather3A_347 = vector.shape_cast %broadcast_in_dim3A_346 : vector<16x1xi32> to vector<16xi32>
        %gather3A_348 = tpu.dynamic_gather %add3A_338[%gather3A_347] in [0] : vector<16xf32>, vector<16xi32> -> vector<16xf32>
        %add3A_349 = arith.addf %add3A_338, %gather3A_348 : vector<16xf32>
        %mul3A_350 = arith.constant 0.176776692 : f32
        %mul3A_351 = vector.broadcast %mul3A_350 : f32 to vector<16xf32>
        %mul3A_352 = arith.mulf %add3A_349, %mul3A_351 : vector<16xf32>
        %max3A = arith.constant -5.000000e+01 : f32
        %max3A_353 = vector.broadcast %max3A : f32 to vector<16xf32>
        %max3A_354 = arith.maximumf %mul3A_352, %max3A_353 : vector<16xf32>
        %min3A = arith.constant 5.000000e+01 : f32
        %min3A_355 = vector.broadcast %min3A : f32 to vector<16xf32>
        %min3A_356 = arith.minimumf %max3A_354, %min3A_355 : vector<16xf32>
        %exp3A = math.exp %min3A_356 : vector<16xf32>
        %get3A_357 = arith.index_cast %scan3A_276 : i32 to index
        %get3A_358 = arith.constant 128 : index
        %get3A_359 = tpu.vector_load %arg18[%get3A_357, %get3A_358] {strides = array<i32>} : memref<32x256xf32, #tpu.memory_space<vmem>>, vector<1x16xf32>,
        %get3A_360 = vector.shape_cast %get3A_359 : vector<1x16xf32> to vector<16xf32>
        %mul3A_361 = arith.mulf %exp3A, %get3A_360 : vector<16xf32>
        %swap3A_362 = arith.index_cast %scan3A_276 : i32 to index
        %swap3A_363 = arith.constant 0 : index
        %swap3A_364 = tpu.vector_load %arg22[%swap3A_362, %swap3A_363] {strides = array<i32>} : memref<32x128xf32, #tpu.memory_space<vmem>>, vector<1x16xf32>,
        %swap3A_365 = vector.shape_cast %swap3A_364 : vector<1x16xf32> to vector<16xf32>
        %swap3A_366 = vector.shape_cast %mul3A_361 : vector<16xf32> to vector<1x16xf32>
        tpu.vector_store %arg22[%swap3A_362, %swap3A_363], %swap3A_366 {strides = array<i32>} : memref<32x128xf32, #tpu.memory_space<vmem>>, vector<1x16xf32>,
        %get3A_367 = arith.index_cast %scan3A_276 : i32 to index
        %get3A_368 = arith.constant 144 : index
        %get3A_369 = tpu.vector_load %arg18[%get3A_367, %get3A_368] {strides = array<i32>} : memref<32x256xf32, #tpu.memory_space<vmem>>, vector<1x16xf32>,
        %get3A_370 = vector.shape_cast %get3A_369 : vector<1x16xf32> to vector<16xf32>
        %mul3A_371 = arith.mulf %exp3A, %get3A_370 : vector<16xf32>
        %swap3A_372 = arith.index_cast %scan3A_276 : i32 to index
        %swap3A_373 = arith.constant 16 : index
        %swap3A_374 = tpu.vector_load %arg22[%swap3A_372, %swap3A_373] {strides = array<i32>} : memref<32x128xf32, #tpu.memory_space<vmem>>, vector<1x16xf32>,
        %swap3A_375 = vector.shape_cast %swap3A_374 : vector<1x16xf32> to vector<16xf32>
        %swap3A_376 = vector.shape_cast %mul3A_371 : vector<16xf32> to vector<1x16xf32>
        tpu.vector_store %arg22[%swap3A_372, %swap3A_373], %swap3A_376 {strides = array<i32>} : memref<32x128xf32, #tpu.memory_space<vmem>>, vector<1x16xf32>,
        %mul3A_377 = arith.mulf %exp3A, %get3A_281 : vector<16xf32>
        %swap3A_378 = arith.index_cast %scan3A_276 : i32 to index
        %swap3A_379 = arith.constant 0 : index
        %swap3A_380 = tpu.vector_load %arg23[%swap3A_378, %swap3A_379] {strides = array<i32>} : memref<32x128xf32, #tpu.memory_space<vmem>>, vector<1x16xf32>,
        %swap3A_381 = vector.shape_cast %swap3A_380 : vector<1x16xf32> to vector<16xf32>
        %swap3A_382 = vector.shape_cast %mul3A_377 : vector<16xf32> to vector<1x16xf32>
        tpu.vector_store %arg23[%swap3A_378, %swap3A_379], %swap3A_382 {strides = array<i32>} : memref<32x128xf32, #tpu.memory_space<vmem>>, vector<1x16xf32>,
        %eq3A = arith.constant 0 : i32
        %eq3A_383 = vector.broadcast %eq3A : i32 to vector<16xi32>
        %eq3A_384 = arith.cmpi eq, %iota3A, %eq3A_383 : vector<16xi32>
        %select_n3A_385 = arith.select %eq3A_384, %exp3A, %broadcast_in_dim3A_0 : vector<16xi1>, vector<16xf32>
        %get3A_386 = arith.index_cast %scan3A_276 : i32 to index
        %get3A_387 = arith.constant 32 : index
        %get3A_388 = tpu.vector_load %arg20[%get3A_386, %get3A_387] {strides = array<i32>} : memref<32x256xf32, #tpu.memory_space<vmem>>, vector<1x16xf32>,
        %get3A_389 = vector.shape_cast %get3A_388 : vector<1x16xf32> to vector<16xf32>
        %get3A_390 = arith.index_cast %scan3A_276 : i32 to index
        %get3A_391 = arith.constant 32 : index
        %get3A_392 = tpu.vector_load %arg18[%get3A_390, %get3A_391] {strides = array<i32>} : memref<32x256xf32, #tpu.memory_space<vmem>>, vector<1x16xf32>,
        %get3A_393 = vector.shape_cast %get3A_392 : vector<1x16xf32> to vector<16xf32>
        %mul3A_394 = arith.mulf %get3A_389, %get3A_393 : vector<16xf32>
        %get3A_395 = arith.index_cast %scan3A_276 : i32 to index
        %get3A_396 = arith.constant 48 : index
        %get3A_397 = tpu.vector_load %arg20[%get3A_395, %get3A_396] {strides = array<i32>} : memref<32x256xf32, #tpu.memory_space<vmem>>, vector<1x16xf32>,
        %get3A_398 = vector.shape_cast %get3A_397 : vector<1x16xf32> to vector<16xf32>
        %get3A_399 = arith.index_cast %scan3A_276 : i32 to index
        %get3A_400 = arith.constant 48 : index
        %get3A_401 = tpu.vector_load %arg18[%get3A_399, %get3A_400] {strides = array<i32>} : memref<32x256xf32, #tpu.memory_space<vmem>>, vector<1x16xf32>,
        %get3A_402 = vector.shape_cast %get3A_401 : vector<1x16xf32> to vector<16xf32>
        %mul3A_403 = arith.mulf %get3A_398, %get3A_402 : vector<16xf32>
        %add3A_404 = arith.addf %mul3A_394, %mul3A_403 : vector<16xf32>
        %get3A_405 = arith.index_cast %scan3A_276 : i32 to index
        %get3A_406 = arith.constant 144 : index
        %get3A_407 = tpu.vector_load %arg20[%get3A_405, %get3A_406] {strides = array<i32>} : memref<32x256xf32, #tpu.memory_space<vmem>>, vector<1x16xf32>,
        %get3A_408 = vector.shape_cast %get3A_407 : vector<1x16xf32> to vector<16xf32>
        %mul3A_409 = arith.mulf %get3A_281, %get3A_408 : vector<16xf32>
        %add3A_410 = arith.addf %add3A_404, %mul3A_409 : vector<16xf32>
        %lt3A_411 = arith.constant 0 : i32
        %lt3A_412 = vector.broadcast %lt3A_411 : i32 to vector<16xi32>
        %lt3A_413 = arith.cmpi slt, %and3A_4, %lt3A_412 : vector<16xi32>
        %add3A_414 = arith.constant 16 : i32
        %add3A_415 = vector.broadcast %add3A_414 : i32 to vector<16xi32>
        %add3A_416 = arith.addi %and3A_4, %add3A_415 : vector<16xi32>
        %select_n3A_417 = arith.select %lt3A_413, %add3A_416, %and3A_4 : vector<16xi1>, vector<16xi32>
        %broadcast_in_dim3A_418 = vector.shape_cast %select_n3A_417 : vector<16xi32> to vector<16x1xi32>
        %gather3A_419 = vector.shape_cast %broadcast_in_dim3A_418 : vector<16x1xi32> to vector<16xi32>
        %gather3A_420 = tpu.dynamic_gather %add3A_410[%gather3A_419] in [0] : vector<16xf32>, vector<16xi32> -> vector<16xf32>
        %add3A_421 = arith.addf %add3A_410, %gather3A_420 : vector<16xf32>
        %lt3A_422 = arith.constant 0 : i32
        %lt3A_423 = vector.broadcast %lt3A_422 : i32 to vector<16xi32>
        %lt3A_424 = arith.cmpi slt, %and3A_10, %lt3A_423 : vector<16xi32>
        %add3A_425 = arith.constant 16 : i32
        %add3A_426 = vector.broadcast %add3A_425 : i32 to vector<16xi32>
        %add3A_427 = arith.addi %and3A_10, %add3A_426 : vector<16xi32>
        %select_n3A_428 = arith.select %lt3A_424, %add3A_427, %and3A_10 : vector<16xi1>, vector<16xi32>
        %broadcast_in_dim3A_429 = vector.shape_cast %select_n3A_428 : vector<16xi32> to vector<16x1xi32>
        %gather3A_430 = vector.shape_cast %broadcast_in_dim3A_429 : vector<16x1xi32> to vector<16xi32>
        %gather3A_431 = tpu.dynamic_gather %add3A_421[%gather3A_430] in [0] : vector<16xf32>, vector<16xi32> -> vector<16xf32>
        %add3A_432 = arith.addf %add3A_421, %gather3A_431 : vector<16xf32>
        %lt3A_433 = arith.constant 0 : i32
        %lt3A_434 = vector.broadcast %lt3A_433 : i32 to vector<16xi32>
        %lt3A_435 = arith.cmpi slt, %and3A_16, %lt3A_434 : vector<16xi32>
        %add3A_436 = arith.constant 16 : i32
        %add3A_437 = vector.broadcast %add3A_436 : i32 to vector<16xi32>
        %add3A_438 = arith.addi %and3A_16, %add3A_437 : vector<16xi32>
        %select_n3A_439 = arith.select %lt3A_435, %add3A_438, %and3A_16 : vector<16xi1>, vector<16xi32>
        %broadcast_in_dim3A_440 = vector.shape_cast %select_n3A_439 : vector<16xi32> to vector<16x1xi32>
        %gather3A_441 = vector.shape_cast %broadcast_in_dim3A_440 : vector<16x1xi32> to vector<16xi32>
        %gather3A_442 = tpu.dynamic_gather %add3A_432[%gather3A_441] in [0] : vector<16xf32>, vector<16xi32> -> vector<16xf32>
        %add3A_443 = arith.addf %add3A_432, %gather3A_442 : vector<16xf32>
        %lt3A_444 = arith.constant 0 : i32
        %lt3A_445 = vector.broadcast %lt3A_444 : i32 to vector<16xi32>
        %lt3A_446 = arith.cmpi slt, %and3A_22, %lt3A_445 : vector<16xi32>
        %add3A_447 = arith.constant 16 : i32
        %add3A_448 = vector.broadcast %add3A_447 : i32 to vector<16xi32>
        %add3A_449 = arith.addi %and3A_22, %add3A_448 : vector<16xi32>
        %select_n3A_450 = arith.select %lt3A_446, %add3A_449, %and3A_22 : vector<16xi1>, vector<16xi32>
        %broadcast_in_dim3A_451 = vector.shape_cast %select_n3A_450 : vector<16xi32> to vector<16x1xi32>
        %gather3A_452 = vector.shape_cast %broadcast_in_dim3A_451 : vector<16x1xi32> to vector<16xi32>
        %gather3A_453 = tpu.dynamic_gather %add3A_443[%gather3A_452] in [0] : vector<16xf32>, vector<16xi32> -> vector<16xf32>
        %add3A_454 = arith.addf %add3A_443, %gather3A_453 : vector<16xf32>
        %mul3A_455 = arith.constant 0.176776692 : f32
        %mul3A_456 = vector.broadcast %mul3A_455 : f32 to vector<16xf32>
        %mul3A_457 = arith.mulf %add3A_454, %mul3A_456 : vector<16xf32>
        %max3A_458 = arith.constant -5.000000e+01 : f32
        %max3A_459 = vector.broadcast %max3A_458 : f32 to vector<16xf32>
        %max3A_460 = arith.maximumf %mul3A_457, %max3A_459 : vector<16xf32>
        %min3A_461 = arith.constant 5.000000e+01 : f32
        %min3A_462 = vector.broadcast %min3A_461 : f32 to vector<16xf32>
        %min3A_463 = arith.minimumf %max3A_460, %min3A_462 : vector<16xf32>
        %exp3A_464 = math.exp %min3A_463 : vector<16xf32>
        %get3A_465 = arith.index_cast %scan3A_276 : i32 to index
        %get3A_466 = arith.constant 160 : index
        %get3A_467 = tpu.vector_load %arg18[%get3A_465, %get3A_466] {strides = array<i32>} : memref<32x256xf32, #tpu.memory_space<vmem>>, vector<1x16xf32>,
        %get3A_468 = vector.shape_cast %get3A_467 : vector<1x16xf32> to vector<16xf32>
        %mul3A_469 = arith.mulf %exp3A_464, %get3A_468 : vector<16xf32>
        %swap3A_470 = arith.index_cast %scan3A_276 : i32 to index
        %swap3A_471 = arith.constant 32 : index
        %swap3A_472 = tpu.vector_load %arg22[%swap3A_470, %swap3A_471] {strides = array<i32>} : memref<32x128xf32, #tpu.memory_space<vmem>>, vector<1x16xf32>,
        %swap3A_473 = vector.shape_cast %swap3A_472 : vector<1x16xf32> to vector<16xf32>
        %swap3A_474 = vector.shape_cast %mul3A_469 : vector<16xf32> to vector<1x16xf32>
        tpu.vector_store %arg22[%swap3A_470, %swap3A_471], %swap3A_474 {strides = array<i32>} : memref<32x128xf32, #tpu.memory_space<vmem>>, vector<1x16xf32>,
        %get3A_475 = arith.index_cast %scan3A_276 : i32 to index
        %get3A_476 = arith.constant 176 : index
        %get3A_477 = tpu.vector_load %arg18[%get3A_475, %get3A_476] {strides = array<i32>} : memref<32x256xf32, #tpu.memory_space<vmem>>, vector<1x16xf32>,
        %get3A_478 = vector.shape_cast %get3A_477 : vector<1x16xf32> to vector<16xf32>
        %mul3A_479 = arith.mulf %exp3A_464, %get3A_478 : vector<16xf32>
        %swap3A_480 = arith.index_cast %scan3A_276 : i32 to index
        %swap3A_481 = arith.constant 48 : index
        %swap3A_482 = tpu.vector_load %arg22[%swap3A_480, %swap3A_481] {strides = array<i32>} : memref<32x128xf32, #tpu.memory_space<vmem>>, vector<1x16xf32>,
        %swap3A_483 = vector.shape_cast %swap3A_482 : vector<1x16xf32> to vector<16xf32>
        %swap3A_484 = vector.shape_cast %mul3A_479 : vector<16xf32> to vector<1x16xf32>
        tpu.vector_store %arg22[%swap3A_480, %swap3A_481], %swap3A_484 {strides = array<i32>} : memref<32x128xf32, #tpu.memory_space<vmem>>, vector<1x16xf32>,
        %mul3A_485 = arith.mulf %exp3A_464, %get3A_281 : vector<16xf32>
        %swap3A_486 = arith.index_cast %scan3A_276 : i32 to index
        %swap3A_487 = arith.constant 16 : index
        %swap3A_488 = tpu.vector_load %arg23[%swap3A_486, %swap3A_487] {strides = array<i32>} : memref<32x128xf32, #tpu.memory_space<vmem>>, vector<1x16xf32>,
        %swap3A_489 = vector.shape_cast %swap3A_488 : vector<1x16xf32> to vector<16xf32>
        %swap3A_490 = vector.shape_cast %mul3A_485 : vector<16xf32> to vector<1x16xf32>
        tpu.vector_store %arg23[%swap3A_486, %swap3A_487], %swap3A_490 {strides = array<i32>} : memref<32x128xf32, #tpu.memory_space<vmem>>, vector<1x16xf32>,
        %eq3A_491 = arith.constant 1 : i32
        %eq3A_492 = vector.broadcast %eq3A_491 : i32 to vector<16xi32>
        %eq3A_493 = arith.cmpi eq, %iota3A, %eq3A_492 : vector<16xi32>
        %select_n3A_494 = arith.select %eq3A_493, %exp3A_464, %select_n3A_385 : vector<16xi1>, vector<16xf32>
        %get3A_495 = arith.index_cast %scan3A_276 : i32 to index
        %get3A_496 = arith.constant 64 : index
        %get3A_497 = tpu.vector_load %arg20[%get3A_495, %get3A_496] {strides = array<i32>} : memref<32x256xf32, #tpu.memory_space<vmem>>, vector<1x16xf32>,
        %get3A_498 = vector.shape_cast %get3A_497 : vector<1x16xf32> to vector<16xf32>
        %get3A_499 = arith.index_cast %scan3A_276 : i32 to index
        %get3A_500 = arith.constant 64 : index
        %get3A_501 = tpu.vector_load %arg18[%get3A_499, %get3A_500] {strides = array<i32>} : memref<32x256xf32, #tpu.memory_space<vmem>>, vector<1x16xf32>,
        %get3A_502 = vector.shape_cast %get3A_501 : vector<1x16xf32> to vector<16xf32>
        %mul3A_503 = arith.mulf %get3A_498, %get3A_502 : vector<16xf32>
        %get3A_504 = arith.index_cast %scan3A_276 : i32 to index
        %get3A_505 = arith.constant 80 : index
        %get3A_506 = tpu.vector_load %arg20[%get3A_504, %get3A_505] {strides = array<i32>} : memref<32x256xf32, #tpu.memory_space<vmem>>, vector<1x16xf32>,
        %get3A_507 = vector.shape_cast %get3A_506 : vector<1x16xf32> to vector<16xf32>
        %get3A_508 = arith.index_cast %scan3A_276 : i32 to index
        %get3A_509 = arith.constant 80 : index
        %get3A_510 = tpu.vector_load %arg18[%get3A_508, %get3A_509] {strides = array<i32>} : memref<32x256xf32, #tpu.memory_space<vmem>>, vector<1x16xf32>,
        %get3A_511 = vector.shape_cast %get3A_510 : vector<1x16xf32> to vector<16xf32>
        %mul3A_512 = arith.mulf %get3A_507, %get3A_511 : vector<16xf32>
        %add3A_513 = arith.addf %mul3A_503, %mul3A_512 : vector<16xf32>
        %get3A_514 = arith.index_cast %scan3A_276 : i32 to index
        %get3A_515 = arith.constant 160 : index
        %get3A_516 = tpu.vector_load %arg20[%get3A_514, %get3A_515] {strides = array<i32>} : memref<32x256xf32, #tpu.memory_space<vmem>>, vector<1x16xf32>,
        %get3A_517 = vector.shape_cast %get3A_516 : vector<1x16xf32> to vector<16xf32>
        %mul3A_518 = arith.mulf %get3A_281, %get3A_517 : vector<16xf32>
        %add3A_519 = arith.addf %add3A_513, %mul3A_518 : vector<16xf32>
        %lt3A_520 = arith.constant 0 : i32
        %lt3A_521 = vector.broadcast %lt3A_520 : i32 to vector<16xi32>
        %lt3A_522 = arith.cmpi slt, %and3A_4, %lt3A_521 : vector<16xi32>
        %add3A_523 = arith.constant 16 : i32
        %add3A_524 = vector.broadcast %add3A_523 : i32 to vector<16xi32>
        %add3A_525 = arith.addi %and3A_4, %add3A_524 : vector<16xi32>
        %select_n3A_526 = arith.select %lt3A_522, %add3A_525, %and3A_4 : vector<16xi1>, vector<16xi32>
        %broadcast_in_dim3A_527 = vector.shape_cast %select_n3A_526 : vector<16xi32> to vector<16x1xi32>
        %gather3A_528 = vector.shape_cast %broadcast_in_dim3A_527 : vector<16x1xi32> to vector<16xi32>
        %gather3A_529 = tpu.dynamic_gather %add3A_519[%gather3A_528] in [0] : vector<16xf32>, vector<16xi32> -> vector<16xf32>
        %add3A_530 = arith.addf %add3A_519, %gather3A_529 : vector<16xf32>
        %lt3A_531 = arith.constant 0 : i32
        %lt3A_532 = vector.broadcast %lt3A_531 : i32 to vector<16xi32>
        %lt3A_533 = arith.cmpi slt, %and3A_10, %lt3A_532 : vector<16xi32>
        %add3A_534 = arith.constant 16 : i32
        %add3A_535 = vector.broadcast %add3A_534 : i32 to vector<16xi32>
        %add3A_536 = arith.addi %and3A_10, %add3A_535 : vector<16xi32>
        %select_n3A_537 = arith.select %lt3A_533, %add3A_536, %and3A_10 : vector<16xi1>, vector<16xi32>
        %broadcast_in_dim3A_538 = vector.shape_cast %select_n3A_537 : vector<16xi32> to vector<16x1xi32>
        %gather3A_539 = vector.shape_cast %broadcast_in_dim3A_538 : vector<16x1xi32> to vector<16xi32>
        %gather3A_540 = tpu.dynamic_gather %add3A_530[%gather3A_539] in [0] : vector<16xf32>, vector<16xi32> -> vector<16xf32>
        %add3A_541 = arith.addf %add3A_530, %gather3A_540 : vector<16xf32>
        %lt3A_542 = arith.constant 0 : i32
        %lt3A_543 = vector.broadcast %lt3A_542 : i32 to vector<16xi32>
        %lt3A_544 = arith.cmpi slt, %and3A_16, %lt3A_543 : vector<16xi32>
        %add3A_545 = arith.constant 16 : i32
        %add3A_546 = vector.broadcast %add3A_545 : i32 to vector<16xi32>
        %add3A_547 = arith.addi %and3A_16, %add3A_546 : vector<16xi32>
        %select_n3A_548 = arith.select %lt3A_544, %add3A_547, %and3A_16 : vector<16xi1>, vector<16xi32>
        %broadcast_in_dim3A_549 = vector.shape_cast %select_n3A_548 : vector<16xi32> to vector<16x1xi32>
        %gather3A_550 = vector.shape_cast %broadcast_in_dim3A_549 : vector<16x1xi32> to vector<16xi32>
        %gather3A_551 = tpu.dynamic_gather %add3A_541[%gather3A_550] in [0] : vector<16xf32>, vector<16xi32> -> vector<16xf32>
        %add3A_552 = arith.addf %add3A_541, %gather3A_551 : vector<16xf32>
        %lt3A_553 = arith.constant 0 : i32
        %lt3A_554 = vector.broadcast %lt3A_553 : i32 to vector<16xi32>
        %lt3A_555 = arith.cmpi slt, %and3A_22, %lt3A_554 : vector<16xi32>
        %add3A_556 = arith.constant 16 : i32
        %add3A_557 = vector.broadcast %add3A_556 : i32 to vector<16xi32>
        %add3A_558 = arith.addi %and3A_22, %add3A_557 : vector<16xi32>
        %select_n3A_559 = arith.select %lt3A_555, %add3A_558, %and3A_22 : vector<16xi1>, vector<16xi32>
        %broadcast_in_dim3A_560 = vector.shape_cast %select_n3A_559 : vector<16xi32> to vector<16x1xi32>
        %gather3A_561 = vector.shape_cast %broadcast_in_dim3A_560 : vector<16x1xi32> to vector<16xi32>
        %gather3A_562 = tpu.dynamic_gather %add3A_552[%gather3A_561] in [0] : vector<16xf32>, vector<16xi32> -> vector<16xf32>
        %add3A_563 = arith.addf %add3A_552, %gather3A_562 : vector<16xf32>
        %mul3A_564 = arith.constant 0.176776692 : f32
        %mul3A_565 = vector.broadcast %mul3A_564 : f32 to vector<16xf32>
        %mul3A_566 = arith.mulf %add3A_563, %mul3A_565 : vector<16xf32>
        %max3A_567 = arith.constant -5.000000e+01 : f32
        %max3A_568 = vector.broadcast %max3A_567 : f32 to vector<16xf32>
        %max3A_569 = arith.maximumf %mul3A_566, %max3A_568 : vector<16xf32>
        %min3A_570 = arith.constant 5.000000e+01 : f32
        %min3A_571 = vector.broadcast %min3A_570 : f32 to vector<16xf32>
        %min3A_572 = arith.minimumf %max3A_569, %min3A_571 : vector<16xf32>
        %exp3A_573 = math.exp %min3A_572 : vector<16xf32>
        %get3A_574 = arith.index_cast %scan3A_276 : i32 to index
        %get3A_575 = arith.constant 192 : index
        %get3A_576 = tpu.vector_load %arg18[%get3A_574, %get3A_575] {strides = array<i32>} : memref<32x256xf32, #tpu.memory_space<vmem>>, vector<1x16xf32>,
        %get3A_577 = vector.shape_cast %get3A_576 : vector<1x16xf32> to vector<16xf32>
        %mul3A_578 = arith.mulf %exp3A_573, %get3A_577 : vector<16xf32>
        %swap3A_579 = arith.index_cast %scan3A_276 : i32 to index
        %swap3A_580 = arith.constant 64 : index
        %swap3A_581 = tpu.vector_load %arg22[%swap3A_579, %swap3A_580] {strides = array<i32>} : memref<32x128xf32, #tpu.memory_space<vmem>>, vector<1x16xf32>,
        %swap3A_582 = vector.shape_cast %swap3A_581 : vector<1x16xf32> to vector<16xf32>
        %swap3A_583 = vector.shape_cast %mul3A_578 : vector<16xf32> to vector<1x16xf32>
        tpu.vector_store %arg22[%swap3A_579, %swap3A_580], %swap3A_583 {strides = array<i32>} : memref<32x128xf32, #tpu.memory_space<vmem>>, vector<1x16xf32>,
        %get3A_584 = arith.index_cast %scan3A_276 : i32 to index
        %get3A_585 = arith.constant 208 : index
        %get3A_586 = tpu.vector_load %arg18[%get3A_584, %get3A_585] {strides = array<i32>} : memref<32x256xf32, #tpu.memory_space<vmem>>, vector<1x16xf32>,
        %get3A_587 = vector.shape_cast %get3A_586 : vector<1x16xf32> to vector<16xf32>
        %mul3A_588 = arith.mulf %exp3A_573, %get3A_587 : vector<16xf32>
        %swap3A_589 = arith.index_cast %scan3A_276 : i32 to index
        %swap3A_590 = arith.constant 80 : index
        %swap3A_591 = tpu.vector_load %arg22[%swap3A_589, %swap3A_590] {strides = array<i32>} : memref<32x128xf32, #tpu.memory_space<vmem>>, vector<1x16xf32>,
        %swap3A_592 = vector.shape_cast %swap3A_591 : vector<1x16xf32> to vector<16xf32>
        %swap3A_593 = vector.shape_cast %mul3A_588 : vector<16xf32> to vector<1x16xf32>
        tpu.vector_store %arg22[%swap3A_589, %swap3A_590], %swap3A_593 {strides = array<i32>} : memref<32x128xf32, #tpu.memory_space<vmem>>, vector<1x16xf32>,
        %mul3A_594 = arith.mulf %exp3A_573, %get3A_281 : vector<16xf32>
        %swap3A_595 = arith.index_cast %scan3A_276 : i32 to index
        %swap3A_596 = arith.constant 32 : index
        %swap3A_597 = tpu.vector_load %arg23[%swap3A_595, %swap3A_596] {strides = array<i32>} : memref<32x128xf32, #tpu.memory_space<vmem>>, vector<1x16xf32>,
        %swap3A_598 = vector.shape_cast %swap3A_597 : vector<1x16xf32> to vector<16xf32>
        %swap3A_599 = vector.shape_cast %mul3A_594 : vector<16xf32> to vector<1x16xf32>
        tpu.vector_store %arg23[%swap3A_595, %swap3A_596], %swap3A_599 {strides = array<i32>} : memref<32x128xf32, #tpu.memory_space<vmem>>, vector<1x16xf32>,
        %eq3A_600 = arith.constant 2 : i32
        %eq3A_601 = vector.broadcast %eq3A_600 : i32 to vector<16xi32>
        %eq3A_602 = arith.cmpi eq, %iota3A, %eq3A_601 : vector<16xi32>
        %select_n3A_603 = arith.select %eq3A_602, %exp3A_573, %select_n3A_494 : vector<16xi1>, vector<16xf32>
        %get3A_604 = arith.index_cast %scan3A_276 : i32 to index
        %get3A_605 = arith.constant 96 : index
        %get3A_606 = tpu.vector_load %arg20[%get3A_604, %get3A_605] {strides = array<i32>} : memref<32x256xf32, #tpu.memory_space<vmem>>, vector<1x16xf32>,
        %get3A_607 = vector.shape_cast %get3A_606 : vector<1x16xf32> to vector<16xf32>
        %get3A_608 = arith.index_cast %scan3A_276 : i32 to index
        %get3A_609 = arith.constant 96 : index
        %get3A_610 = tpu.vector_load %arg18[%get3A_608, %get3A_609] {strides = array<i32>} : memref<32x256xf32, #tpu.memory_space<vmem>>, vector<1x16xf32>,
        %get3A_611 = vector.shape_cast %get3A_610 : vector<1x16xf32> to vector<16xf32>
        %mul3A_612 = arith.mulf %get3A_607, %get3A_611 : vector<16xf32>
        %get3A_613 = arith.index_cast %scan3A_276 : i32 to index
        %get3A_614 = arith.constant 112 : index
        %get3A_615 = tpu.vector_load %arg20[%get3A_613, %get3A_614] {strides = array<i32>} : memref<32x256xf32, #tpu.memory_space<vmem>>, vector<1x16xf32>,
        %get3A_616 = vector.shape_cast %get3A_615 : vector<1x16xf32> to vector<16xf32>
        %get3A_617 = arith.index_cast %scan3A_276 : i32 to index
        %get3A_618 = arith.constant 112 : index
        %get3A_619 = tpu.vector_load %arg18[%get3A_617, %get3A_618] {strides = array<i32>} : memref<32x256xf32, #tpu.memory_space<vmem>>, vector<1x16xf32>,
        %get3A_620 = vector.shape_cast %get3A_619 : vector<1x16xf32> to vector<16xf32>
        %mul3A_621 = arith.mulf %get3A_616, %get3A_620 : vector<16xf32>
        %add3A_622 = arith.addf %mul3A_612, %mul3A_621 : vector<16xf32>
        %get3A_623 = arith.index_cast %scan3A_276 : i32 to index
        %get3A_624 = arith.constant 176 : index
        %get3A_625 = tpu.vector_load %arg20[%get3A_623, %get3A_624] {strides = array<i32>} : memref<32x256xf32, #tpu.memory_space<vmem>>, vector<1x16xf32>,
        %get3A_626 = vector.shape_cast %get3A_625 : vector<1x16xf32> to vector<16xf32>
        %mul3A_627 = arith.mulf %get3A_281, %get3A_626 : vector<16xf32>
        %add3A_628 = arith.addf %add3A_622, %mul3A_627 : vector<16xf32>
        %lt3A_629 = arith.constant 0 : i32
        %lt3A_630 = vector.broadcast %lt3A_629 : i32 to vector<16xi32>
        %lt3A_631 = arith.cmpi slt, %and3A_4, %lt3A_630 : vector<16xi32>
        %add3A_632 = arith.constant 16 : i32
        %add3A_633 = vector.broadcast %add3A_632 : i32 to vector<16xi32>
        %add3A_634 = arith.addi %and3A_4, %add3A_633 : vector<16xi32>
        %select_n3A_635 = arith.select %lt3A_631, %add3A_634, %and3A_4 : vector<16xi1>, vector<16xi32>
        %broadcast_in_dim3A_636 = vector.shape_cast %select_n3A_635 : vector<16xi32> to vector<16x1xi32>
        %gather3A_637 = vector.shape_cast %broadcast_in_dim3A_636 : vector<16x1xi32> to vector<16xi32>
        %gather3A_638 = tpu.dynamic_gather %add3A_628[%gather3A_637] in [0] : vector<16xf32>, vector<16xi32> -> vector<16xf32>
        %add3A_639 = arith.addf %add3A_628, %gather3A_638 : vector<16xf32>
        %lt3A_640 = arith.constant 0 : i32
        %lt3A_641 = vector.broadcast %lt3A_640 : i32 to vector<16xi32>
        %lt3A_642 = arith.cmpi slt, %and3A_10, %lt3A_641 : vector<16xi32>
        %add3A_643 = arith.constant 16 : i32
        %add3A_644 = vector.broadcast %add3A_643 : i32 to vector<16xi32>
        %add3A_645 = arith.addi %and3A_10, %add3A_644 : vector<16xi32>
        %select_n3A_646 = arith.select %lt3A_642, %add3A_645, %and3A_10 : vector<16xi1>, vector<16xi32>
        %broadcast_in_dim3A_647 = vector.shape_cast %select_n3A_646 : vector<16xi32> to vector<16x1xi32>
        %gather3A_648 = vector.shape_cast %broadcast_in_dim3A_647 : vector<16x1xi32> to vector<16xi32>
        %gather3A_649 = tpu.dynamic_gather %add3A_639[%gather3A_648] in [0] : vector<16xf32>, vector<16xi32> -> vector<16xf32>
        %add3A_650 = arith.addf %add3A_639, %gather3A_649 : vector<16xf32>
        %lt3A_651 = arith.constant 0 : i32
        %lt3A_652 = vector.broadcast %lt3A_651 : i32 to vector<16xi32>
        %lt3A_653 = arith.cmpi slt, %and3A_16, %lt3A_652 : vector<16xi32>
        %add3A_654 = arith.constant 16 : i32
        %add3A_655 = vector.broadcast %add3A_654 : i32 to vector<16xi32>
        %add3A_656 = arith.addi %and3A_16, %add3A_655 : vector<16xi32>
        %select_n3A_657 = arith.select %lt3A_653, %add3A_656, %and3A_16 : vector<16xi1>, vector<16xi32>
        %broadcast_in_dim3A_658 = vector.shape_cast %select_n3A_657 : vector<16xi32> to vector<16x1xi32>
        %gather3A_659 = vector.shape_cast %broadcast_in_dim3A_658 : vector<16x1xi32> to vector<16xi32>
        %gather3A_660 = tpu.dynamic_gather %add3A_650[%gather3A_659] in [0] : vector<16xf32>, vector<16xi32> -> vector<16xf32>
        %add3A_661 = arith.addf %add3A_650, %gather3A_660 : vector<16xf32>
        %lt3A_662 = arith.constant 0 : i32
        %lt3A_663 = vector.broadcast %lt3A_662 : i32 to vector<16xi32>
        %lt3A_664 = arith.cmpi slt, %and3A_22, %lt3A_663 : vector<16xi32>
        %add3A_665 = arith.constant 16 : i32
        %add3A_666 = vector.broadcast %add3A_665 : i32 to vector<16xi32>
        %add3A_667 = arith.addi %and3A_22, %add3A_666 : vector<16xi32>
        %select_n3A_668 = arith.select %lt3A_664, %add3A_667, %and3A_22 : vector<16xi1>, vector<16xi32>
        %broadcast_in_dim3A_669 = vector.shape_cast %select_n3A_668 : vector<16xi32> to vector<16x1xi32>
        %gather3A_670 = vector.shape_cast %broadcast_in_dim3A_669 : vector<16x1xi32> to vector<16xi32>
        %gather3A_671 = tpu.dynamic_gather %add3A_661[%gather3A_670] in [0] : vector<16xf32>, vector<16xi32> -> vector<16xf32>
        %add3A_672 = arith.addf %add3A_661, %gather3A_671 : vector<16xf32>
        %mul3A_673 = arith.constant 0.176776692 : f32
        %mul3A_674 = vector.broadcast %mul3A_673 : f32 to vector<16xf32>
        %mul3A_675 = arith.mulf %add3A_672, %mul3A_674 : vector<16xf32>
        %max3A_676 = arith.constant -5.000000e+01 : f32
        %max3A_677 = vector.broadcast %max3A_676 : f32 to vector<16xf32>
        %max3A_678 = arith.maximumf %mul3A_675, %max3A_677 : vector<16xf32>
        %min3A_679 = arith.constant 5.000000e+01 : f32
        %min3A_680 = vector.broadcast %min3A_679 : f32 to vector<16xf32>
        %min3A_681 = arith.minimumf %max3A_678, %min3A_680 : vector<16xf32>
        %exp3A_682 = math.exp %min3A_681 : vector<16xf32>
        %get3A_683 = arith.index_cast %scan3A_276 : i32 to index
        %get3A_684 = arith.constant 224 : index
        %get3A_685 = tpu.vector_load %arg18[%get3A_683, %get3A_684] {strides = array<i32>} : memref<32x256xf32, #tpu.memory_space<vmem>>, vector<1x16xf32>,
        %get3A_686 = vector.shape_cast %get3A_685 : vector<1x16xf32> to vector<16xf32>
        %mul3A_687 = arith.mulf %exp3A_682, %get3A_686 : vector<16xf32>
        %swap3A_688 = arith.index_cast %scan3A_276 : i32 to index
        %swap3A_689 = arith.constant 96 : index
        %swap3A_690 = tpu.vector_load %arg22[%swap3A_688, %swap3A_689] {strides = array<i32>} : memref<32x128xf32, #tpu.memory_space<vmem>>, vector<1x16xf32>,
        %swap3A_691 = vector.shape_cast %swap3A_690 : vector<1x16xf32> to vector<16xf32>
        %swap3A_692 = vector.shape_cast %mul3A_687 : vector<16xf32> to vector<1x16xf32>
        tpu.vector_store %arg22[%swap3A_688, %swap3A_689], %swap3A_692 {strides = array<i32>} : memref<32x128xf32, #tpu.memory_space<vmem>>, vector<1x16xf32>,
        %get3A_693 = arith.index_cast %scan3A_276 : i32 to index
        %get3A_694 = arith.constant 240 : index
        %get3A_695 = tpu.vector_load %arg18[%get3A_693, %get3A_694] {strides = array<i32>} : memref<32x256xf32, #tpu.memory_space<vmem>>, vector<1x16xf32>,
        %get3A_696 = vector.shape_cast %get3A_695 : vector<1x16xf32> to vector<16xf32>
        %mul3A_697 = arith.mulf %exp3A_682, %get3A_696 : vector<16xf32>
        %swap3A_698 = arith.index_cast %scan3A_276 : i32 to index
        %swap3A_699 = arith.constant 112 : index
        %swap3A_700 = tpu.vector_load %arg22[%swap3A_698, %swap3A_699] {strides = array<i32>} : memref<32x128xf32, #tpu.memory_space<vmem>>, vector<1x16xf32>,
        %swap3A_701 = vector.shape_cast %swap3A_700 : vector<1x16xf32> to vector<16xf32>
        %swap3A_702 = vector.shape_cast %mul3A_697 : vector<16xf32> to vector<1x16xf32>
        tpu.vector_store %arg22[%swap3A_698, %swap3A_699], %swap3A_702 {strides = array<i32>} : memref<32x128xf32, #tpu.memory_space<vmem>>, vector<1x16xf32>,
        %mul3A_703 = arith.mulf %exp3A_682, %get3A_281 : vector<16xf32>
        %swap3A_704 = arith.index_cast %scan3A_276 : i32 to index
        %swap3A_705 = arith.constant 48 : index
        %swap3A_706 = tpu.vector_load %arg23[%swap3A_704, %swap3A_705] {strides = array<i32>} : memref<32x128xf32, #tpu.memory_space<vmem>>, vector<1x16xf32>,
        %swap3A_707 = vector.shape_cast %swap3A_706 : vector<1x16xf32> to vector<16xf32>
        %swap3A_708 = vector.shape_cast %mul3A_703 : vector<16xf32> to vector<1x16xf32>
        tpu.vector_store %arg23[%swap3A_704, %swap3A_705], %swap3A_708 {strides = array<i32>} : memref<32x128xf32, #tpu.memory_space<vmem>>, vector<1x16xf32>,
        %eq3A_709 = arith.constant 3 : i32
        %eq3A_710 = vector.broadcast %eq3A_709 : i32 to vector<16xi32>
        %eq3A_711 = arith.cmpi eq, %iota3A, %eq3A_710 : vector<16xi32>
        %select_n3A_712 = arith.select %eq3A_711, %exp3A_682, %select_n3A_603 : vector<16xi1>, vector<16xf32>
        %swap3A_713 = arith.index_cast %scan3A_276 : i32 to index
        %swap3A_714 = arith.constant 64 : index
        %swap3A_715 = tpu.vector_load %arg23[%swap3A_713, %swap3A_714] {strides = array<i32>} : memref<32x128xf32, #tpu.memory_space<vmem>>, vector<1x16xf32>,
        %swap3A_716 = vector.shape_cast %swap3A_715 : vector<1x16xf32> to vector<16xf32>
        %swap3A_717 = vector.shape_cast %select_n3A_712 : vector<16xf32> to vector<1x16xf32>
        tpu.vector_store %arg23[%swap3A_713, %swap3A_714], %swap3A_717 {strides = array<i32>} : memref<32x128xf32, #tpu.memory_space<vmem>>, vector<1x16xf32>,
      }
      %scan3A_225 = arith.constant 32 : i32
      "tpu.region"() ({
        %run_scoped3A = tpu.sem_alloc : memref<!tpu.dma_semaphore, #tpu.memory_space<semaphore_mem>>
        %dma_start3A_276 = arith.constant 0 : i32
        %dma_start3A_277 = arith.constant 0 : i32
        %dma_start3A_278 = tpu.memref_slice %arg9[%dma_start3A_276, %dma_start3A_277] : memref<5120x128xf32, #tpu.memory_space<vmem_shared>> -> memref<5120x128xf32, #tpu.memory_space<vmem_shared>>
        tpu.enqueue_indirect_dma source(%arg22 : memref<32x128xf32, #tpu.memory_space<vmem>>) target(%dma_start3A_278 : memref<5120x128xf32, #tpu.memory_space<vmem_shared>>) offsets(%arg15 : memref<32xi32, #tpu.memory_space<vmem>>) semaphore(%run_scoped3A : memref<!tpu.dma_semaphore, #tpu.memory_space<semaphore_mem>>) {add = true}
        %dma_wait3A_279 = arith.constant 0 : i32
        %dma_wait3A_280 = arith.constant 0 : i32
        %dma_wait3A_281 = tpu.memref_slice %arg9[%dma_wait3A_279, %dma_wait3A_280] : memref<5120x128xf32, #tpu.memory_space<vmem_shared>> -> memref<5120x128xf32, #tpu.memory_space<vmem_shared>>
        tpu.wait_indirect_dma semaphore(%run_scoped3A : memref<!tpu.dma_semaphore, #tpu.memory_space<semaphore_mem>>) src(%arg22 : memref<32x128xf32, #tpu.memory_space<vmem>>) dst(%dma_wait3A_281 : memref<5120x128xf32, #tpu.memory_space<vmem_shared>>)
        tpu.yield
      }) : () -> ()
      "tpu.region"() ({
        %run_scoped3A = tpu.sem_alloc : memref<!tpu.dma_semaphore, #tpu.memory_space<semaphore_mem>>
        %dma_start3A_276 = arith.constant 0 : i32
        %dma_start3A_277 = arith.constant 0 : i32
        %dma_start3A_278 = tpu.memref_slice %arg10[%dma_start3A_276, %dma_start3A_277] : memref<5120x128xf32, #tpu.memory_space<vmem_shared>> -> memref<5120x128xf32, #tpu.memory_space<vmem_shared>>
        tpu.enqueue_indirect_dma source(%arg23 : memref<32x128xf32, #tpu.memory_space<vmem>>) target(%dma_start3A_278 : memref<5120x128xf32, #tpu.memory_space<vmem_shared>>) offsets(%arg15 : memref<32xi32, #tpu.memory_space<vmem>>) semaphore(%run_scoped3A : memref<!tpu.dma_semaphore, #tpu.memory_space<semaphore_mem>>) {add = true}
        %dma_wait3A_279 = arith.constant 0 : i32
        %dma_wait3A_280 = arith.constant 0 : i32
        %dma_wait3A_281 = tpu.memref_slice %arg10[%dma_wait3A_279, %dma_wait3A_280] : memref<5120x128xf32, #tpu.memory_space<vmem_shared>> -> memref<5120x128xf32, #tpu.memory_space<vmem_shared>>
        tpu.wait_indirect_dma semaphore(%run_scoped3A : memref<!tpu.dma_semaphore, #tpu.memory_space<semaphore_mem>>) src(%arg23 : memref<32x128xf32, #tpu.memory_space<vmem>>) dst(%dma_wait3A_281 : memref<5120x128xf32, #tpu.memory_space<vmem_shared>>)
        tpu.yield
      }) : () -> ()
      %dma_wait3A_226 = arith.constant 0 : i32
      %dma_wait3A_227 = arith.constant 0 : i32
      %dma_wait3A_228 = tpu.memref_slice %arg3[%dma_wait3A_226, %dma_wait3A_227] : memref<10000x256xf32, #tpu.memory_space<hbm>> -> memref<10000x256xf32, #tpu.memory_space<hbm>>
      tpu.wait_indirect_dma semaphore(%arg28 : memref<!tpu.dma_semaphore, #tpu.memory_space<semaphore_mem>>) src(%dma_wait3A_228 : memref<10000x256xf32, #tpu.memory_space<hbm>>) dst(%arg19 : memref<32x256xf32, #tpu.memory_space<vmem>>)
      %dma_wait3A_229 = arith.constant 0 : i32
      %dma_wait3A_230 = arith.constant 0 : i32
      %dma_wait3A_231 = tpu.memref_slice %arg2[%dma_wait3A_229, %dma_wait3A_230] : memref<10000x256xf32, #tpu.memory_space<hbm>> -> memref<10000x256xf32, #tpu.memory_space<hbm>>
      tpu.wait_indirect_dma semaphore(%arg30 : memref<!tpu.dma_semaphore, #tpu.memory_space<semaphore_mem>>) src(%dma_wait3A_231 : memref<10000x256xf32, #tpu.memory_space<hbm>>) dst(%arg21 : memref<32x256xf32, #tpu.memory_space<vmem>>)
      %get3A_232 = arith.constant 0 : index
      %get3A_233 = tpu.vector_load %arg14[%get3A_232] {strides = array<i32>} : memref<32xi32, #tpu.memory_space<vmem>>, vector<16xi32>,
      %get3A_234 = vector.shape_cast %get3A_233 : vector<16xi32> to vector<16xi32>
      %sub3A_235 = vector.broadcast %mul3A_23 : i32 to vector<16xi32>
      %sub3A_236 = arith.subi %get3A_234, %sub3A_235 : vector<16xi32>
      %ge3A_237 = arith.constant 0 : i32
      %ge3A_238 = vector.broadcast %ge3A_237 : i32 to vector<16xi32>
      %ge3A_239 = arith.cmpi sge, %sub3A_236, %ge3A_238 : vector<16xi32>
      %lt3A_240 = arith.constant 5000 : i32
      %lt3A_241 = vector.broadcast %lt3A_240 : i32 to vector<16xi32>
      %lt3A_242 = arith.cmpi slt, %sub3A_236, %lt3A_241 : vector<16xi32>
      %and3A_243 = arith.andi %ge3A_239, %lt3A_242 : vector<16xi1>
      %jit3A_244 = arith.constant 5000 : i32
      %broadcast_in_dim3A_245 = vector.broadcast %jit3A_244 : i32 to vector<16xi32>
      %select_n3A_246 = arith.select %and3A_243, %sub3A_236, %broadcast_in_dim3A_245 : vector<16xi1>, vector<16xi32>
      %swap3A_247 = arith.constant 0 : index
      %swap3A_248 = tpu.vector_load %arg15[%swap3A_247] {strides = array<i32>} : memref<32xi32, #tpu.memory_space<vmem>>, vector<16xi32>,
      %swap3A_249 = vector.shape_cast %swap3A_248 : vector<16xi32> to vector<16xi32>
      %swap3A_250 = vector.shape_cast %select_n3A_246 : vector<16xi32> to vector<16xi32>
      tpu.vector_store %arg15[%swap3A_247], %swap3A_250 {strides = array<i32>} : memref<32xi32, #tpu.memory_space<vmem>>, vector<16xi32>,
      %get3A_251 = arith.constant 16 : index
      %get3A_252 = tpu.vector_load %arg14[%get3A_251] {strides = array<i32>} : memref<32xi32, #tpu.memory_space<vmem>>, vector<16xi32>,
      %get3A_253 = vector.shape_cast %get3A_252 : vector<16xi32> to vector<16xi32>
      %sub3A_254 = vector.broadcast %mul3A_23 : i32 to vector<16xi32>
      %sub3A_255 = arith.subi %get3A_253, %sub3A_254 : vector<16xi32>
      %ge3A_256 = arith.constant 0 : i32
      %ge3A_257 = vector.broadcast %ge3A_256 : i32 to vector<16xi32>
      %ge3A_258 = arith.cmpi sge, %sub3A_255, %ge3A_257 : vector<16xi32>
      %lt3A_259 = arith.constant 5000 : i32
      %lt3A_260 = vector.broadcast %lt3A_259 : i32 to vector<16xi32>
      %lt3A_261 = arith.cmpi slt, %sub3A_255, %lt3A_260 : vector<16xi32>
      %and3A_262 = arith.andi %ge3A_258, %lt3A_261 : vector<16xi1>
      %jit3A_263 = arith.constant 5000 : i32
      %broadcast_in_dim3A_264 = vector.broadcast %jit3A_263 : i32 to vector<16xi32>
      %select_n3A_265 = arith.select %and3A_262, %sub3A_255, %broadcast_in_dim3A_264 : vector<16xi1>, vector<16xi32>
      %swap3A_266 = arith.constant 16 : index
      %swap3A_267 = tpu.vector_load %arg15[%swap3A_266] {strides = array<i32>} : memref<32xi32, #tpu.memory_space<vmem>>, vector<16xi32>,
      %swap3A_268 = vector.shape_cast %swap3A_267 : vector<16xi32> to vector<16xi32>
      %swap3A_269 = vector.shape_cast %select_n3A_265 : vector<16xi32> to vector<16xi32>
      tpu.vector_store %arg15[%swap3A_266], %swap3A_269 {strides = array<i32>} : memref<32xi32, #tpu.memory_space<vmem>>, vector<16xi32>,
      %scan3A_270 = arith.constant 0 : i32
      %scan3A_271 = arith.constant 0 : i32
      %scan3A_272 = arith.constant 32 : i32
      %scan3A_273 = arith.addi %scan3A_271, %scan3A_272 : i32
      %scan3A_274 = arith.constant 1 : i32
      scf.for %scan3A_276 = %scan3A_271 to %scan3A_273 step %scan3A_274  : i32 {
        %mul3A_277 = arith.constant 16 : i32
        %mul3A_278 = arith.muli %scan3A_276, %mul3A_277 : i32
        %get3A_279 = arith.index_cast %mul3A_278 : i32 to index
        %get3A_280 = tpu.vector_load %arg17[%get3A_279] {strides = array<i32>} : memref<512xf32, #tpu.memory_space<vmem>>, vector<16xf32>,
        %get3A_281 = vector.shape_cast %get3A_280 : vector<16xf32> to vector<16xf32>
        %get3A_282 = arith.index_cast %scan3A_276 : i32 to index
        %get3A_283 = arith.constant 0 : index
        %get3A_284 = tpu.vector_load %arg21[%get3A_282, %get3A_283] {strides = array<i32>} : memref<32x256xf32, #tpu.memory_space<vmem>>, vector<1x16xf32>,
        %get3A_285 = vector.shape_cast %get3A_284 : vector<1x16xf32> to vector<16xf32>
        %get3A_286 = arith.index_cast %scan3A_276 : i32 to index
        %get3A_287 = arith.constant 0 : index
        %get3A_288 = tpu.vector_load %arg19[%get3A_286, %get3A_287] {strides = array<i32>} : memref<32x256xf32, #tpu.memory_space<vmem>>, vector<1x16xf32>,
        %get3A_289 = vector.shape_cast %get3A_288 : vector<1x16xf32> to vector<16xf32>
        %mul3A_290 = arith.mulf %get3A_285, %get3A_289 : vector<16xf32>
        %get3A_291 = arith.index_cast %scan3A_276 : i32 to index
        %get3A_292 = arith.constant 16 : index
        %get3A_293 = tpu.vector_load %arg21[%get3A_291, %get3A_292] {strides = array<i32>} : memref<32x256xf32, #tpu.memory_space<vmem>>, vector<1x16xf32>,
        %get3A_294 = vector.shape_cast %get3A_293 : vector<1x16xf32> to vector<16xf32>
        %get3A_295 = arith.index_cast %scan3A_276 : i32 to index
        %get3A_296 = arith.constant 16 : index
        %get3A_297 = tpu.vector_load %arg19[%get3A_295, %get3A_296] {strides = array<i32>} : memref<32x256xf32, #tpu.memory_space<vmem>>, vector<1x16xf32>,
        %get3A_298 = vector.shape_cast %get3A_297 : vector<1x16xf32> to vector<16xf32>
        %mul3A_299 = arith.mulf %get3A_294, %get3A_298 : vector<16xf32>
        %add3A_300 = arith.addf %mul3A_290, %mul3A_299 : vector<16xf32>
        %get3A_301 = arith.index_cast %scan3A_276 : i32 to index
        %get3A_302 = arith.constant 128 : index
        %get3A_303 = tpu.vector_load %arg21[%get3A_301, %get3A_302] {strides = array<i32>} : memref<32x256xf32, #tpu.memory_space<vmem>>, vector<1x16xf32>,
        %get3A_304 = vector.shape_cast %get3A_303 : vector<1x16xf32> to vector<16xf32>
        %mul3A_305 = arith.mulf %get3A_281, %get3A_304 : vector<16xf32>
        %add3A_306 = arith.addf %add3A_300, %mul3A_305 : vector<16xf32>
        %lt3A_307 = arith.constant 0 : i32
        %lt3A_308 = vector.broadcast %lt3A_307 : i32 to vector<16xi32>
        %lt3A_309 = arith.cmpi slt, %and3A_4, %lt3A_308 : vector<16xi32>
        %add3A_310 = arith.constant 16 : i32
        %add3A_311 = vector.broadcast %add3A_310 : i32 to vector<16xi32>
        %add3A_312 = arith.addi %and3A_4, %add3A_311 : vector<16xi32>
        %select_n3A_313 = arith.select %lt3A_309, %add3A_312, %and3A_4 : vector<16xi1>, vector<16xi32>
        %broadcast_in_dim3A_314 = vector.shape_cast %select_n3A_313 : vector<16xi32> to vector<16x1xi32>
        %gather3A = vector.shape_cast %broadcast_in_dim3A_314 : vector<16x1xi32> to vector<16xi32>
        %gather3A_315 = tpu.dynamic_gather %add3A_306[%gather3A] in [0] : vector<16xf32>, vector<16xi32> -> vector<16xf32>
        %add3A_316 = arith.addf %add3A_306, %gather3A_315 : vector<16xf32>
        %lt3A_317 = arith.constant 0 : i32
        %lt3A_318 = vector.broadcast %lt3A_317 : i32 to vector<16xi32>
        %lt3A_319 = arith.cmpi slt, %and3A_10, %lt3A_318 : vector<16xi32>
        %add3A_320 = arith.constant 16 : i32
        %add3A_321 = vector.broadcast %add3A_320 : i32 to vector<16xi32>
        %add3A_322 = arith.addi %and3A_10, %add3A_321 : vector<16xi32>
        %select_n3A_323 = arith.select %lt3A_319, %add3A_322, %and3A_10 : vector<16xi1>, vector<16xi32>
        %broadcast_in_dim3A_324 = vector.shape_cast %select_n3A_323 : vector<16xi32> to vector<16x1xi32>
        %gather3A_325 = vector.shape_cast %broadcast_in_dim3A_324 : vector<16x1xi32> to vector<16xi32>
        %gather3A_326 = tpu.dynamic_gather %add3A_316[%gather3A_325] in [0] : vector<16xf32>, vector<16xi32> -> vector<16xf32>
        %add3A_327 = arith.addf %add3A_316, %gather3A_326 : vector<16xf32>
        %lt3A_328 = arith.constant 0 : i32
        %lt3A_329 = vector.broadcast %lt3A_328 : i32 to vector<16xi32>
        %lt3A_330 = arith.cmpi slt, %and3A_16, %lt3A_329 : vector<16xi32>
        %add3A_331 = arith.constant 16 : i32
        %add3A_332 = vector.broadcast %add3A_331 : i32 to vector<16xi32>
        %add3A_333 = arith.addi %and3A_16, %add3A_332 : vector<16xi32>
        %select_n3A_334 = arith.select %lt3A_330, %add3A_333, %and3A_16 : vector<16xi1>, vector<16xi32>
        %broadcast_in_dim3A_335 = vector.shape_cast %select_n3A_334 : vector<16xi32> to vector<16x1xi32>
        %gather3A_336 = vector.shape_cast %broadcast_in_dim3A_335 : vector<16x1xi32> to vector<16xi32>
        %gather3A_337 = tpu.dynamic_gather %add3A_327[%gather3A_336] in [0] : vector<16xf32>, vector<16xi32> -> vector<16xf32>
        %add3A_338 = arith.addf %add3A_327, %gather3A_337 : vector<16xf32>
        %lt3A_339 = arith.constant 0 : i32
        %lt3A_340 = vector.broadcast %lt3A_339 : i32 to vector<16xi32>
        %lt3A_341 = arith.cmpi slt, %and3A_22, %lt3A_340 : vector<16xi32>
        %add3A_342 = arith.constant 16 : i32
        %add3A_343 = vector.broadcast %add3A_342 : i32 to vector<16xi32>
        %add3A_344 = arith.addi %and3A_22, %add3A_343 : vector<16xi32>
        %select_n3A_345 = arith.select %lt3A_341, %add3A_344, %and3A_22 : vector<16xi1>, vector<16xi32>
        %broadcast_in_dim3A_346 = vector.shape_cast %select_n3A_345 : vector<16xi32> to vector<16x1xi32>
        %gather3A_347 = vector.shape_cast %broadcast_in_dim3A_346 : vector<16x1xi32> to vector<16xi32>
        %gather3A_348 = tpu.dynamic_gather %add3A_338[%gather3A_347] in [0] : vector<16xf32>, vector<16xi32> -> vector<16xf32>
        %add3A_349 = arith.addf %add3A_338, %gather3A_348 : vector<16xf32>
        %mul3A_350 = arith.constant 0.176776692 : f32
        %mul3A_351 = vector.broadcast %mul3A_350 : f32 to vector<16xf32>
        %mul3A_352 = arith.mulf %add3A_349, %mul3A_351 : vector<16xf32>
        %max3A = arith.constant -5.000000e+01 : f32
        %max3A_353 = vector.broadcast %max3A : f32 to vector<16xf32>
        %max3A_354 = arith.maximumf %mul3A_352, %max3A_353 : vector<16xf32>
        %min3A = arith.constant 5.000000e+01 : f32
        %min3A_355 = vector.broadcast %min3A : f32 to vector<16xf32>
        %min3A_356 = arith.minimumf %max3A_354, %min3A_355 : vector<16xf32>
        %exp3A = math.exp %min3A_356 : vector<16xf32>
        %get3A_357 = arith.index_cast %scan3A_276 : i32 to index
        %get3A_358 = arith.constant 128 : index
        %get3A_359 = tpu.vector_load %arg19[%get3A_357, %get3A_358] {strides = array<i32>} : memref<32x256xf32, #tpu.memory_space<vmem>>, vector<1x16xf32>,
        %get3A_360 = vector.shape_cast %get3A_359 : vector<1x16xf32> to vector<16xf32>
        %mul3A_361 = arith.mulf %exp3A, %get3A_360 : vector<16xf32>
        %swap3A_362 = arith.index_cast %scan3A_276 : i32 to index
        %swap3A_363 = arith.constant 0 : index
        %swap3A_364 = tpu.vector_load %arg22[%swap3A_362, %swap3A_363] {strides = array<i32>} : memref<32x128xf32, #tpu.memory_space<vmem>>, vector<1x16xf32>,
        %swap3A_365 = vector.shape_cast %swap3A_364 : vector<1x16xf32> to vector<16xf32>
        %swap3A_366 = vector.shape_cast %mul3A_361 : vector<16xf32> to vector<1x16xf32>
        tpu.vector_store %arg22[%swap3A_362, %swap3A_363], %swap3A_366 {strides = array<i32>} : memref<32x128xf32, #tpu.memory_space<vmem>>, vector<1x16xf32>,
        %get3A_367 = arith.index_cast %scan3A_276 : i32 to index
        %get3A_368 = arith.constant 144 : index
        %get3A_369 = tpu.vector_load %arg19[%get3A_367, %get3A_368] {strides = array<i32>} : memref<32x256xf32, #tpu.memory_space<vmem>>, vector<1x16xf32>,
        %get3A_370 = vector.shape_cast %get3A_369 : vector<1x16xf32> to vector<16xf32>
        %mul3A_371 = arith.mulf %exp3A, %get3A_370 : vector<16xf32>
        %swap3A_372 = arith.index_cast %scan3A_276 : i32 to index
        %swap3A_373 = arith.constant 16 : index
        %swap3A_374 = tpu.vector_load %arg22[%swap3A_372, %swap3A_373] {strides = array<i32>} : memref<32x128xf32, #tpu.memory_space<vmem>>, vector<1x16xf32>,
        %swap3A_375 = vector.shape_cast %swap3A_374 : vector<1x16xf32> to vector<16xf32>
        %swap3A_376 = vector.shape_cast %mul3A_371 : vector<16xf32> to vector<1x16xf32>
        tpu.vector_store %arg22[%swap3A_372, %swap3A_373], %swap3A_376 {strides = array<i32>} : memref<32x128xf32, #tpu.memory_space<vmem>>, vector<1x16xf32>,
        %mul3A_377 = arith.mulf %exp3A, %get3A_281 : vector<16xf32>
        %swap3A_378 = arith.index_cast %scan3A_276 : i32 to index
        %swap3A_379 = arith.constant 0 : index
        %swap3A_380 = tpu.vector_load %arg23[%swap3A_378, %swap3A_379] {strides = array<i32>} : memref<32x128xf32, #tpu.memory_space<vmem>>, vector<1x16xf32>,
        %swap3A_381 = vector.shape_cast %swap3A_380 : vector<1x16xf32> to vector<16xf32>
        %swap3A_382 = vector.shape_cast %mul3A_377 : vector<16xf32> to vector<1x16xf32>
        tpu.vector_store %arg23[%swap3A_378, %swap3A_379], %swap3A_382 {strides = array<i32>} : memref<32x128xf32, #tpu.memory_space<vmem>>, vector<1x16xf32>,
        %eq3A = arith.constant 0 : i32
        %eq3A_383 = vector.broadcast %eq3A : i32 to vector<16xi32>
        %eq3A_384 = arith.cmpi eq, %iota3A, %eq3A_383 : vector<16xi32>
        %select_n3A_385 = arith.select %eq3A_384, %exp3A, %broadcast_in_dim3A_0 : vector<16xi1>, vector<16xf32>
        %get3A_386 = arith.index_cast %scan3A_276 : i32 to index
        %get3A_387 = arith.constant 32 : index
        %get3A_388 = tpu.vector_load %arg21[%get3A_386, %get3A_387] {strides = array<i32>} : memref<32x256xf32, #tpu.memory_space<vmem>>, vector<1x16xf32>,
        %get3A_389 = vector.shape_cast %get3A_388 : vector<1x16xf32> to vector<16xf32>
        %get3A_390 = arith.index_cast %scan3A_276 : i32 to index
        %get3A_391 = arith.constant 32 : index
        %get3A_392 = tpu.vector_load %arg19[%get3A_390, %get3A_391] {strides = array<i32>} : memref<32x256xf32, #tpu.memory_space<vmem>>, vector<1x16xf32>,
        %get3A_393 = vector.shape_cast %get3A_392 : vector<1x16xf32> to vector<16xf32>
        %mul3A_394 = arith.mulf %get3A_389, %get3A_393 : vector<16xf32>
        %get3A_395 = arith.index_cast %scan3A_276 : i32 to index
        %get3A_396 = arith.constant 48 : index
        %get3A_397 = tpu.vector_load %arg21[%get3A_395, %get3A_396] {strides = array<i32>} : memref<32x256xf32, #tpu.memory_space<vmem>>, vector<1x16xf32>,
        %get3A_398 = vector.shape_cast %get3A_397 : vector<1x16xf32> to vector<16xf32>
        %get3A_399 = arith.index_cast %scan3A_276 : i32 to index
        %get3A_400 = arith.constant 48 : index
        %get3A_401 = tpu.vector_load %arg19[%get3A_399, %get3A_400] {strides = array<i32>} : memref<32x256xf32, #tpu.memory_space<vmem>>, vector<1x16xf32>,
        %get3A_402 = vector.shape_cast %get3A_401 : vector<1x16xf32> to vector<16xf32>
        %mul3A_403 = arith.mulf %get3A_398, %get3A_402 : vector<16xf32>
        %add3A_404 = arith.addf %mul3A_394, %mul3A_403 : vector<16xf32>
        %get3A_405 = arith.index_cast %scan3A_276 : i32 to index
        %get3A_406 = arith.constant 144 : index
        %get3A_407 = tpu.vector_load %arg21[%get3A_405, %get3A_406] {strides = array<i32>} : memref<32x256xf32, #tpu.memory_space<vmem>>, vector<1x16xf32>,
        %get3A_408 = vector.shape_cast %get3A_407 : vector<1x16xf32> to vector<16xf32>
        %mul3A_409 = arith.mulf %get3A_281, %get3A_408 : vector<16xf32>
        %add3A_410 = arith.addf %add3A_404, %mul3A_409 : vector<16xf32>
        %lt3A_411 = arith.constant 0 : i32
        %lt3A_412 = vector.broadcast %lt3A_411 : i32 to vector<16xi32>
        %lt3A_413 = arith.cmpi slt, %and3A_4, %lt3A_412 : vector<16xi32>
        %add3A_414 = arith.constant 16 : i32
        %add3A_415 = vector.broadcast %add3A_414 : i32 to vector<16xi32>
        %add3A_416 = arith.addi %and3A_4, %add3A_415 : vector<16xi32>
        %select_n3A_417 = arith.select %lt3A_413, %add3A_416, %and3A_4 : vector<16xi1>, vector<16xi32>
        %broadcast_in_dim3A_418 = vector.shape_cast %select_n3A_417 : vector<16xi32> to vector<16x1xi32>
        %gather3A_419 = vector.shape_cast %broadcast_in_dim3A_418 : vector<16x1xi32> to vector<16xi32>
        %gather3A_420 = tpu.dynamic_gather %add3A_410[%gather3A_419] in [0] : vector<16xf32>, vector<16xi32> -> vector<16xf32>
        %add3A_421 = arith.addf %add3A_410, %gather3A_420 : vector<16xf32>
        %lt3A_422 = arith.constant 0 : i32
        %lt3A_423 = vector.broadcast %lt3A_422 : i32 to vector<16xi32>
        %lt3A_424 = arith.cmpi slt, %and3A_10, %lt3A_423 : vector<16xi32>
        %add3A_425 = arith.constant 16 : i32
        %add3A_426 = vector.broadcast %add3A_425 : i32 to vector<16xi32>
        %add3A_427 = arith.addi %and3A_10, %add3A_426 : vector<16xi32>
        %select_n3A_428 = arith.select %lt3A_424, %add3A_427, %and3A_10 : vector<16xi1>, vector<16xi32>
        %broadcast_in_dim3A_429 = vector.shape_cast %select_n3A_428 : vector<16xi32> to vector<16x1xi32>
        %gather3A_430 = vector.shape_cast %broadcast_in_dim3A_429 : vector<16x1xi32> to vector<16xi32>
        %gather3A_431 = tpu.dynamic_gather %add3A_421[%gather3A_430] in [0] : vector<16xf32>, vector<16xi32> -> vector<16xf32>
        %add3A_432 = arith.addf %add3A_421, %gather3A_431 : vector<16xf32>
        %lt3A_433 = arith.constant 0 : i32
        %lt3A_434 = vector.broadcast %lt3A_433 : i32 to vector<16xi32>
        %lt3A_435 = arith.cmpi slt, %and3A_16, %lt3A_434 : vector<16xi32>
        %add3A_436 = arith.constant 16 : i32
        %add3A_437 = vector.broadcast %add3A_436 : i32 to vector<16xi32>
        %add3A_438 = arith.addi %and3A_16, %add3A_437 : vector<16xi32>
        %select_n3A_439 = arith.select %lt3A_435, %add3A_438, %and3A_16 : vector<16xi1>, vector<16xi32>
        %broadcast_in_dim3A_440 = vector.shape_cast %select_n3A_439 : vector<16xi32> to vector<16x1xi32>
        %gather3A_441 = vector.shape_cast %broadcast_in_dim3A_440 : vector<16x1xi32> to vector<16xi32>
        %gather3A_442 = tpu.dynamic_gather %add3A_432[%gather3A_441] in [0] : vector<16xf32>, vector<16xi32> -> vector<16xf32>
        %add3A_443 = arith.addf %add3A_432, %gather3A_442 : vector<16xf32>
        %lt3A_444 = arith.constant 0 : i32
        %lt3A_445 = vector.broadcast %lt3A_444 : i32 to vector<16xi32>
        %lt3A_446 = arith.cmpi slt, %and3A_22, %lt3A_445 : vector<16xi32>
        %add3A_447 = arith.constant 16 : i32
        %add3A_448 = vector.broadcast %add3A_447 : i32 to vector<16xi32>
        %add3A_449 = arith.addi %and3A_22, %add3A_448 : vector<16xi32>
        %select_n3A_450 = arith.select %lt3A_446, %add3A_449, %and3A_22 : vector<16xi1>, vector<16xi32>
        %broadcast_in_dim3A_451 = vector.shape_cast %select_n3A_450 : vector<16xi32> to vector<16x1xi32>
        %gather3A_452 = vector.shape_cast %broadcast_in_dim3A_451 : vector<16x1xi32> to vector<16xi32>
        %gather3A_453 = tpu.dynamic_gather %add3A_443[%gather3A_452] in [0] : vector<16xf32>, vector<16xi32> -> vector<16xf32>
        %add3A_454 = arith.addf %add3A_443, %gather3A_453 : vector<16xf32>
        %mul3A_455 = arith.constant 0.176776692 : f32
        %mul3A_456 = vector.broadcast %mul3A_455 : f32 to vector<16xf32>
        %mul3A_457 = arith.mulf %add3A_454, %mul3A_456 : vector<16xf32>
        %max3A_458 = arith.constant -5.000000e+01 : f32
        %max3A_459 = vector.broadcast %max3A_458 : f32 to vector<16xf32>
        %max3A_460 = arith.maximumf %mul3A_457, %max3A_459 : vector<16xf32>
        %min3A_461 = arith.constant 5.000000e+01 : f32
        %min3A_462 = vector.broadcast %min3A_461 : f32 to vector<16xf32>
        %min3A_463 = arith.minimumf %max3A_460, %min3A_462 : vector<16xf32>
        %exp3A_464 = math.exp %min3A_463 : vector<16xf32>
        %get3A_465 = arith.index_cast %scan3A_276 : i32 to index
        %get3A_466 = arith.constant 160 : index
        %get3A_467 = tpu.vector_load %arg19[%get3A_465, %get3A_466] {strides = array<i32>} : memref<32x256xf32, #tpu.memory_space<vmem>>, vector<1x16xf32>,
        %get3A_468 = vector.shape_cast %get3A_467 : vector<1x16xf32> to vector<16xf32>
        %mul3A_469 = arith.mulf %exp3A_464, %get3A_468 : vector<16xf32>
        %swap3A_470 = arith.index_cast %scan3A_276 : i32 to index
        %swap3A_471 = arith.constant 32 : index
        %swap3A_472 = tpu.vector_load %arg22[%swap3A_470, %swap3A_471] {strides = array<i32>} : memref<32x128xf32, #tpu.memory_space<vmem>>, vector<1x16xf32>,
        %swap3A_473 = vector.shape_cast %swap3A_472 : vector<1x16xf32> to vector<16xf32>
        %swap3A_474 = vector.shape_cast %mul3A_469 : vector<16xf32> to vector<1x16xf32>
        tpu.vector_store %arg22[%swap3A_470, %swap3A_471], %swap3A_474 {strides = array<i32>} : memref<32x128xf32, #tpu.memory_space<vmem>>, vector<1x16xf32>,
        %get3A_475 = arith.index_cast %scan3A_276 : i32 to index
        %get3A_476 = arith.constant 176 : index
        %get3A_477 = tpu.vector_load %arg19[%get3A_475, %get3A_476] {strides = array<i32>} : memref<32x256xf32, #tpu.memory_space<vmem>>, vector<1x16xf32>,
        %get3A_478 = vector.shape_cast %get3A_477 : vector<1x16xf32> to vector<16xf32>
        %mul3A_479 = arith.mulf %exp3A_464, %get3A_478 : vector<16xf32>
        %swap3A_480 = arith.index_cast %scan3A_276 : i32 to index
        %swap3A_481 = arith.constant 48 : index
        %swap3A_482 = tpu.vector_load %arg22[%swap3A_480, %swap3A_481] {strides = array<i32>} : memref<32x128xf32, #tpu.memory_space<vmem>>, vector<1x16xf32>,
        %swap3A_483 = vector.shape_cast %swap3A_482 : vector<1x16xf32> to vector<16xf32>
        %swap3A_484 = vector.shape_cast %mul3A_479 : vector<16xf32> to vector<1x16xf32>
        tpu.vector_store %arg22[%swap3A_480, %swap3A_481], %swap3A_484 {strides = array<i32>} : memref<32x128xf32, #tpu.memory_space<vmem>>, vector<1x16xf32>,
        %mul3A_485 = arith.mulf %exp3A_464, %get3A_281 : vector<16xf32>
        %swap3A_486 = arith.index_cast %scan3A_276 : i32 to index
        %swap3A_487 = arith.constant 16 : index
        %swap3A_488 = tpu.vector_load %arg23[%swap3A_486, %swap3A_487] {strides = array<i32>} : memref<32x128xf32, #tpu.memory_space<vmem>>, vector<1x16xf32>,
        %swap3A_489 = vector.shape_cast %swap3A_488 : vector<1x16xf32> to vector<16xf32>
        %swap3A_490 = vector.shape_cast %mul3A_485 : vector<16xf32> to vector<1x16xf32>
        tpu.vector_store %arg23[%swap3A_486, %swap3A_487], %swap3A_490 {strides = array<i32>} : memref<32x128xf32, #tpu.memory_space<vmem>>, vector<1x16xf32>,
        %eq3A_491 = arith.constant 1 : i32
        %eq3A_492 = vector.broadcast %eq3A_491 : i32 to vector<16xi32>
        %eq3A_493 = arith.cmpi eq, %iota3A, %eq3A_492 : vector<16xi32>
        %select_n3A_494 = arith.select %eq3A_493, %exp3A_464, %select_n3A_385 : vector<16xi1>, vector<16xf32>
        %get3A_495 = arith.index_cast %scan3A_276 : i32 to index
        %get3A_496 = arith.constant 64 : index
        %get3A_497 = tpu.vector_load %arg21[%get3A_495, %get3A_496] {strides = array<i32>} : memref<32x256xf32, #tpu.memory_space<vmem>>, vector<1x16xf32>,
        %get3A_498 = vector.shape_cast %get3A_497 : vector<1x16xf32> to vector<16xf32>
        %get3A_499 = arith.index_cast %scan3A_276 : i32 to index
        %get3A_500 = arith.constant 64 : index
        %get3A_501 = tpu.vector_load %arg19[%get3A_499, %get3A_500] {strides = array<i32>} : memref<32x256xf32, #tpu.memory_space<vmem>>, vector<1x16xf32>,
        %get3A_502 = vector.shape_cast %get3A_501 : vector<1x16xf32> to vector<16xf32>
        %mul3A_503 = arith.mulf %get3A_498, %get3A_502 : vector<16xf32>
        %get3A_504 = arith.index_cast %scan3A_276 : i32 to index
        %get3A_505 = arith.constant 80 : index
        %get3A_506 = tpu.vector_load %arg21[%get3A_504, %get3A_505] {strides = array<i32>} : memref<32x256xf32, #tpu.memory_space<vmem>>, vector<1x16xf32>,
        %get3A_507 = vector.shape_cast %get3A_506 : vector<1x16xf32> to vector<16xf32>
        %get3A_508 = arith.index_cast %scan3A_276 : i32 to index
        %get3A_509 = arith.constant 80 : index
        %get3A_510 = tpu.vector_load %arg19[%get3A_508, %get3A_509] {strides = array<i32>} : memref<32x256xf32, #tpu.memory_space<vmem>>, vector<1x16xf32>,
        %get3A_511 = vector.shape_cast %get3A_510 : vector<1x16xf32> to vector<16xf32>
        %mul3A_512 = arith.mulf %get3A_507, %get3A_511 : vector<16xf32>
        %add3A_513 = arith.addf %mul3A_503, %mul3A_512 : vector<16xf32>
        %get3A_514 = arith.index_cast %scan3A_276 : i32 to index
        %get3A_515 = arith.constant 160 : index
        %get3A_516 = tpu.vector_load %arg21[%get3A_514, %get3A_515] {strides = array<i32>} : memref<32x256xf32, #tpu.memory_space<vmem>>, vector<1x16xf32>,
        %get3A_517 = vector.shape_cast %get3A_516 : vector<1x16xf32> to vector<16xf32>
        %mul3A_518 = arith.mulf %get3A_281, %get3A_517 : vector<16xf32>
        %add3A_519 = arith.addf %add3A_513, %mul3A_518 : vector<16xf32>
        %lt3A_520 = arith.constant 0 : i32
        %lt3A_521 = vector.broadcast %lt3A_520 : i32 to vector<16xi32>
        %lt3A_522 = arith.cmpi slt, %and3A_4, %lt3A_521 : vector<16xi32>
        %add3A_523 = arith.constant 16 : i32
        %add3A_524 = vector.broadcast %add3A_523 : i32 to vector<16xi32>
        %add3A_525 = arith.addi %and3A_4, %add3A_524 : vector<16xi32>
        %select_n3A_526 = arith.select %lt3A_522, %add3A_525, %and3A_4 : vector<16xi1>, vector<16xi32>
        %broadcast_in_dim3A_527 = vector.shape_cast %select_n3A_526 : vector<16xi32> to vector<16x1xi32>
        %gather3A_528 = vector.shape_cast %broadcast_in_dim3A_527 : vector<16x1xi32> to vector<16xi32>
        %gather3A_529 = tpu.dynamic_gather %add3A_519[%gather3A_528] in [0] : vector<16xf32>, vector<16xi32> -> vector<16xf32>
        %add3A_530 = arith.addf %add3A_519, %gather3A_529 : vector<16xf32>
        %lt3A_531 = arith.constant 0 : i32
        %lt3A_532 = vector.broadcast %lt3A_531 : i32 to vector<16xi32>
        %lt3A_533 = arith.cmpi slt, %and3A_10, %lt3A_532 : vector<16xi32>
        %add3A_534 = arith.constant 16 : i32
        %add3A_535 = vector.broadcast %add3A_534 : i32 to vector<16xi32>
        %add3A_536 = arith.addi %and3A_10, %add3A_535 : vector<16xi32>
        %select_n3A_537 = arith.select %lt3A_533, %add3A_536, %and3A_10 : vector<16xi1>, vector<16xi32>
        %broadcast_in_dim3A_538 = vector.shape_cast %select_n3A_537 : vector<16xi32> to vector<16x1xi32>
        %gather3A_539 = vector.shape_cast %broadcast_in_dim3A_538 : vector<16x1xi32> to vector<16xi32>
        %gather3A_540 = tpu.dynamic_gather %add3A_530[%gather3A_539] in [0] : vector<16xf32>, vector<16xi32> -> vector<16xf32>
        %add3A_541 = arith.addf %add3A_530, %gather3A_540 : vector<16xf32>
        %lt3A_542 = arith.constant 0 : i32
        %lt3A_543 = vector.broadcast %lt3A_542 : i32 to vector<16xi32>
        %lt3A_544 = arith.cmpi slt, %and3A_16, %lt3A_543 : vector<16xi32>
        %add3A_545 = arith.constant 16 : i32
        %add3A_546 = vector.broadcast %add3A_545 : i32 to vector<16xi32>
        %add3A_547 = arith.addi %and3A_16, %add3A_546 : vector<16xi32>
        %select_n3A_548 = arith.select %lt3A_544, %add3A_547, %and3A_16 : vector<16xi1>, vector<16xi32>
        %broadcast_in_dim3A_549 = vector.shape_cast %select_n3A_548 : vector<16xi32> to vector<16x1xi32>
        %gather3A_550 = vector.shape_cast %broadcast_in_dim3A_549 : vector<16x1xi32> to vector<16xi32>
        %gather3A_551 = tpu.dynamic_gather %add3A_541[%gather3A_550] in [0] : vector<16xf32>, vector<16xi32> -> vector<16xf32>
        %add3A_552 = arith.addf %add3A_541, %gather3A_551 : vector<16xf32>
        %lt3A_553 = arith.constant 0 : i32
        %lt3A_554 = vector.broadcast %lt3A_553 : i32 to vector<16xi32>
        %lt3A_555 = arith.cmpi slt, %and3A_22, %lt3A_554 : vector<16xi32>
        %add3A_556 = arith.constant 16 : i32
        %add3A_557 = vector.broadcast %add3A_556 : i32 to vector<16xi32>
        %add3A_558 = arith.addi %and3A_22, %add3A_557 : vector<16xi32>
        %select_n3A_559 = arith.select %lt3A_555, %add3A_558, %and3A_22 : vector<16xi1>, vector<16xi32>
        %broadcast_in_dim3A_560 = vector.shape_cast %select_n3A_559 : vector<16xi32> to vector<16x1xi32>
        %gather3A_561 = vector.shape_cast %broadcast_in_dim3A_560 : vector<16x1xi32> to vector<16xi32>
        %gather3A_562 = tpu.dynamic_gather %add3A_552[%gather3A_561] in [0] : vector<16xf32>, vector<16xi32> -> vector<16xf32>
        %add3A_563 = arith.addf %add3A_552, %gather3A_562 : vector<16xf32>
        %mul3A_564 = arith.constant 0.176776692 : f32
        %mul3A_565 = vector.broadcast %mul3A_564 : f32 to vector<16xf32>
        %mul3A_566 = arith.mulf %add3A_563, %mul3A_565 : vector<16xf32>
        %max3A_567 = arith.constant -5.000000e+01 : f32
        %max3A_568 = vector.broadcast %max3A_567 : f32 to vector<16xf32>
        %max3A_569 = arith.maximumf %mul3A_566, %max3A_568 : vector<16xf32>
        %min3A_570 = arith.constant 5.000000e+01 : f32
        %min3A_571 = vector.broadcast %min3A_570 : f32 to vector<16xf32>
        %min3A_572 = arith.minimumf %max3A_569, %min3A_571 : vector<16xf32>
        %exp3A_573 = math.exp %min3A_572 : vector<16xf32>
        %get3A_574 = arith.index_cast %scan3A_276 : i32 to index
        %get3A_575 = arith.constant 192 : index
        %get3A_576 = tpu.vector_load %arg19[%get3A_574, %get3A_575] {strides = array<i32>} : memref<32x256xf32, #tpu.memory_space<vmem>>, vector<1x16xf32>,
        %get3A_577 = vector.shape_cast %get3A_576 : vector<1x16xf32> to vector<16xf32>
        %mul3A_578 = arith.mulf %exp3A_573, %get3A_577 : vector<16xf32>
        %swap3A_579 = arith.index_cast %scan3A_276 : i32 to index
        %swap3A_580 = arith.constant 64 : index
        %swap3A_581 = tpu.vector_load %arg22[%swap3A_579, %swap3A_580] {strides = array<i32>} : memref<32x128xf32, #tpu.memory_space<vmem>>, vector<1x16xf32>,
        %swap3A_582 = vector.shape_cast %swap3A_581 : vector<1x16xf32> to vector<16xf32>
        %swap3A_583 = vector.shape_cast %mul3A_578 : vector<16xf32> to vector<1x16xf32>
        tpu.vector_store %arg22[%swap3A_579, %swap3A_580], %swap3A_583 {strides = array<i32>} : memref<32x128xf32, #tpu.memory_space<vmem>>, vector<1x16xf32>,
        %get3A_584 = arith.index_cast %scan3A_276 : i32 to index
        %get3A_585 = arith.constant 208 : index
        %get3A_586 = tpu.vector_load %arg19[%get3A_584, %get3A_585] {strides = array<i32>} : memref<32x256xf32, #tpu.memory_space<vmem>>, vector<1x16xf32>,
        %get3A_587 = vector.shape_cast %get3A_586 : vector<1x16xf32> to vector<16xf32>
        %mul3A_588 = arith.mulf %exp3A_573, %get3A_587 : vector<16xf32>
        %swap3A_589 = arith.index_cast %scan3A_276 : i32 to index
        %swap3A_590 = arith.constant 80 : index
        %swap3A_591 = tpu.vector_load %arg22[%swap3A_589, %swap3A_590] {strides = array<i32>} : memref<32x128xf32, #tpu.memory_space<vmem>>, vector<1x16xf32>,
        %swap3A_592 = vector.shape_cast %swap3A_591 : vector<1x16xf32> to vector<16xf32>
        %swap3A_593 = vector.shape_cast %mul3A_588 : vector<16xf32> to vector<1x16xf32>
        tpu.vector_store %arg22[%swap3A_589, %swap3A_590], %swap3A_593 {strides = array<i32>} : memref<32x128xf32, #tpu.memory_space<vmem>>, vector<1x16xf32>,
        %mul3A_594 = arith.mulf %exp3A_573, %get3A_281 : vector<16xf32>
        %swap3A_595 = arith.index_cast %scan3A_276 : i32 to index
        %swap3A_596 = arith.constant 32 : index
        %swap3A_597 = tpu.vector_load %arg23[%swap3A_595, %swap3A_596] {strides = array<i32>} : memref<32x128xf32, #tpu.memory_space<vmem>>, vector<1x16xf32>,
        %swap3A_598 = vector.shape_cast %swap3A_597 : vector<1x16xf32> to vector<16xf32>
        %swap3A_599 = vector.shape_cast %mul3A_594 : vector<16xf32> to vector<1x16xf32>
        tpu.vector_store %arg23[%swap3A_595, %swap3A_596], %swap3A_599 {strides = array<i32>} : memref<32x128xf32, #tpu.memory_space<vmem>>, vector<1x16xf32>,
        %eq3A_600 = arith.constant 2 : i32
        %eq3A_601 = vector.broadcast %eq3A_600 : i32 to vector<16xi32>
        %eq3A_602 = arith.cmpi eq, %iota3A, %eq3A_601 : vector<16xi32>
        %select_n3A_603 = arith.select %eq3A_602, %exp3A_573, %select_n3A_494 : vector<16xi1>, vector<16xf32>
        %get3A_604 = arith.index_cast %scan3A_276 : i32 to index
        %get3A_605 = arith.constant 96 : index
        %get3A_606 = tpu.vector_load %arg21[%get3A_604, %get3A_605] {strides = array<i32>} : memref<32x256xf32, #tpu.memory_space<vmem>>, vector<1x16xf32>,
        %get3A_607 = vector.shape_cast %get3A_606 : vector<1x16xf32> to vector<16xf32>
        %get3A_608 = arith.index_cast %scan3A_276 : i32 to index
        %get3A_609 = arith.constant 96 : index
        %get3A_610 = tpu.vector_load %arg19[%get3A_608, %get3A_609] {strides = array<i32>} : memref<32x256xf32, #tpu.memory_space<vmem>>, vector<1x16xf32>,
        %get3A_611 = vector.shape_cast %get3A_610 : vector<1x16xf32> to vector<16xf32>
        %mul3A_612 = arith.mulf %get3A_607, %get3A_611 : vector<16xf32>
        %get3A_613 = arith.index_cast %scan3A_276 : i32 to index
        %get3A_614 = arith.constant 112 : index
        %get3A_615 = tpu.vector_load %arg21[%get3A_613, %get3A_614] {strides = array<i32>} : memref<32x256xf32, #tpu.memory_space<vmem>>, vector<1x16xf32>,
        %get3A_616 = vector.shape_cast %get3A_615 : vector<1x16xf32> to vector<16xf32>
        %get3A_617 = arith.index_cast %scan3A_276 : i32 to index
        %get3A_618 = arith.constant 112 : index
        %get3A_619 = tpu.vector_load %arg19[%get3A_617, %get3A_618] {strides = array<i32>} : memref<32x256xf32, #tpu.memory_space<vmem>>, vector<1x16xf32>,
        %get3A_620 = vector.shape_cast %get3A_619 : vector<1x16xf32> to vector<16xf32>
        %mul3A_621 = arith.mulf %get3A_616, %get3A_620 : vector<16xf32>
        %add3A_622 = arith.addf %mul3A_612, %mul3A_621 : vector<16xf32>
        %get3A_623 = arith.index_cast %scan3A_276 : i32 to index
        %get3A_624 = arith.constant 176 : index
        %get3A_625 = tpu.vector_load %arg21[%get3A_623, %get3A_624] {strides = array<i32>} : memref<32x256xf32, #tpu.memory_space<vmem>>, vector<1x16xf32>,
        %get3A_626 = vector.shape_cast %get3A_625 : vector<1x16xf32> to vector<16xf32>
        %mul3A_627 = arith.mulf %get3A_281, %get3A_626 : vector<16xf32>
        %add3A_628 = arith.addf %add3A_622, %mul3A_627 : vector<16xf32>
        %lt3A_629 = arith.constant 0 : i32
        %lt3A_630 = vector.broadcast %lt3A_629 : i32 to vector<16xi32>
        %lt3A_631 = arith.cmpi slt, %and3A_4, %lt3A_630 : vector<16xi32>
        %add3A_632 = arith.constant 16 : i32
        %add3A_633 = vector.broadcast %add3A_632 : i32 to vector<16xi32>
        %add3A_634 = arith.addi %and3A_4, %add3A_633 : vector<16xi32>
        %select_n3A_635 = arith.select %lt3A_631, %add3A_634, %and3A_4 : vector<16xi1>, vector<16xi32>
        %broadcast_in_dim3A_636 = vector.shape_cast %select_n3A_635 : vector<16xi32> to vector<16x1xi32>
        %gather3A_637 = vector.shape_cast %broadcast_in_dim3A_636 : vector<16x1xi32> to vector<16xi32>
        %gather3A_638 = tpu.dynamic_gather %add3A_628[%gather3A_637] in [0] : vector<16xf32>, vector<16xi32> -> vector<16xf32>
        %add3A_639 = arith.addf %add3A_628, %gather3A_638 : vector<16xf32>
        %lt3A_640 = arith.constant 0 : i32
        %lt3A_641 = vector.broadcast %lt3A_640 : i32 to vector<16xi32>
        %lt3A_642 = arith.cmpi slt, %and3A_10, %lt3A_641 : vector<16xi32>
        %add3A_643 = arith.constant 16 : i32
        %add3A_644 = vector.broadcast %add3A_643 : i32 to vector<16xi32>
        %add3A_645 = arith.addi %and3A_10, %add3A_644 : vector<16xi32>
        %select_n3A_646 = arith.select %lt3A_642, %add3A_645, %and3A_10 : vector<16xi1>, vector<16xi32>
        %broadcast_in_dim3A_647 = vector.shape_cast %select_n3A_646 : vector<16xi32> to vector<16x1xi32>
        %gather3A_648 = vector.shape_cast %broadcast_in_dim3A_647 : vector<16x1xi32> to vector<16xi32>
        %gather3A_649 = tpu.dynamic_gather %add3A_639[%gather3A_648] in [0] : vector<16xf32>, vector<16xi32> -> vector<16xf32>
        %add3A_650 = arith.addf %add3A_639, %gather3A_649 : vector<16xf32>
        %lt3A_651 = arith.constant 0 : i32
        %lt3A_652 = vector.broadcast %lt3A_651 : i32 to vector<16xi32>
        %lt3A_653 = arith.cmpi slt, %and3A_16, %lt3A_652 : vector<16xi32>
        %add3A_654 = arith.constant 16 : i32
        %add3A_655 = vector.broadcast %add3A_654 : i32 to vector<16xi32>
        %add3A_656 = arith.addi %and3A_16, %add3A_655 : vector<16xi32>
        %select_n3A_657 = arith.select %lt3A_653, %add3A_656, %and3A_16 : vector<16xi1>, vector<16xi32>
        %broadcast_in_dim3A_658 = vector.shape_cast %select_n3A_657 : vector<16xi32> to vector<16x1xi32>
        %gather3A_659 = vector.shape_cast %broadcast_in_dim3A_658 : vector<16x1xi32> to vector<16xi32>
        %gather3A_660 = tpu.dynamic_gather %add3A_650[%gather3A_659] in [0] : vector<16xf32>, vector<16xi32> -> vector<16xf32>
        %add3A_661 = arith.addf %add3A_650, %gather3A_660 : vector<16xf32>
        %lt3A_662 = arith.constant 0 : i32
        %lt3A_663 = vector.broadcast %lt3A_662 : i32 to vector<16xi32>
        %lt3A_664 = arith.cmpi slt, %and3A_22, %lt3A_663 : vector<16xi32>
        %add3A_665 = arith.constant 16 : i32
        %add3A_666 = vector.broadcast %add3A_665 : i32 to vector<16xi32>
        %add3A_667 = arith.addi %and3A_22, %add3A_666 : vector<16xi32>
        %select_n3A_668 = arith.select %lt3A_664, %add3A_667, %and3A_22 : vector<16xi1>, vector<16xi32>
        %broadcast_in_dim3A_669 = vector.shape_cast %select_n3A_668 : vector<16xi32> to vector<16x1xi32>
        %gather3A_670 = vector.shape_cast %broadcast_in_dim3A_669 : vector<16x1xi32> to vector<16xi32>
        %gather3A_671 = tpu.dynamic_gather %add3A_661[%gather3A_670] in [0] : vector<16xf32>, vector<16xi32> -> vector<16xf32>
        %add3A_672 = arith.addf %add3A_661, %gather3A_671 : vector<16xf32>
        %mul3A_673 = arith.constant 0.176776692 : f32
        %mul3A_674 = vector.broadcast %mul3A_673 : f32 to vector<16xf32>
        %mul3A_675 = arith.mulf %add3A_672, %mul3A_674 : vector<16xf32>
        %max3A_676 = arith.constant -5.000000e+01 : f32
        %max3A_677 = vector.broadcast %max3A_676 : f32 to vector<16xf32>
        %max3A_678 = arith.maximumf %mul3A_675, %max3A_677 : vector<16xf32>
        %min3A_679 = arith.constant 5.000000e+01 : f32
        %min3A_680 = vector.broadcast %min3A_679 : f32 to vector<16xf32>
        %min3A_681 = arith.minimumf %max3A_678, %min3A_680 : vector<16xf32>
        %exp3A_682 = math.exp %min3A_681 : vector<16xf32>
        %get3A_683 = arith.index_cast %scan3A_276 : i32 to index
        %get3A_684 = arith.constant 224 : index
        %get3A_685 = tpu.vector_load %arg19[%get3A_683, %get3A_684] {strides = array<i32>} : memref<32x256xf32, #tpu.memory_space<vmem>>, vector<1x16xf32>,
        %get3A_686 = vector.shape_cast %get3A_685 : vector<1x16xf32> to vector<16xf32>
        %mul3A_687 = arith.mulf %exp3A_682, %get3A_686 : vector<16xf32>
        %swap3A_688 = arith.index_cast %scan3A_276 : i32 to index
        %swap3A_689 = arith.constant 96 : index
        %swap3A_690 = tpu.vector_load %arg22[%swap3A_688, %swap3A_689] {strides = array<i32>} : memref<32x128xf32, #tpu.memory_space<vmem>>, vector<1x16xf32>,
        %swap3A_691 = vector.shape_cast %swap3A_690 : vector<1x16xf32> to vector<16xf32>
        %swap3A_692 = vector.shape_cast %mul3A_687 : vector<16xf32> to vector<1x16xf32>
        tpu.vector_store %arg22[%swap3A_688, %swap3A_689], %swap3A_692 {strides = array<i32>} : memref<32x128xf32, #tpu.memory_space<vmem>>, vector<1x16xf32>,
        %get3A_693 = arith.index_cast %scan3A_276 : i32 to index
        %get3A_694 = arith.constant 240 : index
        %get3A_695 = tpu.vector_load %arg19[%get3A_693, %get3A_694] {strides = array<i32>} : memref<32x256xf32, #tpu.memory_space<vmem>>, vector<1x16xf32>,
        %get3A_696 = vector.shape_cast %get3A_695 : vector<1x16xf32> to vector<16xf32>
        %mul3A_697 = arith.mulf %exp3A_682, %get3A_696 : vector<16xf32>
        %swap3A_698 = arith.index_cast %scan3A_276 : i32 to index
        %swap3A_699 = arith.constant 112 : index
        %swap3A_700 = tpu.vector_load %arg22[%swap3A_698, %swap3A_699] {strides = array<i32>} : memref<32x128xf32, #tpu.memory_space<vmem>>, vector<1x16xf32>,
        %swap3A_701 = vector.shape_cast %swap3A_700 : vector<1x16xf32> to vector<16xf32>
        %swap3A_702 = vector.shape_cast %mul3A_697 : vector<16xf32> to vector<1x16xf32>
        tpu.vector_store %arg22[%swap3A_698, %swap3A_699], %swap3A_702 {strides = array<i32>} : memref<32x128xf32, #tpu.memory_space<vmem>>, vector<1x16xf32>,
        %mul3A_703 = arith.mulf %exp3A_682, %get3A_281 : vector<16xf32>
        %swap3A_704 = arith.index_cast %scan3A_276 : i32 to index
        %swap3A_705 = arith.constant 48 : index
        %swap3A_706 = tpu.vector_load %arg23[%swap3A_704, %swap3A_705] {strides = array<i32>} : memref<32x128xf32, #tpu.memory_space<vmem>>, vector<1x16xf32>,
        %swap3A_707 = vector.shape_cast %swap3A_706 : vector<1x16xf32> to vector<16xf32>
        %swap3A_708 = vector.shape_cast %mul3A_703 : vector<16xf32> to vector<1x16xf32>
        tpu.vector_store %arg23[%swap3A_704, %swap3A_705], %swap3A_708 {strides = array<i32>} : memref<32x128xf32, #tpu.memory_space<vmem>>, vector<1x16xf32>,
        %eq3A_709 = arith.constant 3 : i32
        %eq3A_710 = vector.broadcast %eq3A_709 : i32 to vector<16xi32>
        %eq3A_711 = arith.cmpi eq, %iota3A, %eq3A_710 : vector<16xi32>
        %select_n3A_712 = arith.select %eq3A_711, %exp3A_682, %select_n3A_603 : vector<16xi1>, vector<16xf32>
        %swap3A_713 = arith.index_cast %scan3A_276 : i32 to index
        %swap3A_714 = arith.constant 64 : index
        %swap3A_715 = tpu.vector_load %arg23[%swap3A_713, %swap3A_714] {strides = array<i32>} : memref<32x128xf32, #tpu.memory_space<vmem>>, vector<1x16xf32>,
        %swap3A_716 = vector.shape_cast %swap3A_715 : vector<1x16xf32> to vector<16xf32>
        %swap3A_717 = vector.shape_cast %select_n3A_712 : vector<16xf32> to vector<1x16xf32>
        tpu.vector_store %arg23[%swap3A_713, %swap3A_714], %swap3A_717 {strides = array<i32>} : memref<32x128xf32, #tpu.memory_space<vmem>>, vector<1x16xf32>,
      }
      %scan3A_275 = arith.constant 32 : i32
      "tpu.region"() ({
        %run_scoped3A = tpu.sem_alloc : memref<!tpu.dma_semaphore, #tpu.memory_space<semaphore_mem>>
        %dma_start3A_276 = arith.constant 0 : i32
        %dma_start3A_277 = arith.constant 0 : i32
        %dma_start3A_278 = tpu.memref_slice %arg9[%dma_start3A_276, %dma_start3A_277] : memref<5120x128xf32, #tpu.memory_space<vmem_shared>> -> memref<5120x128xf32, #tpu.memory_space<vmem_shared>>
        tpu.enqueue_indirect_dma source(%arg22 : memref<32x128xf32, #tpu.memory_space<vmem>>) target(%dma_start3A_278 : memref<5120x128xf32, #tpu.memory_space<vmem_shared>>) offsets(%arg15 : memref<32xi32, #tpu.memory_space<vmem>>) semaphore(%run_scoped3A : memref<!tpu.dma_semaphore, #tpu.memory_space<semaphore_mem>>) {add = true}
        %dma_wait3A_279 = arith.constant 0 : i32
        %dma_wait3A_280 = arith.constant 0 : i32
        %dma_wait3A_281 = tpu.memref_slice %arg9[%dma_wait3A_279, %dma_wait3A_280] : memref<5120x128xf32, #tpu.memory_space<vmem_shared>> -> memref<5120x128xf32, #tpu.memory_space<vmem_shared>>
        tpu.wait_indirect_dma semaphore(%run_scoped3A : memref<!tpu.dma_semaphore, #tpu.memory_space<semaphore_mem>>) src(%arg22 : memref<32x128xf32, #tpu.memory_space<vmem>>) dst(%dma_wait3A_281 : memref<5120x128xf32, #tpu.memory_space<vmem_shared>>)
        tpu.yield
      }) : () -> ()
      "tpu.region"() ({
        %run_scoped3A = tpu.sem_alloc : memref<!tpu.dma_semaphore, #tpu.memory_space<semaphore_mem>>
        %dma_start3A_276 = arith.constant 0 : i32
        %dma_start3A_277 = arith.constant 0 : i32
        %dma_start3A_278 = tpu.memref_slice %arg10[%dma_start3A_276, %dma_start3A_277] : memref<5120x128xf32, #tpu.memory_space<vmem_shared>> -> memref<5120x128xf32, #tpu.memory_space<vmem_shared>>
        tpu.enqueue_indirect_dma source(%arg23 : memref<32x128xf32, #tpu.memory_space<vmem>>) target(%dma_start3A_278 : memref<5120x128xf32, #tpu.memory_space<vmem_shared>>) offsets(%arg15 : memref<32xi32, #tpu.memory_space<vmem>>) semaphore(%run_scoped3A : memref<!tpu.dma_semaphore, #tpu.memory_space<semaphore_mem>>) {add = true}
        %dma_wait3A_279 = arith.constant 0 : i32
        %dma_wait3A_280 = arith.constant 0 : i32
        %dma_wait3A_281 = tpu.memref_slice %arg10[%dma_wait3A_279, %dma_wait3A_280] : memref<5120x128xf32, #tpu.memory_space<vmem_shared>> -> memref<5120x128xf32, #tpu.memory_space<vmem_shared>>
        tpu.wait_indirect_dma semaphore(%run_scoped3A : memref<!tpu.dma_semaphore, #tpu.memory_space<semaphore_mem>>) src(%arg23 : memref<32x128xf32, #tpu.memory_space<vmem>>) dst(%dma_wait3A_281 : memref<5120x128xf32, #tpu.memory_space<vmem_shared>>)
        tpu.yield
      }) : () -> ()
    }
    %scan3A_46 = arith.constant 312 : i32
    %add3A_47 = arith.constant 9984 : i32
    %add3A_48 = arith.addi %arg1, %add3A_47 : i32
    %mul3A_49 = arith.constant 32 : i32
    %mul3A_50 = arith.muli %add3A_48, %mul3A_49 : i32
    %dma_start3A = tpu.memref_slice %arg5[%mul3A_50] : memref<320000xi32, #tpu.memory_space<hbm>> -> memref<32xi32, #tpu.memory_space<hbm>>
    %dma_start3A_51 = tpu.memref_slice %arg5[%mul3A_50] : memref<320000xi32, #tpu.memory_space<hbm>> -> memref<32xi32, #tpu.memory_space<hbm>>
    tpu.enqueue_dma source(%dma_start3A_51 : memref<32xi32, #tpu.memory_space<hbm>>) target(%arg11 : memref<32xi32, #tpu.memory_space<vmem>>) target_semaphore(%arg25 : memref<!tpu.dma_semaphore, #tpu.memory_space<semaphore_mem>>)
    %dma_start3A_52 = tpu.memref_slice %arg6[%mul3A_50] : memref<320000xi32, #tpu.memory_space<hbm>> -> memref<32xi32, #tpu.memory_space<hbm>>
    %dma_start3A_53 = tpu.memref_slice %arg6[%mul3A_50] : memref<320000xi32, #tpu.memory_space<hbm>> -> memref<32xi32, #tpu.memory_space<hbm>>
    tpu.enqueue_dma source(%dma_start3A_53 : memref<32xi32, #tpu.memory_space<hbm>>) target(%arg13 : memref<32xi32, #tpu.memory_space<vmem>>) target_semaphore(%arg25 : memref<!tpu.dma_semaphore, #tpu.memory_space<semaphore_mem>>)
    %mul3A_54 = arith.constant 16 : i32
    %mul3A_55 = arith.muli %mul3A_50, %mul3A_54 : i32
    %dma_start3A_56 = tpu.memref_slice %arg4[%mul3A_55] : memref<5120000xf32, #tpu.memory_space<hbm>> -> memref<512xf32, #tpu.memory_space<hbm>>
    %dma_start3A_57 = tpu.memref_slice %arg4[%mul3A_55] : memref<5120000xf32, #tpu.memory_space<hbm>> -> memref<512xf32, #tpu.memory_space<hbm>>
    tpu.enqueue_dma source(%dma_start3A_57 : memref<512xf32, #tpu.memory_space<hbm>>) target(%arg16 : memref<512xf32, #tpu.memory_space<vmem>>) target_semaphore(%arg25 : memref<!tpu.dma_semaphore, #tpu.memory_space<semaphore_mem>>)
    %dma_wait3A = tpu.memref_slice %arg5[%mul3A_50] : memref<320000xi32, #tpu.memory_space<hbm>> -> memref<32xi32, #tpu.memory_space<hbm>>
    %dma_wait3A_58 = tpu.memref_slice %arg5[%mul3A_50] : memref<320000xi32, #tpu.memory_space<hbm>> -> memref<32xi32, #tpu.memory_space<hbm>>
    tpu.wait_dma2 semaphore(%arg25 : memref<!tpu.dma_semaphore, #tpu.memory_space<semaphore_mem>>) src(%dma_wait3A_58 : memref<32xi32, #tpu.memory_space<hbm>>) dst(%arg11 : memref<32xi32, #tpu.memory_space<vmem>>)
    %dma_wait3A_59 = tpu.memref_slice %arg6[%mul3A_50] : memref<320000xi32, #tpu.memory_space<hbm>> -> memref<32xi32, #tpu.memory_space<hbm>>
    %dma_wait3A_60 = tpu.memref_slice %arg6[%mul3A_50] : memref<320000xi32, #tpu.memory_space<hbm>> -> memref<32xi32, #tpu.memory_space<hbm>>
    tpu.wait_dma2 semaphore(%arg25 : memref<!tpu.dma_semaphore, #tpu.memory_space<semaphore_mem>>) src(%dma_wait3A_60 : memref<32xi32, #tpu.memory_space<hbm>>) dst(%arg13 : memref<32xi32, #tpu.memory_space<vmem>>)
    %dma_wait3A_61 = tpu.memref_slice %arg4[%mul3A_55] : memref<5120000xf32, #tpu.memory_space<hbm>> -> memref<512xf32, #tpu.memory_space<hbm>>
    %dma_wait3A_62 = tpu.memref_slice %arg4[%mul3A_55] : memref<5120000xf32, #tpu.memory_space<hbm>> -> memref<512xf32, #tpu.memory_space<hbm>>
    tpu.wait_dma2 semaphore(%arg25 : memref<!tpu.dma_semaphore, #tpu.memory_space<semaphore_mem>>) src(%dma_wait3A_62 : memref<512xf32, #tpu.memory_space<hbm>>) dst(%arg16 : memref<512xf32, #tpu.memory_space<vmem>>)
    %dma_start3A_63 = arith.constant 0 : i32
    %dma_start3A_64 = arith.constant 0 : i32
    %dma_start3A_65 = tpu.memref_slice %arg3[%dma_start3A_63, %dma_start3A_64] : memref<10000x256xf32, #tpu.memory_space<hbm>> -> memref<10000x256xf32, #tpu.memory_space<hbm>>
    tpu.enqueue_indirect_dma source(%dma_start3A_65 : memref<10000x256xf32, #tpu.memory_space<hbm>>) target(%arg18 : memref<32x256xf32, #tpu.memory_space<vmem>>) offsets(%arg11 : memref<32xi32, #tpu.memory_space<vmem>>) semaphore(%arg27 : memref<!tpu.dma_semaphore, #tpu.memory_space<semaphore_mem>>)
    %dma_start3A_66 = arith.constant 0 : i32
    %dma_start3A_67 = arith.constant 0 : i32
    %dma_start3A_68 = tpu.memref_slice %arg2[%dma_start3A_66, %dma_start3A_67] : memref<10000x256xf32, #tpu.memory_space<hbm>> -> memref<10000x256xf32, #tpu.memory_space<hbm>>
    tpu.enqueue_indirect_dma source(%dma_start3A_68 : memref<10000x256xf32, #tpu.memory_space<hbm>>) target(%arg20 : memref<32x256xf32, #tpu.memory_space<vmem>>) offsets(%arg13 : memref<32xi32, #tpu.memory_space<vmem>>) semaphore(%arg29 : memref<!tpu.dma_semaphore, #tpu.memory_space<semaphore_mem>>)
    %dma_wait3A_69 = arith.constant 0 : i32
    %dma_wait3A_70 = arith.constant 0 : i32
    %dma_wait3A_71 = tpu.memref_slice %arg3[%dma_wait3A_69, %dma_wait3A_70] : memref<10000x256xf32, #tpu.memory_space<hbm>> -> memref<10000x256xf32, #tpu.memory_space<hbm>>
    tpu.wait_indirect_dma semaphore(%arg27 : memref<!tpu.dma_semaphore, #tpu.memory_space<semaphore_mem>>) src(%dma_wait3A_71 : memref<10000x256xf32, #tpu.memory_space<hbm>>) dst(%arg18 : memref<32x256xf32, #tpu.memory_space<vmem>>)
    %dma_wait3A_72 = arith.constant 0 : i32
    %dma_wait3A_73 = arith.constant 0 : i32
    %dma_wait3A_74 = tpu.memref_slice %arg2[%dma_wait3A_72, %dma_wait3A_73] : memref<10000x256xf32, #tpu.memory_space<hbm>> -> memref<10000x256xf32, #tpu.memory_space<hbm>>
    tpu.wait_indirect_dma semaphore(%arg29 : memref<!tpu.dma_semaphore, #tpu.memory_space<semaphore_mem>>) src(%dma_wait3A_74 : memref<10000x256xf32, #tpu.memory_space<hbm>>) dst(%arg20 : memref<32x256xf32, #tpu.memory_space<vmem>>)
    %get3A = arith.constant 0 : index
    %get3A_75 = tpu.vector_load %arg13[%get3A] {strides = array<i32>} : memref<32xi32, #tpu.memory_space<vmem>>, vector<16xi32>,
    %get3A_76 = vector.shape_cast %get3A_75 : vector<16xi32> to vector<16xi32>
    %sub3A = vector.broadcast %mul3A_23 : i32 to vector<16xi32>
    %sub3A_77 = arith.subi %get3A_76, %sub3A : vector<16xi32>
    %ge3A = arith.constant 0 : i32
    %ge3A_78 = vector.broadcast %ge3A : i32 to vector<16xi32>
    %ge3A_79 = arith.cmpi sge, %sub3A_77, %ge3A_78 : vector<16xi32>
    %lt3A = arith.constant 5000 : i32
    %lt3A_80 = vector.broadcast %lt3A : i32 to vector<16xi32>
    %lt3A_81 = arith.cmpi slt, %sub3A_77, %lt3A_80 : vector<16xi32>
    %and3A_82 = arith.andi %ge3A_79, %lt3A_81 : vector<16xi1>
    %jit3A = arith.constant 5000 : i32
    %broadcast_in_dim3A_83 = vector.broadcast %jit3A : i32 to vector<16xi32>
    %select_n3A = arith.select %and3A_82, %sub3A_77, %broadcast_in_dim3A_83 : vector<16xi1>, vector<16xi32>
    %swap3A = arith.constant 0 : index
    %swap3A_84 = tpu.vector_load %arg15[%swap3A] {strides = array<i32>} : memref<32xi32, #tpu.memory_space<vmem>>, vector<16xi32>,
    %swap3A_85 = vector.shape_cast %swap3A_84 : vector<16xi32> to vector<16xi32>
    %swap3A_86 = vector.shape_cast %select_n3A : vector<16xi32> to vector<16xi32>
    tpu.vector_store %arg15[%swap3A], %swap3A_86 {strides = array<i32>} : memref<32xi32, #tpu.memory_space<vmem>>, vector<16xi32>,
    %get3A_87 = arith.constant 16 : index
    %get3A_88 = tpu.vector_load %arg13[%get3A_87] {strides = array<i32>} : memref<32xi32, #tpu.memory_space<vmem>>, vector<16xi32>,
    %get3A_89 = vector.shape_cast %get3A_88 : vector<16xi32> to vector<16xi32>
    %sub3A_90 = vector.broadcast %mul3A_23 : i32 to vector<16xi32>
    %sub3A_91 = arith.subi %get3A_89, %sub3A_90 : vector<16xi32>
    %ge3A_92 = arith.constant 0 : i32
    %ge3A_93 = vector.broadcast %ge3A_92 : i32 to vector<16xi32>
    %ge3A_94 = arith.cmpi sge, %sub3A_91, %ge3A_93 : vector<16xi32>
    %lt3A_95 = arith.constant 5000 : i32
    %lt3A_96 = vector.broadcast %lt3A_95 : i32 to vector<16xi32>
    %lt3A_97 = arith.cmpi slt, %sub3A_91, %lt3A_96 : vector<16xi32>
    %and3A_98 = arith.andi %ge3A_94, %lt3A_97 : vector<16xi1>
    %jit3A_99 = arith.constant 5000 : i32
    %broadcast_in_dim3A_100 = vector.broadcast %jit3A_99 : i32 to vector<16xi32>
    %select_n3A_101 = arith.select %and3A_98, %sub3A_91, %broadcast_in_dim3A_100 : vector<16xi1>, vector<16xi32>
    %swap3A_102 = arith.constant 16 : index
    %swap3A_103 = tpu.vector_load %arg15[%swap3A_102] {strides = array<i32>} : memref<32xi32, #tpu.memory_space<vmem>>, vector<16xi32>,
    %swap3A_104 = vector.shape_cast %swap3A_103 : vector<16xi32> to vector<16xi32>
    %swap3A_105 = vector.shape_cast %select_n3A_101 : vector<16xi32> to vector<16xi32>
    tpu.vector_store %arg15[%swap3A_102], %swap3A_105 {strides = array<i32>} : memref<32xi32, #tpu.memory_space<vmem>>, vector<16xi32>,
    %scan3A_106 = arith.constant 0 : i32
    %scan3A_107 = arith.constant 0 : i32
    %scan3A_108 = arith.constant 32 : i32
    %scan3A_109 = arith.addi %scan3A_107, %scan3A_108 : i32
    %scan3A_110 = arith.constant 1 : i32
    scf.for %scan3A_119 = %scan3A_107 to %scan3A_109 step %scan3A_110  : i32 {
      %mul3A_120 = arith.constant 16 : i32
      %mul3A_121 = arith.muli %scan3A_119, %mul3A_120 : i32
      %get3A_122 = arith.index_cast %mul3A_121 : i32 to index
      %get3A_123 = tpu.vector_load %arg16[%get3A_122] {strides = array<i32>} : memref<512xf32, #tpu.memory_space<vmem>>, vector<16xf32>,
      %get3A_124 = vector.shape_cast %get3A_123 : vector<16xf32> to vector<16xf32>
      %get3A_125 = arith.index_cast %scan3A_119 : i32 to index
      %get3A_126 = arith.constant 0 : index
      %get3A_127 = tpu.vector_load %arg20[%get3A_125, %get3A_126] {strides = array<i32>} : memref<32x256xf32, #tpu.memory_space<vmem>>, vector<1x16xf32>,
      %get3A_128 = vector.shape_cast %get3A_127 : vector<1x16xf32> to vector<16xf32>
      %get3A_129 = arith.index_cast %scan3A_119 : i32 to index
      %get3A_130 = arith.constant 0 : index
      %get3A_131 = tpu.vector_load %arg18[%get3A_129, %get3A_130] {strides = array<i32>} : memref<32x256xf32, #tpu.memory_space<vmem>>, vector<1x16xf32>,
      %get3A_132 = vector.shape_cast %get3A_131 : vector<1x16xf32> to vector<16xf32>
      %mul3A_133 = arith.mulf %get3A_128, %get3A_132 : vector<16xf32>
      %get3A_134 = arith.index_cast %scan3A_119 : i32 to index
      %get3A_135 = arith.constant 16 : index
      %get3A_136 = tpu.vector_load %arg20[%get3A_134, %get3A_135] {strides = array<i32>} : memref<32x256xf32, #tpu.memory_space<vmem>>, vector<1x16xf32>,
      %get3A_137 = vector.shape_cast %get3A_136 : vector<1x16xf32> to vector<16xf32>
      %get3A_138 = arith.index_cast %scan3A_119 : i32 to index
      %get3A_139 = arith.constant 16 : index
      %get3A_140 = tpu.vector_load %arg18[%get3A_138, %get3A_139] {strides = array<i32>} : memref<32x256xf32, #tpu.memory_space<vmem>>, vector<1x16xf32>,
      %get3A_141 = vector.shape_cast %get3A_140 : vector<1x16xf32> to vector<16xf32>
      %mul3A_142 = arith.mulf %get3A_137, %get3A_141 : vector<16xf32>
      %add3A_143 = arith.addf %mul3A_133, %mul3A_142 : vector<16xf32>
      %get3A_144 = arith.index_cast %scan3A_119 : i32 to index
      %get3A_145 = arith.constant 128 : index
      %get3A_146 = tpu.vector_load %arg20[%get3A_144, %get3A_145] {strides = array<i32>} : memref<32x256xf32, #tpu.memory_space<vmem>>, vector<1x16xf32>,
      %get3A_147 = vector.shape_cast %get3A_146 : vector<1x16xf32> to vector<16xf32>
      %mul3A_148 = arith.mulf %get3A_124, %get3A_147 : vector<16xf32>
      %add3A_149 = arith.addf %add3A_143, %mul3A_148 : vector<16xf32>
      %lt3A_150 = arith.constant 0 : i32
      %lt3A_151 = vector.broadcast %lt3A_150 : i32 to vector<16xi32>
      %lt3A_152 = arith.cmpi slt, %and3A_4, %lt3A_151 : vector<16xi32>
      %add3A_153 = arith.constant 16 : i32
      %add3A_154 = vector.broadcast %add3A_153 : i32 to vector<16xi32>
      %add3A_155 = arith.addi %and3A_4, %add3A_154 : vector<16xi32>
      %select_n3A_156 = arith.select %lt3A_152, %add3A_155, %and3A_4 : vector<16xi1>, vector<16xi32>
      %broadcast_in_dim3A_157 = vector.shape_cast %select_n3A_156 : vector<16xi32> to vector<16x1xi32>
      %gather3A = vector.shape_cast %broadcast_in_dim3A_157 : vector<16x1xi32> to vector<16xi32>
      %gather3A_158 = tpu.dynamic_gather %add3A_149[%gather3A] in [0] : vector<16xf32>, vector<16xi32> -> vector<16xf32>
      %add3A_159 = arith.addf %add3A_149, %gather3A_158 : vector<16xf32>
      %lt3A_160 = arith.constant 0 : i32
      %lt3A_161 = vector.broadcast %lt3A_160 : i32 to vector<16xi32>
      %lt3A_162 = arith.cmpi slt, %and3A_10, %lt3A_161 : vector<16xi32>
      %add3A_163 = arith.constant 16 : i32
      %add3A_164 = vector.broadcast %add3A_163 : i32 to vector<16xi32>
      %add3A_165 = arith.addi %and3A_10, %add3A_164 : vector<16xi32>
      %select_n3A_166 = arith.select %lt3A_162, %add3A_165, %and3A_10 : vector<16xi1>, vector<16xi32>
      %broadcast_in_dim3A_167 = vector.shape_cast %select_n3A_166 : vector<16xi32> to vector<16x1xi32>
      %gather3A_168 = vector.shape_cast %broadcast_in_dim3A_167 : vector<16x1xi32> to vector<16xi32>
      %gather3A_169 = tpu.dynamic_gather %add3A_159[%gather3A_168] in [0] : vector<16xf32>, vector<16xi32> -> vector<16xf32>
      %add3A_170 = arith.addf %add3A_159, %gather3A_169 : vector<16xf32>
      %lt3A_171 = arith.constant 0 : i32
      %lt3A_172 = vector.broadcast %lt3A_171 : i32 to vector<16xi32>
      %lt3A_173 = arith.cmpi slt, %and3A_16, %lt3A_172 : vector<16xi32>
      %add3A_174 = arith.constant 16 : i32
      %add3A_175 = vector.broadcast %add3A_174 : i32 to vector<16xi32>
      %add3A_176 = arith.addi %and3A_16, %add3A_175 : vector<16xi32>
      %select_n3A_177 = arith.select %lt3A_173, %add3A_176, %and3A_16 : vector<16xi1>, vector<16xi32>
      %broadcast_in_dim3A_178 = vector.shape_cast %select_n3A_177 : vector<16xi32> to vector<16x1xi32>
      %gather3A_179 = vector.shape_cast %broadcast_in_dim3A_178 : vector<16x1xi32> to vector<16xi32>
      %gather3A_180 = tpu.dynamic_gather %add3A_170[%gather3A_179] in [0] : vector<16xf32>, vector<16xi32> -> vector<16xf32>
      %add3A_181 = arith.addf %add3A_170, %gather3A_180 : vector<16xf32>
      %lt3A_182 = arith.constant 0 : i32
      %lt3A_183 = vector.broadcast %lt3A_182 : i32 to vector<16xi32>
      %lt3A_184 = arith.cmpi slt, %and3A_22, %lt3A_183 : vector<16xi32>
      %add3A_185 = arith.constant 16 : i32
      %add3A_186 = vector.broadcast %add3A_185 : i32 to vector<16xi32>
      %add3A_187 = arith.addi %and3A_22, %add3A_186 : vector<16xi32>
      %select_n3A_188 = arith.select %lt3A_184, %add3A_187, %and3A_22 : vector<16xi1>, vector<16xi32>
      %broadcast_in_dim3A_189 = vector.shape_cast %select_n3A_188 : vector<16xi32> to vector<16x1xi32>
      %gather3A_190 = vector.shape_cast %broadcast_in_dim3A_189 : vector<16x1xi32> to vector<16xi32>
      %gather3A_191 = tpu.dynamic_gather %add3A_181[%gather3A_190] in [0] : vector<16xf32>, vector<16xi32> -> vector<16xf32>
      %add3A_192 = arith.addf %add3A_181, %gather3A_191 : vector<16xf32>
      %mul3A_193 = arith.constant 0.176776692 : f32
      %mul3A_194 = vector.broadcast %mul3A_193 : f32 to vector<16xf32>
      %mul3A_195 = arith.mulf %add3A_192, %mul3A_194 : vector<16xf32>
      %max3A = arith.constant -5.000000e+01 : f32
      %max3A_196 = vector.broadcast %max3A : f32 to vector<16xf32>
      %max3A_197 = arith.maximumf %mul3A_195, %max3A_196 : vector<16xf32>
      %min3A = arith.constant 5.000000e+01 : f32
      %min3A_198 = vector.broadcast %min3A : f32 to vector<16xf32>
      %min3A_199 = arith.minimumf %max3A_197, %min3A_198 : vector<16xf32>
      %exp3A = math.exp %min3A_199 : vector<16xf32>
      %get3A_200 = arith.index_cast %scan3A_119 : i32 to index
      %get3A_201 = arith.constant 128 : index
      %get3A_202 = tpu.vector_load %arg18[%get3A_200, %get3A_201] {strides = array<i32>} : memref<32x256xf32, #tpu.memory_space<vmem>>, vector<1x16xf32>,
      %get3A_203 = vector.shape_cast %get3A_202 : vector<1x16xf32> to vector<16xf32>
      %mul3A_204 = arith.mulf %exp3A, %get3A_203 : vector<16xf32>
      %swap3A_205 = arith.index_cast %scan3A_119 : i32 to index
      %swap3A_206 = arith.constant 0 : index
      %swap3A_207 = tpu.vector_load %arg22[%swap3A_205, %swap3A_206] {strides = array<i32>} : memref<32x128xf32, #tpu.memory_space<vmem>>, vector<1x16xf32>,
      %swap3A_208 = vector.shape_cast %swap3A_207 : vector<1x16xf32> to vector<16xf32>
      %swap3A_209 = vector.shape_cast %mul3A_204 : vector<16xf32> to vector<1x16xf32>
      tpu.vector_store %arg22[%swap3A_205, %swap3A_206], %swap3A_209 {strides = array<i32>} : memref<32x128xf32, #tpu.memory_space<vmem>>, vector<1x16xf32>,
      %get3A_210 = arith.index_cast %scan3A_119 : i32 to index
      %get3A_211 = arith.constant 144 : index
      %get3A_212 = tpu.vector_load %arg18[%get3A_210, %get3A_211] {strides = array<i32>} : memref<32x256xf32, #tpu.memory_space<vmem>>, vector<1x16xf32>,
      %get3A_213 = vector.shape_cast %get3A_212 : vector<1x16xf32> to vector<16xf32>
      %mul3A_214 = arith.mulf %exp3A, %get3A_213 : vector<16xf32>
      %swap3A_215 = arith.index_cast %scan3A_119 : i32 to index
      %swap3A_216 = arith.constant 16 : index
      %swap3A_217 = tpu.vector_load %arg22[%swap3A_215, %swap3A_216] {strides = array<i32>} : memref<32x128xf32, #tpu.memory_space<vmem>>, vector<1x16xf32>,
      %swap3A_218 = vector.shape_cast %swap3A_217 : vector<1x16xf32> to vector<16xf32>
      %swap3A_219 = vector.shape_cast %mul3A_214 : vector<16xf32> to vector<1x16xf32>
      tpu.vector_store %arg22[%swap3A_215, %swap3A_216], %swap3A_219 {strides = array<i32>} : memref<32x128xf32, #tpu.memory_space<vmem>>, vector<1x16xf32>,
      %mul3A_220 = arith.mulf %exp3A, %get3A_124 : vector<16xf32>
      %swap3A_221 = arith.index_cast %scan3A_119 : i32 to index
      %swap3A_222 = arith.constant 0 : index
      %swap3A_223 = tpu.vector_load %arg23[%swap3A_221, %swap3A_222] {strides = array<i32>} : memref<32x128xf32, #tpu.memory_space<vmem>>, vector<1x16xf32>,
      %swap3A_224 = vector.shape_cast %swap3A_223 : vector<1x16xf32> to vector<16xf32>
      %swap3A_225 = vector.shape_cast %mul3A_220 : vector<16xf32> to vector<1x16xf32>
      tpu.vector_store %arg23[%swap3A_221, %swap3A_222], %swap3A_225 {strides = array<i32>} : memref<32x128xf32, #tpu.memory_space<vmem>>, vector<1x16xf32>,
      %eq3A = arith.constant 0 : i32
      %eq3A_226 = vector.broadcast %eq3A : i32 to vector<16xi32>
      %eq3A_227 = arith.cmpi eq, %iota3A, %eq3A_226 : vector<16xi32>
      %select_n3A_228 = arith.select %eq3A_227, %exp3A, %broadcast_in_dim3A_0 : vector<16xi1>, vector<16xf32>
      %get3A_229 = arith.index_cast %scan3A_119 : i32 to index
      %get3A_230 = arith.constant 32 : index
      %get3A_231 = tpu.vector_load %arg20[%get3A_229, %get3A_230] {strides = array<i32>} : memref<32x256xf32, #tpu.memory_space<vmem>>, vector<1x16xf32>,
      %get3A_232 = vector.shape_cast %get3A_231 : vector<1x16xf32> to vector<16xf32>
      %get3A_233 = arith.index_cast %scan3A_119 : i32 to index
      %get3A_234 = arith.constant 32 : index
      %get3A_235 = tpu.vector_load %arg18[%get3A_233, %get3A_234] {strides = array<i32>} : memref<32x256xf32, #tpu.memory_space<vmem>>, vector<1x16xf32>,
      %get3A_236 = vector.shape_cast %get3A_235 : vector<1x16xf32> to vector<16xf32>
      %mul3A_237 = arith.mulf %get3A_232, %get3A_236 : vector<16xf32>
      %get3A_238 = arith.index_cast %scan3A_119 : i32 to index
      %get3A_239 = arith.constant 48 : index
      %get3A_240 = tpu.vector_load %arg20[%get3A_238, %get3A_239] {strides = array<i32>} : memref<32x256xf32, #tpu.memory_space<vmem>>, vector<1x16xf32>,
      %get3A_241 = vector.shape_cast %get3A_240 : vector<1x16xf32> to vector<16xf32>
      %get3A_242 = arith.index_cast %scan3A_119 : i32 to index
      %get3A_243 = arith.constant 48 : index
      %get3A_244 = tpu.vector_load %arg18[%get3A_242, %get3A_243] {strides = array<i32>} : memref<32x256xf32, #tpu.memory_space<vmem>>, vector<1x16xf32>,
      %get3A_245 = vector.shape_cast %get3A_244 : vector<1x16xf32> to vector<16xf32>
      %mul3A_246 = arith.mulf %get3A_241, %get3A_245 : vector<16xf32>
      %add3A_247 = arith.addf %mul3A_237, %mul3A_246 : vector<16xf32>
      %get3A_248 = arith.index_cast %scan3A_119 : i32 to index
      %get3A_249 = arith.constant 144 : index
      %get3A_250 = tpu.vector_load %arg20[%get3A_248, %get3A_249] {strides = array<i32>} : memref<32x256xf32, #tpu.memory_space<vmem>>, vector<1x16xf32>,
      %get3A_251 = vector.shape_cast %get3A_250 : vector<1x16xf32> to vector<16xf32>
      %mul3A_252 = arith.mulf %get3A_124, %get3A_251 : vector<16xf32>
      %add3A_253 = arith.addf %add3A_247, %mul3A_252 : vector<16xf32>
      %lt3A_254 = arith.constant 0 : i32
      %lt3A_255 = vector.broadcast %lt3A_254 : i32 to vector<16xi32>
      %lt3A_256 = arith.cmpi slt, %and3A_4, %lt3A_255 : vector<16xi32>
      %add3A_257 = arith.constant 16 : i32
      %add3A_258 = vector.broadcast %add3A_257 : i32 to vector<16xi32>
      %add3A_259 = arith.addi %and3A_4, %add3A_258 : vector<16xi32>
      %select_n3A_260 = arith.select %lt3A_256, %add3A_259, %and3A_4 : vector<16xi1>, vector<16xi32>
      %broadcast_in_dim3A_261 = vector.shape_cast %select_n3A_260 : vector<16xi32> to vector<16x1xi32>
      %gather3A_262 = vector.shape_cast %broadcast_in_dim3A_261 : vector<16x1xi32> to vector<16xi32>
      %gather3A_263 = tpu.dynamic_gather %add3A_253[%gather3A_262] in [0] : vector<16xf32>, vector<16xi32> -> vector<16xf32>
      %add3A_264 = arith.addf %add3A_253, %gather3A_263 : vector<16xf32>
      %lt3A_265 = arith.constant 0 : i32
      %lt3A_266 = vector.broadcast %lt3A_265 : i32 to vector<16xi32>
      %lt3A_267 = arith.cmpi slt, %and3A_10, %lt3A_266 : vector<16xi32>
      %add3A_268 = arith.constant 16 : i32
      %add3A_269 = vector.broadcast %add3A_268 : i32 to vector<16xi32>
      %add3A_270 = arith.addi %and3A_10, %add3A_269 : vector<16xi32>
      %select_n3A_271 = arith.select %lt3A_267, %add3A_270, %and3A_10 : vector<16xi1>, vector<16xi32>
      %broadcast_in_dim3A_272 = vector.shape_cast %select_n3A_271 : vector<16xi32> to vector<16x1xi32>
      %gather3A_273 = vector.shape_cast %broadcast_in_dim3A_272 : vector<16x1xi32> to vector<16xi32>
      %gather3A_274 = tpu.dynamic_gather %add3A_264[%gather3A_273] in [0] : vector<16xf32>, vector<16xi32> -> vector<16xf32>
      %add3A_275 = arith.addf %add3A_264, %gather3A_274 : vector<16xf32>
      %lt3A_276 = arith.constant 0 : i32
      %lt3A_277 = vector.broadcast %lt3A_276 : i32 to vector<16xi32>
      %lt3A_278 = arith.cmpi slt, %and3A_16, %lt3A_277 : vector<16xi32>
      %add3A_279 = arith.constant 16 : i32
      %add3A_280 = vector.broadcast %add3A_279 : i32 to vector<16xi32>
      %add3A_281 = arith.addi %and3A_16, %add3A_280 : vector<16xi32>
      %select_n3A_282 = arith.select %lt3A_278, %add3A_281, %and3A_16 : vector<16xi1>, vector<16xi32>
      %broadcast_in_dim3A_283 = vector.shape_cast %select_n3A_282 : vector<16xi32> to vector<16x1xi32>
      %gather3A_284 = vector.shape_cast %broadcast_in_dim3A_283 : vector<16x1xi32> to vector<16xi32>
      %gather3A_285 = tpu.dynamic_gather %add3A_275[%gather3A_284] in [0] : vector<16xf32>, vector<16xi32> -> vector<16xf32>
      %add3A_286 = arith.addf %add3A_275, %gather3A_285 : vector<16xf32>
      %lt3A_287 = arith.constant 0 : i32
      %lt3A_288 = vector.broadcast %lt3A_287 : i32 to vector<16xi32>
      %lt3A_289 = arith.cmpi slt, %and3A_22, %lt3A_288 : vector<16xi32>
      %add3A_290 = arith.constant 16 : i32
      %add3A_291 = vector.broadcast %add3A_290 : i32 to vector<16xi32>
      %add3A_292 = arith.addi %and3A_22, %add3A_291 : vector<16xi32>
      %select_n3A_293 = arith.select %lt3A_289, %add3A_292, %and3A_22 : vector<16xi1>, vector<16xi32>
      %broadcast_in_dim3A_294 = vector.shape_cast %select_n3A_293 : vector<16xi32> to vector<16x1xi32>
      %gather3A_295 = vector.shape_cast %broadcast_in_dim3A_294 : vector<16x1xi32> to vector<16xi32>
      %gather3A_296 = tpu.dynamic_gather %add3A_286[%gather3A_295] in [0] : vector<16xf32>, vector<16xi32> -> vector<16xf32>
      %add3A_297 = arith.addf %add3A_286, %gather3A_296 : vector<16xf32>
      %mul3A_298 = arith.constant 0.176776692 : f32
      %mul3A_299 = vector.broadcast %mul3A_298 : f32 to vector<16xf32>
      %mul3A_300 = arith.mulf %add3A_297, %mul3A_299 : vector<16xf32>
      %max3A_301 = arith.constant -5.000000e+01 : f32
      %max3A_302 = vector.broadcast %max3A_301 : f32 to vector<16xf32>
      %max3A_303 = arith.maximumf %mul3A_300, %max3A_302 : vector<16xf32>
      %min3A_304 = arith.constant 5.000000e+01 : f32
      %min3A_305 = vector.broadcast %min3A_304 : f32 to vector<16xf32>
      %min3A_306 = arith.minimumf %max3A_303, %min3A_305 : vector<16xf32>
      %exp3A_307 = math.exp %min3A_306 : vector<16xf32>
      %get3A_308 = arith.index_cast %scan3A_119 : i32 to index
      %get3A_309 = arith.constant 160 : index
      %get3A_310 = tpu.vector_load %arg18[%get3A_308, %get3A_309] {strides = array<i32>} : memref<32x256xf32, #tpu.memory_space<vmem>>, vector<1x16xf32>,
      %get3A_311 = vector.shape_cast %get3A_310 : vector<1x16xf32> to vector<16xf32>
      %mul3A_312 = arith.mulf %exp3A_307, %get3A_311 : vector<16xf32>
      %swap3A_313 = arith.index_cast %scan3A_119 : i32 to index
      %swap3A_314 = arith.constant 32 : index
      %swap3A_315 = tpu.vector_load %arg22[%swap3A_313, %swap3A_314] {strides = array<i32>} : memref<32x128xf32, #tpu.memory_space<vmem>>, vector<1x16xf32>,
      %swap3A_316 = vector.shape_cast %swap3A_315 : vector<1x16xf32> to vector<16xf32>
      %swap3A_317 = vector.shape_cast %mul3A_312 : vector<16xf32> to vector<1x16xf32>
      tpu.vector_store %arg22[%swap3A_313, %swap3A_314], %swap3A_317 {strides = array<i32>} : memref<32x128xf32, #tpu.memory_space<vmem>>, vector<1x16xf32>,
      %get3A_318 = arith.index_cast %scan3A_119 : i32 to index
      %get3A_319 = arith.constant 176 : index
      %get3A_320 = tpu.vector_load %arg18[%get3A_318, %get3A_319] {strides = array<i32>} : memref<32x256xf32, #tpu.memory_space<vmem>>, vector<1x16xf32>,
      %get3A_321 = vector.shape_cast %get3A_320 : vector<1x16xf32> to vector<16xf32>
      %mul3A_322 = arith.mulf %exp3A_307, %get3A_321 : vector<16xf32>
      %swap3A_323 = arith.index_cast %scan3A_119 : i32 to index
      %swap3A_324 = arith.constant 48 : index
      %swap3A_325 = tpu.vector_load %arg22[%swap3A_323, %swap3A_324] {strides = array<i32>} : memref<32x128xf32, #tpu.memory_space<vmem>>, vector<1x16xf32>,
      %swap3A_326 = vector.shape_cast %swap3A_325 : vector<1x16xf32> to vector<16xf32>
      %swap3A_327 = vector.shape_cast %mul3A_322 : vector<16xf32> to vector<1x16xf32>
      tpu.vector_store %arg22[%swap3A_323, %swap3A_324], %swap3A_327 {strides = array<i32>} : memref<32x128xf32, #tpu.memory_space<vmem>>, vector<1x16xf32>,
      %mul3A_328 = arith.mulf %exp3A_307, %get3A_124 : vector<16xf32>
      %swap3A_329 = arith.index_cast %scan3A_119 : i32 to index
      %swap3A_330 = arith.constant 16 : index
      %swap3A_331 = tpu.vector_load %arg23[%swap3A_329, %swap3A_330] {strides = array<i32>} : memref<32x128xf32, #tpu.memory_space<vmem>>, vector<1x16xf32>,
      %swap3A_332 = vector.shape_cast %swap3A_331 : vector<1x16xf32> to vector<16xf32>
      %swap3A_333 = vector.shape_cast %mul3A_328 : vector<16xf32> to vector<1x16xf32>
      tpu.vector_store %arg23[%swap3A_329, %swap3A_330], %swap3A_333 {strides = array<i32>} : memref<32x128xf32, #tpu.memory_space<vmem>>, vector<1x16xf32>,
      %eq3A_334 = arith.constant 1 : i32
      %eq3A_335 = vector.broadcast %eq3A_334 : i32 to vector<16xi32>
      %eq3A_336 = arith.cmpi eq, %iota3A, %eq3A_335 : vector<16xi32>
      %select_n3A_337 = arith.select %eq3A_336, %exp3A_307, %select_n3A_228 : vector<16xi1>, vector<16xf32>
      %get3A_338 = arith.index_cast %scan3A_119 : i32 to index
      %get3A_339 = arith.constant 64 : index
      %get3A_340 = tpu.vector_load %arg20[%get3A_338, %get3A_339] {strides = array<i32>} : memref<32x256xf32, #tpu.memory_space<vmem>>, vector<1x16xf32>,
      %get3A_341 = vector.shape_cast %get3A_340 : vector<1x16xf32> to vector<16xf32>
      %get3A_342 = arith.index_cast %scan3A_119 : i32 to index
      %get3A_343 = arith.constant 64 : index
      %get3A_344 = tpu.vector_load %arg18[%get3A_342, %get3A_343] {strides = array<i32>} : memref<32x256xf32, #tpu.memory_space<vmem>>, vector<1x16xf32>,
      %get3A_345 = vector.shape_cast %get3A_344 : vector<1x16xf32> to vector<16xf32>
      %mul3A_346 = arith.mulf %get3A_341, %get3A_345 : vector<16xf32>
      %get3A_347 = arith.index_cast %scan3A_119 : i32 to index
      %get3A_348 = arith.constant 80 : index
      %get3A_349 = tpu.vector_load %arg20[%get3A_347, %get3A_348] {strides = array<i32>} : memref<32x256xf32, #tpu.memory_space<vmem>>, vector<1x16xf32>,
      %get3A_350 = vector.shape_cast %get3A_349 : vector<1x16xf32> to vector<16xf32>
      %get3A_351 = arith.index_cast %scan3A_119 : i32 to index
      %get3A_352 = arith.constant 80 : index
      %get3A_353 = tpu.vector_load %arg18[%get3A_351, %get3A_352] {strides = array<i32>} : memref<32x256xf32, #tpu.memory_space<vmem>>, vector<1x16xf32>,
      %get3A_354 = vector.shape_cast %get3A_353 : vector<1x16xf32> to vector<16xf32>
      %mul3A_355 = arith.mulf %get3A_350, %get3A_354 : vector<16xf32>
      %add3A_356 = arith.addf %mul3A_346, %mul3A_355 : vector<16xf32>
      %get3A_357 = arith.index_cast %scan3A_119 : i32 to index
      %get3A_358 = arith.constant 160 : index
      %get3A_359 = tpu.vector_load %arg20[%get3A_357, %get3A_358] {strides = array<i32>} : memref<32x256xf32, #tpu.memory_space<vmem>>, vector<1x16xf32>,
      %get3A_360 = vector.shape_cast %get3A_359 : vector<1x16xf32> to vector<16xf32>
      %mul3A_361 = arith.mulf %get3A_124, %get3A_360 : vector<16xf32>
      %add3A_362 = arith.addf %add3A_356, %mul3A_361 : vector<16xf32>
      %lt3A_363 = arith.constant 0 : i32
      %lt3A_364 = vector.broadcast %lt3A_363 : i32 to vector<16xi32>
      %lt3A_365 = arith.cmpi slt, %and3A_4, %lt3A_364 : vector<16xi32>
      %add3A_366 = arith.constant 16 : i32
      %add3A_367 = vector.broadcast %add3A_366 : i32 to vector<16xi32>
      %add3A_368 = arith.addi %and3A_4, %add3A_367 : vector<16xi32>
      %select_n3A_369 = arith.select %lt3A_365, %add3A_368, %and3A_4 : vector<16xi1>, vector<16xi32>
      %broadcast_in_dim3A_370 = vector.shape_cast %select_n3A_369 : vector<16xi32> to vector<16x1xi32>
      %gather3A_371 = vector.shape_cast %broadcast_in_dim3A_370 : vector<16x1xi32> to vector<16xi32>
      %gather3A_372 = tpu.dynamic_gather %add3A_362[%gather3A_371] in [0] : vector<16xf32>, vector<16xi32> -> vector<16xf32>
      %add3A_373 = arith.addf %add3A_362, %gather3A_372 : vector<16xf32>
      %lt3A_374 = arith.constant 0 : i32
      %lt3A_375 = vector.broadcast %lt3A_374 : i32 to vector<16xi32>
      %lt3A_376 = arith.cmpi slt, %and3A_10, %lt3A_375 : vector<16xi32>
      %add3A_377 = arith.constant 16 : i32
      %add3A_378 = vector.broadcast %add3A_377 : i32 to vector<16xi32>
      %add3A_379 = arith.addi %and3A_10, %add3A_378 : vector<16xi32>
      %select_n3A_380 = arith.select %lt3A_376, %add3A_379, %and3A_10 : vector<16xi1>, vector<16xi32>
      %broadcast_in_dim3A_381 = vector.shape_cast %select_n3A_380 : vector<16xi32> to vector<16x1xi32>
      %gather3A_382 = vector.shape_cast %broadcast_in_dim3A_381 : vector<16x1xi32> to vector<16xi32>
      %gather3A_383 = tpu.dynamic_gather %add3A_373[%gather3A_382] in [0] : vector<16xf32>, vector<16xi32> -> vector<16xf32>
      %add3A_384 = arith.addf %add3A_373, %gather3A_383 : vector<16xf32>
      %lt3A_385 = arith.constant 0 : i32
      %lt3A_386 = vector.broadcast %lt3A_385 : i32 to vector<16xi32>
      %lt3A_387 = arith.cmpi slt, %and3A_16, %lt3A_386 : vector<16xi32>
      %add3A_388 = arith.constant 16 : i32
      %add3A_389 = vector.broadcast %add3A_388 : i32 to vector<16xi32>
      %add3A_390 = arith.addi %and3A_16, %add3A_389 : vector<16xi32>
      %select_n3A_391 = arith.select %lt3A_387, %add3A_390, %and3A_16 : vector<16xi1>, vector<16xi32>
      %broadcast_in_dim3A_392 = vector.shape_cast %select_n3A_391 : vector<16xi32> to vector<16x1xi32>
      %gather3A_393 = vector.shape_cast %broadcast_in_dim3A_392 : vector<16x1xi32> to vector<16xi32>
      %gather3A_394 = tpu.dynamic_gather %add3A_384[%gather3A_393] in [0] : vector<16xf32>, vector<16xi32> -> vector<16xf32>
      %add3A_395 = arith.addf %add3A_384, %gather3A_394 : vector<16xf32>
      %lt3A_396 = arith.constant 0 : i32
      %lt3A_397 = vector.broadcast %lt3A_396 : i32 to vector<16xi32>
      %lt3A_398 = arith.cmpi slt, %and3A_22, %lt3A_397 : vector<16xi32>
      %add3A_399 = arith.constant 16 : i32
      %add3A_400 = vector.broadcast %add3A_399 : i32 to vector<16xi32>
      %add3A_401 = arith.addi %and3A_22, %add3A_400 : vector<16xi32>
      %select_n3A_402 = arith.select %lt3A_398, %add3A_401, %and3A_22 : vector<16xi1>, vector<16xi32>
      %broadcast_in_dim3A_403 = vector.shape_cast %select_n3A_402 : vector<16xi32> to vector<16x1xi32>
      %gather3A_404 = vector.shape_cast %broadcast_in_dim3A_403 : vector<16x1xi32> to vector<16xi32>
      %gather3A_405 = tpu.dynamic_gather %add3A_395[%gather3A_404] in [0] : vector<16xf32>, vector<16xi32> -> vector<16xf32>
      %add3A_406 = arith.addf %add3A_395, %gather3A_405 : vector<16xf32>
      %mul3A_407 = arith.constant 0.176776692 : f32
      %mul3A_408 = vector.broadcast %mul3A_407 : f32 to vector<16xf32>
      %mul3A_409 = arith.mulf %add3A_406, %mul3A_408 : vector<16xf32>
      %max3A_410 = arith.constant -5.000000e+01 : f32
      %max3A_411 = vector.broadcast %max3A_410 : f32 to vector<16xf32>
      %max3A_412 = arith.maximumf %mul3A_409, %max3A_411 : vector<16xf32>
      %min3A_413 = arith.constant 5.000000e+01 : f32
      %min3A_414 = vector.broadcast %min3A_413 : f32 to vector<16xf32>
      %min3A_415 = arith.minimumf %max3A_412, %min3A_414 : vector<16xf32>
      %exp3A_416 = math.exp %min3A_415 : vector<16xf32>
      %get3A_417 = arith.index_cast %scan3A_119 : i32 to index
      %get3A_418 = arith.constant 192 : index
      %get3A_419 = tpu.vector_load %arg18[%get3A_417, %get3A_418] {strides = array<i32>} : memref<32x256xf32, #tpu.memory_space<vmem>>, vector<1x16xf32>,
      %get3A_420 = vector.shape_cast %get3A_419 : vector<1x16xf32> to vector<16xf32>
      %mul3A_421 = arith.mulf %exp3A_416, %get3A_420 : vector<16xf32>
      %swap3A_422 = arith.index_cast %scan3A_119 : i32 to index
      %swap3A_423 = arith.constant 64 : index
      %swap3A_424 = tpu.vector_load %arg22[%swap3A_422, %swap3A_423] {strides = array<i32>} : memref<32x128xf32, #tpu.memory_space<vmem>>, vector<1x16xf32>,
      %swap3A_425 = vector.shape_cast %swap3A_424 : vector<1x16xf32> to vector<16xf32>
      %swap3A_426 = vector.shape_cast %mul3A_421 : vector<16xf32> to vector<1x16xf32>
      tpu.vector_store %arg22[%swap3A_422, %swap3A_423], %swap3A_426 {strides = array<i32>} : memref<32x128xf32, #tpu.memory_space<vmem>>, vector<1x16xf32>,
      %get3A_427 = arith.index_cast %scan3A_119 : i32 to index
      %get3A_428 = arith.constant 208 : index
      %get3A_429 = tpu.vector_load %arg18[%get3A_427, %get3A_428] {strides = array<i32>} : memref<32x256xf32, #tpu.memory_space<vmem>>, vector<1x16xf32>,
      %get3A_430 = vector.shape_cast %get3A_429 : vector<1x16xf32> to vector<16xf32>
      %mul3A_431 = arith.mulf %exp3A_416, %get3A_430 : vector<16xf32>
      %swap3A_432 = arith.index_cast %scan3A_119 : i32 to index
      %swap3A_433 = arith.constant 80 : index
      %swap3A_434 = tpu.vector_load %arg22[%swap3A_432, %swap3A_433] {strides = array<i32>} : memref<32x128xf32, #tpu.memory_space<vmem>>, vector<1x16xf32>,
      %swap3A_435 = vector.shape_cast %swap3A_434 : vector<1x16xf32> to vector<16xf32>
      %swap3A_436 = vector.shape_cast %mul3A_431 : vector<16xf32> to vector<1x16xf32>
      tpu.vector_store %arg22[%swap3A_432, %swap3A_433], %swap3A_436 {strides = array<i32>} : memref<32x128xf32, #tpu.memory_space<vmem>>, vector<1x16xf32>,
      %mul3A_437 = arith.mulf %exp3A_416, %get3A_124 : vector<16xf32>
      %swap3A_438 = arith.index_cast %scan3A_119 : i32 to index
      %swap3A_439 = arith.constant 32 : index
      %swap3A_440 = tpu.vector_load %arg23[%swap3A_438, %swap3A_439] {strides = array<i32>} : memref<32x128xf32, #tpu.memory_space<vmem>>, vector<1x16xf32>,
      %swap3A_441 = vector.shape_cast %swap3A_440 : vector<1x16xf32> to vector<16xf32>
      %swap3A_442 = vector.shape_cast %mul3A_437 : vector<16xf32> to vector<1x16xf32>
      tpu.vector_store %arg23[%swap3A_438, %swap3A_439], %swap3A_442 {strides = array<i32>} : memref<32x128xf32, #tpu.memory_space<vmem>>, vector<1x16xf32>,
      %eq3A_443 = arith.constant 2 : i32
      %eq3A_444 = vector.broadcast %eq3A_443 : i32 to vector<16xi32>
      %eq3A_445 = arith.cmpi eq, %iota3A, %eq3A_444 : vector<16xi32>
      %select_n3A_446 = arith.select %eq3A_445, %exp3A_416, %select_n3A_337 : vector<16xi1>, vector<16xf32>
      %get3A_447 = arith.index_cast %scan3A_119 : i32 to index
      %get3A_448 = arith.constant 96 : index
      %get3A_449 = tpu.vector_load %arg20[%get3A_447, %get3A_448] {strides = array<i32>} : memref<32x256xf32, #tpu.memory_space<vmem>>, vector<1x16xf32>,
      %get3A_450 = vector.shape_cast %get3A_449 : vector<1x16xf32> to vector<16xf32>
      %get3A_451 = arith.index_cast %scan3A_119 : i32 to index
      %get3A_452 = arith.constant 96 : index
      %get3A_453 = tpu.vector_load %arg18[%get3A_451, %get3A_452] {strides = array<i32>} : memref<32x256xf32, #tpu.memory_space<vmem>>, vector<1x16xf32>,
      %get3A_454 = vector.shape_cast %get3A_453 : vector<1x16xf32> to vector<16xf32>
      %mul3A_455 = arith.mulf %get3A_450, %get3A_454 : vector<16xf32>
      %get3A_456 = arith.index_cast %scan3A_119 : i32 to index
      %get3A_457 = arith.constant 112 : index
      %get3A_458 = tpu.vector_load %arg20[%get3A_456, %get3A_457] {strides = array<i32>} : memref<32x256xf32, #tpu.memory_space<vmem>>, vector<1x16xf32>,
      %get3A_459 = vector.shape_cast %get3A_458 : vector<1x16xf32> to vector<16xf32>
      %get3A_460 = arith.index_cast %scan3A_119 : i32 to index
      %get3A_461 = arith.constant 112 : index
      %get3A_462 = tpu.vector_load %arg18[%get3A_460, %get3A_461] {strides = array<i32>} : memref<32x256xf32, #tpu.memory_space<vmem>>, vector<1x16xf32>,
      %get3A_463 = vector.shape_cast %get3A_462 : vector<1x16xf32> to vector<16xf32>
      %mul3A_464 = arith.mulf %get3A_459, %get3A_463 : vector<16xf32>
      %add3A_465 = arith.addf %mul3A_455, %mul3A_464 : vector<16xf32>
      %get3A_466 = arith.index_cast %scan3A_119 : i32 to index
      %get3A_467 = arith.constant 176 : index
      %get3A_468 = tpu.vector_load %arg20[%get3A_466, %get3A_467] {strides = array<i32>} : memref<32x256xf32, #tpu.memory_space<vmem>>, vector<1x16xf32>,
      %get3A_469 = vector.shape_cast %get3A_468 : vector<1x16xf32> to vector<16xf32>
      %mul3A_470 = arith.mulf %get3A_124, %get3A_469 : vector<16xf32>
      %add3A_471 = arith.addf %add3A_465, %mul3A_470 : vector<16xf32>
      %lt3A_472 = arith.constant 0 : i32
      %lt3A_473 = vector.broadcast %lt3A_472 : i32 to vector<16xi32>
      %lt3A_474 = arith.cmpi slt, %and3A_4, %lt3A_473 : vector<16xi32>
      %add3A_475 = arith.constant 16 : i32
      %add3A_476 = vector.broadcast %add3A_475 : i32 to vector<16xi32>
      %add3A_477 = arith.addi %and3A_4, %add3A_476 : vector<16xi32>
      %select_n3A_478 = arith.select %lt3A_474, %add3A_477, %and3A_4 : vector<16xi1>, vector<16xi32>
      %broadcast_in_dim3A_479 = vector.shape_cast %select_n3A_478 : vector<16xi32> to vector<16x1xi32>
      %gather3A_480 = vector.shape_cast %broadcast_in_dim3A_479 : vector<16x1xi32> to vector<16xi32>
      %gather3A_481 = tpu.dynamic_gather %add3A_471[%gather3A_480] in [0] : vector<16xf32>, vector<16xi32> -> vector<16xf32>
      %add3A_482 = arith.addf %add3A_471, %gather3A_481 : vector<16xf32>
      %lt3A_483 = arith.constant 0 : i32
      %lt3A_484 = vector.broadcast %lt3A_483 : i32 to vector<16xi32>
      %lt3A_485 = arith.cmpi slt, %and3A_10, %lt3A_484 : vector<16xi32>
      %add3A_486 = arith.constant 16 : i32
      %add3A_487 = vector.broadcast %add3A_486 : i32 to vector<16xi32>
      %add3A_488 = arith.addi %and3A_10, %add3A_487 : vector<16xi32>
      %select_n3A_489 = arith.select %lt3A_485, %add3A_488, %and3A_10 : vector<16xi1>, vector<16xi32>
      %broadcast_in_dim3A_490 = vector.shape_cast %select_n3A_489 : vector<16xi32> to vector<16x1xi32>
      %gather3A_491 = vector.shape_cast %broadcast_in_dim3A_490 : vector<16x1xi32> to vector<16xi32>
      %gather3A_492 = tpu.dynamic_gather %add3A_482[%gather3A_491] in [0] : vector<16xf32>, vector<16xi32> -> vector<16xf32>
      %add3A_493 = arith.addf %add3A_482, %gather3A_492 : vector<16xf32>
      %lt3A_494 = arith.constant 0 : i32
      %lt3A_495 = vector.broadcast %lt3A_494 : i32 to vector<16xi32>
      %lt3A_496 = arith.cmpi slt, %and3A_16, %lt3A_495 : vector<16xi32>
      %add3A_497 = arith.constant 16 : i32
      %add3A_498 = vector.broadcast %add3A_497 : i32 to vector<16xi32>
      %add3A_499 = arith.addi %and3A_16, %add3A_498 : vector<16xi32>
      %select_n3A_500 = arith.select %lt3A_496, %add3A_499, %and3A_16 : vector<16xi1>, vector<16xi32>
      %broadcast_in_dim3A_501 = vector.shape_cast %select_n3A_500 : vector<16xi32> to vector<16x1xi32>
      %gather3A_502 = vector.shape_cast %broadcast_in_dim3A_501 : vector<16x1xi32> to vector<16xi32>
      %gather3A_503 = tpu.dynamic_gather %add3A_493[%gather3A_502] in [0] : vector<16xf32>, vector<16xi32> -> vector<16xf32>
      %add3A_504 = arith.addf %add3A_493, %gather3A_503 : vector<16xf32>
      %lt3A_505 = arith.constant 0 : i32
      %lt3A_506 = vector.broadcast %lt3A_505 : i32 to vector<16xi32>
      %lt3A_507 = arith.cmpi slt, %and3A_22, %lt3A_506 : vector<16xi32>
      %add3A_508 = arith.constant 16 : i32
      %add3A_509 = vector.broadcast %add3A_508 : i32 to vector<16xi32>
      %add3A_510 = arith.addi %and3A_22, %add3A_509 : vector<16xi32>
      %select_n3A_511 = arith.select %lt3A_507, %add3A_510, %and3A_22 : vector<16xi1>, vector<16xi32>
      %broadcast_in_dim3A_512 = vector.shape_cast %select_n3A_511 : vector<16xi32> to vector<16x1xi32>
      %gather3A_513 = vector.shape_cast %broadcast_in_dim3A_512 : vector<16x1xi32> to vector<16xi32>
      %gather3A_514 = tpu.dynamic_gather %add3A_504[%gather3A_513] in [0] : vector<16xf32>, vector<16xi32> -> vector<16xf32>
      %add3A_515 = arith.addf %add3A_504, %gather3A_514 : vector<16xf32>
      %mul3A_516 = arith.constant 0.176776692 : f32
      %mul3A_517 = vector.broadcast %mul3A_516 : f32 to vector<16xf32>
      %mul3A_518 = arith.mulf %add3A_515, %mul3A_517 : vector<16xf32>
      %max3A_519 = arith.constant -5.000000e+01 : f32
      %max3A_520 = vector.broadcast %max3A_519 : f32 to vector<16xf32>
      %max3A_521 = arith.maximumf %mul3A_518, %max3A_520 : vector<16xf32>
      %min3A_522 = arith.constant 5.000000e+01 : f32
      %min3A_523 = vector.broadcast %min3A_522 : f32 to vector<16xf32>
      %min3A_524 = arith.minimumf %max3A_521, %min3A_523 : vector<16xf32>
      %exp3A_525 = math.exp %min3A_524 : vector<16xf32>
      %get3A_526 = arith.index_cast %scan3A_119 : i32 to index
      %get3A_527 = arith.constant 224 : index
      %get3A_528 = tpu.vector_load %arg18[%get3A_526, %get3A_527] {strides = array<i32>} : memref<32x256xf32, #tpu.memory_space<vmem>>, vector<1x16xf32>,
      %get3A_529 = vector.shape_cast %get3A_528 : vector<1x16xf32> to vector<16xf32>
      %mul3A_530 = arith.mulf %exp3A_525, %get3A_529 : vector<16xf32>
      %swap3A_531 = arith.index_cast %scan3A_119 : i32 to index
      %swap3A_532 = arith.constant 96 : index
      %swap3A_533 = tpu.vector_load %arg22[%swap3A_531, %swap3A_532] {strides = array<i32>} : memref<32x128xf32, #tpu.memory_space<vmem>>, vector<1x16xf32>,
      %swap3A_534 = vector.shape_cast %swap3A_533 : vector<1x16xf32> to vector<16xf32>
      %swap3A_535 = vector.shape_cast %mul3A_530 : vector<16xf32> to vector<1x16xf32>
      tpu.vector_store %arg22[%swap3A_531, %swap3A_532], %swap3A_535 {strides = array<i32>} : memref<32x128xf32, #tpu.memory_space<vmem>>, vector<1x16xf32>,
      %get3A_536 = arith.index_cast %scan3A_119 : i32 to index
      %get3A_537 = arith.constant 240 : index
      %get3A_538 = tpu.vector_load %arg18[%get3A_536, %get3A_537] {strides = array<i32>} : memref<32x256xf32, #tpu.memory_space<vmem>>, vector<1x16xf32>,
      %get3A_539 = vector.shape_cast %get3A_538 : vector<1x16xf32> to vector<16xf32>
      %mul3A_540 = arith.mulf %exp3A_525, %get3A_539 : vector<16xf32>
      %swap3A_541 = arith.index_cast %scan3A_119 : i32 to index
      %swap3A_542 = arith.constant 112 : index
      %swap3A_543 = tpu.vector_load %arg22[%swap3A_541, %swap3A_542] {strides = array<i32>} : memref<32x128xf32, #tpu.memory_space<vmem>>, vector<1x16xf32>,
      %swap3A_544 = vector.shape_cast %swap3A_543 : vector<1x16xf32> to vector<16xf32>
      %swap3A_545 = vector.shape_cast %mul3A_540 : vector<16xf32> to vector<1x16xf32>
      tpu.vector_store %arg22[%swap3A_541, %swap3A_542], %swap3A_545 {strides = array<i32>} : memref<32x128xf32, #tpu.memory_space<vmem>>, vector<1x16xf32>,
      %mul3A_546 = arith.mulf %exp3A_525, %get3A_124 : vector<16xf32>
      %swap3A_547 = arith.index_cast %scan3A_119 : i32 to index
      %swap3A_548 = arith.constant 48 : index
      %swap3A_549 = tpu.vector_load %arg23[%swap3A_547, %swap3A_548] {strides = array<i32>} : memref<32x128xf32, #tpu.memory_space<vmem>>, vector<1x16xf32>,
      %swap3A_550 = vector.shape_cast %swap3A_549 : vector<1x16xf32> to vector<16xf32>
      %swap3A_551 = vector.shape_cast %mul3A_546 : vector<16xf32> to vector<1x16xf32>
      tpu.vector_store %arg23[%swap3A_547, %swap3A_548], %swap3A_551 {strides = array<i32>} : memref<32x128xf32, #tpu.memory_space<vmem>>, vector<1x16xf32>,
      %eq3A_552 = arith.constant 3 : i32
      %eq3A_553 = vector.broadcast %eq3A_552 : i32 to vector<16xi32>
      %eq3A_554 = arith.cmpi eq, %iota3A, %eq3A_553 : vector<16xi32>
      %select_n3A_555 = arith.select %eq3A_554, %exp3A_525, %select_n3A_446 : vector<16xi1>, vector<16xf32>
      %swap3A_556 = arith.index_cast %scan3A_119 : i32 to index
      %swap3A_557 = arith.constant 64 : index
      %swap3A_558 = tpu.vector_load %arg23[%swap3A_556, %swap3A_557] {strides = array<i32>} : memref<32x128xf32, #tpu.memory_space<vmem>>, vector<1x16xf32>,
      %swap3A_559 = vector.shape_cast %swap3A_558 : vector<1x16xf32> to vector<16xf32>
      %swap3A_560 = vector.shape_cast %select_n3A_555 : vector<16xf32> to vector<1x16xf32>
      tpu.vector_store %arg23[%swap3A_556, %swap3A_557], %swap3A_560 {strides = array<i32>} : memref<32x128xf32, #tpu.memory_space<vmem>>, vector<1x16xf32>,
    }
    %scan3A_111 = arith.constant 32 : i32
    "tpu.region"() ({
      %run_scoped3A = tpu.sem_alloc : memref<!tpu.dma_semaphore, #tpu.memory_space<semaphore_mem>>
      %dma_start3A_119 = arith.constant 0 : i32
      %dma_start3A_120 = arith.constant 0 : i32
      %dma_start3A_121 = tpu.memref_slice %arg9[%dma_start3A_119, %dma_start3A_120] : memref<5120x128xf32, #tpu.memory_space<vmem_shared>> -> memref<5120x128xf32, #tpu.memory_space<vmem_shared>>
      tpu.enqueue_indirect_dma source(%arg22 : memref<32x128xf32, #tpu.memory_space<vmem>>) target(%dma_start3A_121 : memref<5120x128xf32, #tpu.memory_space<vmem_shared>>) offsets(%arg15 : memref<32xi32, #tpu.memory_space<vmem>>) semaphore(%run_scoped3A : memref<!tpu.dma_semaphore, #tpu.memory_space<semaphore_mem>>) {add = true}
      %dma_wait3A_122 = arith.constant 0 : i32
      %dma_wait3A_123 = arith.constant 0 : i32
      %dma_wait3A_124 = tpu.memref_slice %arg9[%dma_wait3A_122, %dma_wait3A_123] : memref<5120x128xf32, #tpu.memory_space<vmem_shared>> -> memref<5120x128xf32, #tpu.memory_space<vmem_shared>>
      tpu.wait_indirect_dma semaphore(%run_scoped3A : memref<!tpu.dma_semaphore, #tpu.memory_space<semaphore_mem>>) src(%arg22 : memref<32x128xf32, #tpu.memory_space<vmem>>) dst(%dma_wait3A_124 : memref<5120x128xf32, #tpu.memory_space<vmem_shared>>)
      tpu.yield
    }) : () -> ()
    "tpu.region"() ({
      %run_scoped3A = tpu.sem_alloc : memref<!tpu.dma_semaphore, #tpu.memory_space<semaphore_mem>>
      %dma_start3A_119 = arith.constant 0 : i32
      %dma_start3A_120 = arith.constant 0 : i32
      %dma_start3A_121 = tpu.memref_slice %arg10[%dma_start3A_119, %dma_start3A_120] : memref<5120x128xf32, #tpu.memory_space<vmem_shared>> -> memref<5120x128xf32, #tpu.memory_space<vmem_shared>>
      tpu.enqueue_indirect_dma source(%arg23 : memref<32x128xf32, #tpu.memory_space<vmem>>) target(%dma_start3A_121 : memref<5120x128xf32, #tpu.memory_space<vmem_shared>>) offsets(%arg15 : memref<32xi32, #tpu.memory_space<vmem>>) semaphore(%run_scoped3A : memref<!tpu.dma_semaphore, #tpu.memory_space<semaphore_mem>>) {add = true}
      %dma_wait3A_122 = arith.constant 0 : i32
      %dma_wait3A_123 = arith.constant 0 : i32
      %dma_wait3A_124 = tpu.memref_slice %arg10[%dma_wait3A_122, %dma_wait3A_123] : memref<5120x128xf32, #tpu.memory_space<vmem_shared>> -> memref<5120x128xf32, #tpu.memory_space<vmem_shared>>
      tpu.wait_indirect_dma semaphore(%run_scoped3A : memref<!tpu.dma_semaphore, #tpu.memory_space<semaphore_mem>>) src(%arg23 : memref<32x128xf32, #tpu.memory_space<vmem>>) dst(%dma_wait3A_124 : memref<5120x128xf32, #tpu.memory_space<vmem_shared>>)
      tpu.yield
    }) : () -> ()
    %barrier3A_112 = arith.constant 0 : index
    tpu.barrier barrier_id(%barrier3A_112)
    %scan3A_113 = arith.constant 0 : i32
    %scan3A_114 = arith.constant 0 : i32
    %scan3A_115 = arith.constant 20 : i32
    %scan3A_116 = arith.addi %scan3A_114, %scan3A_115 : i32
    %scan3A_117 = arith.constant 1 : i32
    scf.for %scan3A_119 = %scan3A_114 to %scan3A_116 step %scan3A_117  : i32 {
      %mul3A_120 = arith.constant 320 : i32
      %mul3A_121 = arith.muli %arg1, %mul3A_120 : i32
      %mul3A_122 = arith.constant 16 : i32
      %mul3A_123 = arith.muli %scan3A_119, %mul3A_122 : i32
      %add3A_124 = arith.addi %mul3A_121, %mul3A_123 : i32
      "tpu.region"() ({
        %run_scoped3A = tpu.sem_alloc : memref<!tpu.dma_semaphore, #tpu.memory_space<semaphore_mem>>
        %dma_start3A_125 = arith.constant 0 : i32
        %dma_start3A_126 = tpu.memref_slice %arg7[%arg0, %add3A_124, %dma_start3A_125] : memref<2x5120x128xf32, #tpu.memory_space<hbm>> -> memref<1x16x128xf32, #tpu.memory_space<hbm>>
        %dma_start3A_127 = tpu.memref_squeeze %dma_start3A_126 : memref<1x16x128xf32, #tpu.memory_space<hbm>> -> memref<16x128xf32, #tpu.memory_space<hbm>>
        %dma_start3A_128 = arith.constant 0 : i32
        %dma_start3A_129 = tpu.memref_slice %arg9[%add3A_124, %dma_start3A_128] : memref<5120x128xf32, #tpu.memory_space<vmem_shared>> -> memref<16x128xf32, #tpu.memory_space<vmem_shared>>
        tpu.enqueue_dma source(%dma_start3A_129 : memref<16x128xf32, #tpu.memory_space<vmem_shared>>) target(%dma_start3A_127 : memref<16x128xf32, #tpu.memory_space<hbm>>) target_semaphore(%run_scoped3A : memref<!tpu.dma_semaphore, #tpu.memory_space<semaphore_mem>>)
        %dma_wait3A_130 = arith.constant 0 : i32
        %dma_wait3A_131 = tpu.memref_slice %arg7[%arg0, %add3A_124, %dma_wait3A_130] : memref<2x5120x128xf32, #tpu.memory_space<hbm>> -> memref<1x16x128xf32, #tpu.memory_space<hbm>>
        %dma_wait3A_132 = tpu.memref_squeeze %dma_wait3A_131 : memref<1x16x128xf32, #tpu.memory_space<hbm>> -> memref<16x128xf32, #tpu.memory_space<hbm>>
        %dma_wait3A_133 = arith.constant 0 : i32
        %dma_wait3A_134 = tpu.memref_slice %arg9[%add3A_124, %dma_wait3A_133] : memref<5120x128xf32, #tpu.memory_space<vmem_shared>> -> memref<16x128xf32, #tpu.memory_space<vmem_shared>>
        tpu.wait_dma2 semaphore(%run_scoped3A : memref<!tpu.dma_semaphore, #tpu.memory_space<semaphore_mem>>) src(%dma_wait3A_134 : memref<16x128xf32, #tpu.memory_space<vmem_shared>>) dst(%dma_wait3A_132 : memref<16x128xf32, #tpu.memory_space<hbm>>)
        tpu.yield
      }) : () -> ()
      "tpu.region"() ({
        %run_scoped3A = tpu.sem_alloc : memref<!tpu.dma_semaphore, #tpu.memory_space<semaphore_mem>>
        %dma_start3A_125 = arith.constant 0 : i32
        %dma_start3A_126 = tpu.memref_slice %arg8[%arg0, %add3A_124, %dma_start3A_125] : memref<2x5120x128xf32, #tpu.memory_space<hbm>> -> memref<1x16x128xf32, #tpu.memory_space<hbm>>
        %dma_start3A_127 = tpu.memref_squeeze %dma_start3A_126 : memref<1x16x128xf32, #tpu.memory_space<hbm>> -> memref<16x128xf32, #tpu.memory_space<hbm>>
        %dma_start3A_128 = arith.constant 0 : i32
        %dma_start3A_129 = tpu.memref_slice %arg10[%add3A_124, %dma_start3A_128] : memref<5120x128xf32, #tpu.memory_space<vmem_shared>> -> memref<16x128xf32, #tpu.memory_space<vmem_shared>>
        tpu.enqueue_dma source(%dma_start3A_129 : memref<16x128xf32, #tpu.memory_space<vmem_shared>>) target(%dma_start3A_127 : memref<16x128xf32, #tpu.memory_space<hbm>>) target_semaphore(%run_scoped3A : memref<!tpu.dma_semaphore, #tpu.memory_space<semaphore_mem>>)
        %dma_wait3A_130 = arith.constant 0 : i32
        %dma_wait3A_131 = tpu.memref_slice %arg8[%arg0, %add3A_124, %dma_wait3A_130] : memref<2x5120x128xf32, #tpu.memory_space<hbm>> -> memref<1x16x128xf32, #tpu.memory_space<hbm>>
        %dma_wait3A_132 = tpu.memref_squeeze %dma_wait3A_131 : memref<1x16x128xf32, #tpu.memory_space<hbm>> -> memref<16x128xf32, #tpu.memory_space<hbm>>
        %dma_wait3A_133 = arith.constant 0 : i32
        %dma_wait3A_134 = tpu.memref_slice %arg10[%add3A_124, %dma_wait3A_133] : memref<5120x128xf32, #tpu.memory_space<vmem_shared>> -> memref<16x128xf32, #tpu.memory_space<vmem_shared>>
        tpu.wait_dma2 semaphore(%run_scoped3A : memref<!tpu.dma_semaphore, #tpu.memory_space<semaphore_mem>>) src(%dma_wait3A_134 : memref<16x128xf32, #tpu.memory_space<vmem_shared>>) dst(%dma_wait3A_132 : memref<16x128xf32, #tpu.memory_space<hbm>>)
        tpu.yield
      }) : () -> ()
    }
    %scan3A_118 = arith.constant 20 : i32
    return
  }
}

module attributes {stable_mosaic.version = 14 : i64} {
  func.func @_pre_body(%arg0: i32, %arg1: memref<1000x128xf32, #tpu.memory_space<vmem>>, %arg2: memref<128x128xf32, #tpu.memory_space<vmem>>, %arg3: memref<1x128xf32, #tpu.memory_space<vmem>>, %arg4: memref<128x128xf32, #tpu.memory_space<vmem>>, %arg5: memref<1x128xf32, #tpu.memory_space<vmem>>, %arg6: memref<128x128xf32, #tpu.memory_space<vmem>>, %arg7: memref<1x128xf32, #tpu.memory_space<vmem>>, %arg8: memref<128x16xf32, #tpu.memory_space<vmem>>, %arg9: memref<128x128xf32, #tpu.memory_space<vmem>>, %arg10: memref<1x128xf32, #tpu.memory_space<vmem>>, %arg11: memref<1x128xf32, #tpu.memory_space<vmem>>, %arg12: memref<1x128xf32, #tpu.memory_space<vmem>>, %arg13: memref<1000x256xf32, #tpu.memory_space<vmem>>, %arg14: memref<1000x256xf32, #tpu.memory_space<vmem>>, %arg15: memref<1000x128xf32, #tpu.memory_space<vmem>>) attributes {dimension_semantics = [#tpu.dimension_semantics<arbitrary>], iteration_bounds = array<i64: 10>, scalar_prefetch = 0 : i64, scratch_operands = 0 : i64, tpu.core_type = #tpu.core_type<tc>, window_params = [{transform_indices = @transform_0, window_bounds = array<i64: 1000, 128>}, {pipeline_mode = #tpu.pipeline_mode<synchronous>, transform_indices = @transform_1, window_bounds = array<i64: 128, 128>}, {pipeline_mode = #tpu.pipeline_mode<synchronous>, transform_indices = @transform_2, window_bounds = array<i64: 1, 128>}, {pipeline_mode = #tpu.pipeline_mode<synchronous>, transform_indices = @transform_3, window_bounds = array<i64: 128, 128>}, {pipeline_mode = #tpu.pipeline_mode<synchronous>, transform_indices = @transform_4, window_bounds = array<i64: 1, 128>}, {pipeline_mode = #tpu.pipeline_mode<synchronous>, transform_indices = @transform_5, window_bounds = array<i64: 128, 128>}, {pipeline_mode = #tpu.pipeline_mode<synchronous>, transform_indices = @transform_6, window_bounds = array<i64: 1, 128>}, {pipeline_mode = #tpu.pipeline_mode<synchronous>, transform_indices = @transform_7, window_bounds = array<i64: 128, 16>}, {pipeline_mode = #tpu.pipeline_mode<synchronous>, transform_indices = @transform_8, window_bounds = array<i64: 128, 128>}, {pipeline_mode = #tpu.pipeline_mode<synchronous>, transform_indices = @transform_9, window_bounds = array<i64: 1, 128>}, {pipeline_mode = #tpu.pipeline_mode<synchronous>, transform_indices = @transform_10, window_bounds = array<i64: 1, 128>}, {pipeline_mode = #tpu.pipeline_mode<synchronous>, transform_indices = @transform_11, window_bounds = array<i64: 1, 128>}, {transform_indices = @transform_12, window_bounds = array<i64: 1000, 256>}, {transform_indices = @transform_13, window_bounds = array<i64: 1000, 256>}, {transform_indices = @transform_14, window_bounds = array<i64: 1000, 128>}]} {
    %get3A = arith.constant 0 : index
    %get3A_0 = arith.constant 0 : index
    %get3A_1 = vector.load %arg1[%get3A, %get3A_0] : memref<1000x128xf32, #tpu.memory_space<vmem>>, vector<1000x128xf32>
    %reduce_sum3A = arith.constant dense<0.000000e+00> : vector<1000xf32>
    %reduce_sum3A_2 = vector.multi_reduction <add>, %get3A_1, %reduce_sum3A [1] : vector<1000x128xf32> to vector<1000xf32>
    %broadcast_in_dim3A = vector.shape_cast %reduce_sum3A_2 : vector<1000xf32> to vector<1000x1xf32>
    %div3A = arith.constant 1.280000e+02 : f32
    %div3A_3 = vector.broadcast %div3A : f32 to vector<1000x1xf32>
    %div3A_4 = arith.divf %broadcast_in_dim3A, %div3A_3 : vector<1000x1xf32>
    %sub3A = vector.broadcast %div3A_4 : vector<1000x1xf32> to vector<1000x128xf32>
    %sub3A_5 = arith.subf %get3A_1, %sub3A : vector<1000x128xf32>
    %integer_pow3A = arith.mulf %sub3A_5, %sub3A_5 : vector<1000x128xf32>
    %reduce_sum3A_6 = arith.constant dense<0.000000e+00> : vector<1000xf32>
    %reduce_sum3A_7 = vector.multi_reduction <add>, %integer_pow3A, %reduce_sum3A_6 [1] : vector<1000x128xf32> to vector<1000xf32>
    %broadcast_in_dim3A_8 = vector.shape_cast %reduce_sum3A_7 : vector<1000xf32> to vector<1000x1xf32>
    %div3A_9 = arith.constant 1.280000e+02 : f32
    %div3A_10 = vector.broadcast %div3A_9 : f32 to vector<1000x1xf32>
    %div3A_11 = arith.divf %broadcast_in_dim3A_8, %div3A_10 : vector<1000x1xf32>
    %sub3A_12 = vector.broadcast %div3A_4 : vector<1000x1xf32> to vector<1000x128xf32>
    %sub3A_13 = arith.subf %get3A_1, %sub3A_12 : vector<1000x128xf32>
    %add3A = arith.constant 9.99999974E-6 : f32
    %add3A_14 = vector.broadcast %add3A : f32 to vector<1000x1xf32>
    %add3A_15 = arith.addf %div3A_11, %add3A_14 : vector<1000x1xf32>
    %sqrt3A = math.sqrt %add3A_15 : vector<1000x1xf32>
    %div3A_16 = vector.broadcast %sqrt3A : vector<1000x1xf32> to vector<1000x128xf32>
    %div3A_17 = arith.divf %sub3A_13, %div3A_16 : vector<1000x128xf32>
    %get3A_18 = arith.constant 0 : index
    %get3A_19 = arith.constant 0 : index
    %get3A_20 = vector.load %arg11[%get3A_18, %get3A_19] : memref<1x128xf32, #tpu.memory_space<vmem>>, vector<1x128xf32>
    %mul3A = vector.broadcast %get3A_20 : vector<1x128xf32> to vector<1000x128xf32>
    %mul3A_21 = arith.mulf %div3A_17, %mul3A : vector<1000x128xf32>
    %get3A_22 = arith.constant 0 : index
    %get3A_23 = arith.constant 0 : index
    %get3A_24 = vector.load %arg12[%get3A_22, %get3A_23] : memref<1x128xf32, #tpu.memory_space<vmem>>, vector<1x128xf32>
    %add3A_25 = vector.broadcast %get3A_24 : vector<1x128xf32> to vector<1000x128xf32>
    %add3A_26 = arith.addf %mul3A_21, %add3A_25 : vector<1000x128xf32>
    %get3A_27 = arith.constant 0 : index
    %get3A_28 = arith.constant 0 : index
    %get3A_29 = vector.load %arg2[%get3A_27, %get3A_28] : memref<128x128xf32, #tpu.memory_space<vmem>>, vector<128x128xf32>
    %dot_general3A = arith.constant dense<0.000000e+00> : vector<1000x128xf32>
    %dot_general3A_30 = tpu.matmul %add3A_26, %get3A_29, %dot_general3A {dimension_numbers = #tpu.dot_dimension_numbers<[1], [0], [0], [1], [0, 0, 1, 1], [], []>, transpose_lhs_hint = false} : vector<1000x128xf32>, vector<128x128xf32>, vector<1000x128xf32> -> vector<1000x128xf32>
    %get3A_31 = arith.constant 0 : index
    %get3A_32 = arith.constant 0 : index
    %get3A_33 = vector.load %arg3[%get3A_31, %get3A_32] : memref<1x128xf32, #tpu.memory_space<vmem>>, vector<1x128xf32>
    %add3A_34 = vector.broadcast %get3A_33 : vector<1x128xf32> to vector<1000x128xf32>
    %add3A_35 = arith.addf %dot_general3A_30, %add3A_34 : vector<1000x128xf32>
    %get3A_36 = arith.constant 0 : index
    %get3A_37 = arith.constant 0 : index
    %get3A_38 = vector.load %arg4[%get3A_36, %get3A_37] : memref<128x128xf32, #tpu.memory_space<vmem>>, vector<128x128xf32>
    %dot_general3A_39 = arith.constant dense<0.000000e+00> : vector<1000x128xf32>
    %dot_general3A_40 = tpu.matmul %add3A_26, %get3A_38, %dot_general3A_39 {dimension_numbers = #tpu.dot_dimension_numbers<[1], [0], [0], [1], [0, 0, 1, 1], [], []>, transpose_lhs_hint = false} : vector<1000x128xf32>, vector<128x128xf32>, vector<1000x128xf32> -> vector<1000x128xf32>
    %get3A_41 = arith.constant 0 : index
    %get3A_42 = arith.constant 0 : index
    %get3A_43 = vector.load %arg5[%get3A_41, %get3A_42] : memref<1x128xf32, #tpu.memory_space<vmem>>, vector<1x128xf32>
    %add3A_44 = vector.broadcast %get3A_43 : vector<1x128xf32> to vector<1000x128xf32>
    %add3A_45 = arith.addf %dot_general3A_40, %add3A_44 : vector<1000x128xf32>
    %get3A_46 = arith.constant 0 : index
    %get3A_47 = arith.constant 0 : index
    %get3A_48 = vector.load %arg6[%get3A_46, %get3A_47] : memref<128x128xf32, #tpu.memory_space<vmem>>, vector<128x128xf32>
    %dot_general3A_49 = arith.constant dense<0.000000e+00> : vector<1000x128xf32>
    %dot_general3A_50 = tpu.matmul %add3A_26, %get3A_48, %dot_general3A_49 {dimension_numbers = #tpu.dot_dimension_numbers<[1], [0], [0], [1], [0, 0, 1, 1], [], []>, transpose_lhs_hint = false} : vector<1000x128xf32>, vector<128x128xf32>, vector<1000x128xf32> -> vector<1000x128xf32>
    %get3A_51 = arith.constant 0 : index
    %get3A_52 = arith.constant 0 : index
    %get3A_53 = vector.load %arg7[%get3A_51, %get3A_52] : memref<1x128xf32, #tpu.memory_space<vmem>>, vector<1x128xf32>
    %add3A_54 = vector.broadcast %get3A_53 : vector<1x128xf32> to vector<1000x128xf32>
    %add3A_55 = arith.addf %dot_general3A_50, %add3A_54 : vector<1000x128xf32>
    %get3A_56 = arith.constant 0 : index
    %get3A_57 = arith.constant 0 : index
    %get3A_58 = vector.load %arg8[%get3A_56, %get3A_57] : memref<128x16xf32, #tpu.memory_space<vmem>>, vector<128x16xf32>
    %slice3A = vector.extract_strided_slice %add3A_35 {offsets = [0, 0], sizes = [1000, 32], strides = [1, 1]} : vector<1000x128xf32> to vector<1000x32xf32>
    %slice3A_59 = vector.extract_strided_slice %get3A_58 {offsets = [0, 0], sizes = [32, 16], strides = [1, 1]} : vector<128x16xf32> to vector<32x16xf32>
    %dot_general3A_60 = arith.constant dense<0.000000e+00> : vector<1000x16xf32>
    %dot_general3A_61 = tpu.matmul %slice3A, %slice3A_59, %dot_general3A_60 {dimension_numbers = #tpu.dot_dimension_numbers<[1], [0], [0], [1], [0, 0, 1, 1], [], []>, transpose_lhs_hint = false} : vector<1000x32xf32>, vector<32x16xf32>, vector<1000x16xf32> -> vector<1000x16xf32>
    %slice3A_62 = vector.extract_strided_slice %add3A_35 {offsets = [0, 32], sizes = [1000, 32], strides = [1, 1]} : vector<1000x128xf32> to vector<1000x32xf32>
    %slice3A_63 = vector.extract_strided_slice %get3A_58 {offsets = [32, 0], sizes = [32, 16], strides = [1, 1]} : vector<128x16xf32> to vector<32x16xf32>
    %dot_general3A_64 = arith.constant dense<0.000000e+00> : vector<1000x16xf32>
    %dot_general3A_65 = tpu.matmul %slice3A_62, %slice3A_63, %dot_general3A_64 {dimension_numbers = #tpu.dot_dimension_numbers<[1], [0], [0], [1], [0, 0, 1, 1], [], []>, transpose_lhs_hint = false} : vector<1000x32xf32>, vector<32x16xf32>, vector<1000x16xf32> -> vector<1000x16xf32>
    %slice3A_66 = vector.extract_strided_slice %add3A_35 {offsets = [0, 64], sizes = [1000, 32], strides = [1, 1]} : vector<1000x128xf32> to vector<1000x32xf32>
    %slice3A_67 = vector.extract_strided_slice %get3A_58 {offsets = [64, 0], sizes = [32, 16], strides = [1, 1]} : vector<128x16xf32> to vector<32x16xf32>
    %dot_general3A_68 = arith.constant dense<0.000000e+00> : vector<1000x16xf32>
    %dot_general3A_69 = tpu.matmul %slice3A_66, %slice3A_67, %dot_general3A_68 {dimension_numbers = #tpu.dot_dimension_numbers<[1], [0], [0], [1], [0, 0, 1, 1], [], []>, transpose_lhs_hint = false} : vector<1000x32xf32>, vector<32x16xf32>, vector<1000x16xf32> -> vector<1000x16xf32>
    %slice3A_70 = vector.extract_strided_slice %add3A_35 {offsets = [0, 96], sizes = [1000, 32], strides = [1, 1]} : vector<1000x128xf32> to vector<1000x32xf32>
    %slice3A_71 = vector.extract_strided_slice %get3A_58 {offsets = [96, 0], sizes = [32, 16], strides = [1, 1]} : vector<128x16xf32> to vector<32x16xf32>
    %dot_general3A_72 = arith.constant dense<0.000000e+00> : vector<1000x16xf32>
    %dot_general3A_73 = tpu.matmul %slice3A_70, %slice3A_71, %dot_general3A_72 {dimension_numbers = #tpu.dot_dimension_numbers<[1], [0], [0], [1], [0, 0, 1, 1], [], []>, transpose_lhs_hint = false} : vector<1000x32xf32>, vector<32x16xf32>, vector<1000x16xf32> -> vector<1000x16xf32>
    %broadcast_in_dim3A_74 = arith.constant 0.000000e+00 : f32
    %broadcast_in_dim3A_75 = vector.broadcast %broadcast_in_dim3A_74 : f32 to vector<1000x64xf32>
    %concatenate3A = tpu.concatenate %add3A_35, %dot_general3A_61, %dot_general3A_65, %dot_general3A_69, %dot_general3A_73, %broadcast_in_dim3A_75 in 1 : vector<1000x128xf32>, vector<1000x16xf32>, vector<1000x16xf32>, vector<1000x16xf32>, vector<1000x16xf32>, vector<1000x64xf32> -> vector<1000x256xf32>
    %swap3A = arith.constant 0 : index
    %swap3A_76 = arith.constant 0 : index
    %swap3A_77 = vector.load %arg13[%swap3A, %swap3A_76] : memref<1000x256xf32, #tpu.memory_space<vmem>>, vector<1000x256xf32>
    tpu.vector_store %arg13[%swap3A, %swap3A_76], %concatenate3A {strides = array<i32>} : memref<1000x256xf32, #tpu.memory_space<vmem>>, vector<1000x256xf32>,
    %concatenate3A_78 = tpu.concatenate %add3A_45, %add3A_55 in 1 : vector<1000x128xf32>, vector<1000x128xf32> -> vector<1000x256xf32>
    %swap3A_79 = arith.constant 0 : index
    %swap3A_80 = arith.constant 0 : index
    %swap3A_81 = vector.load %arg14[%swap3A_79, %swap3A_80] : memref<1000x256xf32, #tpu.memory_space<vmem>>, vector<1000x256xf32>
    tpu.vector_store %arg14[%swap3A_79, %swap3A_80], %concatenate3A_78 {strides = array<i32>} : memref<1000x256xf32, #tpu.memory_space<vmem>>, vector<1000x256xf32>,
    %get3A_82 = arith.constant 0 : index
    %get3A_83 = arith.constant 0 : index
    %get3A_84 = vector.load %arg9[%get3A_82, %get3A_83] : memref<128x128xf32, #tpu.memory_space<vmem>>, vector<128x128xf32>
    %dot_general3A_85 = arith.constant dense<0.000000e+00> : vector<1000x128xf32>
    %dot_general3A_86 = tpu.matmul %add3A_26, %get3A_84, %dot_general3A_85 {dimension_numbers = #tpu.dot_dimension_numbers<[1], [0], [0], [1], [0, 0, 1, 1], [], []>, transpose_lhs_hint = false} : vector<1000x128xf32>, vector<128x128xf32>, vector<1000x128xf32> -> vector<1000x128xf32>
    %get3A_87 = arith.constant 0 : index
    %get3A_88 = arith.constant 0 : index
    %get3A_89 = vector.load %arg10[%get3A_87, %get3A_88] : memref<1x128xf32, #tpu.memory_space<vmem>>, vector<1x128xf32>
    %add3A_90 = vector.broadcast %get3A_89 : vector<1x128xf32> to vector<1000x128xf32>
    %add3A_91 = arith.addf %dot_general3A_86, %add3A_90 : vector<1000x128xf32>
    %swap3A_92 = arith.constant 0 : index
    %swap3A_93 = arith.constant 0 : index
    %swap3A_94 = vector.load %arg15[%swap3A_92, %swap3A_93] : memref<1000x128xf32, #tpu.memory_space<vmem>>, vector<1000x128xf32>
    tpu.vector_store %arg15[%swap3A_92, %swap3A_93], %add3A_91 {strides = array<i32>} : memref<1000x128xf32, #tpu.memory_space<vmem>>, vector<1000x128xf32>,
    return
  }
  func.func @transform_0(%arg0: i32) -> (i32, i32) {
    %c0_i32 = arith.constant 0 : i32
    %c0_i32_0 = arith.constant 0 : i32
    return %arg0, %c0_i32 : i32, i32
  }
  func.func @transform_1(%arg0: i32) -> (i32, i32) {
    %c0_i32 = arith.constant 0 : i32
    %c0_i32_0 = arith.constant 0 : i32
    %c0_i32_1 = arith.constant 0 : i32
    return %c0_i32, %c0_i32_0 : i32, i32
  }
  func.func @transform_2(%arg0: i32) -> (i32, i32) {
    %c0_i32 = arith.constant 0 : i32
    %c0_i32_0 = arith.constant 0 : i32
    %c0_i32_1 = arith.constant 0 : i32
    return %c0_i32, %c0_i32_0 : i32, i32
  }
  func.func @transform_3(%arg0: i32) -> (i32, i32) {
    %c0_i32 = arith.constant 0 : i32
    %c0_i32_0 = arith.constant 0 : i32
    %c0_i32_1 = arith.constant 0 : i32
    return %c0_i32, %c0_i32_0 : i32, i32
  }
  func.func @transform_4(%arg0: i32) -> (i32, i32) {
    %c0_i32 = arith.constant 0 : i32
    %c0_i32_0 = arith.constant 0 : i32
    %c0_i32_1 = arith.constant 0 : i32
    return %c0_i32, %c0_i32_0 : i32, i32
  }
  func.func @transform_5(%arg0: i32) -> (i32, i32) {
    %c0_i32 = arith.constant 0 : i32
    %c0_i32_0 = arith.constant 0 : i32
    %c0_i32_1 = arith.constant 0 : i32
    return %c0_i32, %c0_i32_0 : i32, i32
  }
  func.func @transform_6(%arg0: i32) -> (i32, i32) {
    %c0_i32 = arith.constant 0 : i32
    %c0_i32_0 = arith.constant 0 : i32
    %c0_i32_1 = arith.constant 0 : i32
    return %c0_i32, %c0_i32_0 : i32, i32
  }
  func.func @transform_7(%arg0: i32) -> (i32, i32) {
    %c0_i32 = arith.constant 0 : i32
    %c0_i32_0 = arith.constant 0 : i32
    %c0_i32_1 = arith.constant 0 : i32
    return %c0_i32, %c0_i32_0 : i32, i32
  }
  func.func @transform_8(%arg0: i32) -> (i32, i32) {
    %c0_i32 = arith.constant 0 : i32
    %c0_i32_0 = arith.constant 0 : i32
    %c0_i32_1 = arith.constant 0 : i32
    return %c0_i32, %c0_i32_0 : i32, i32
  }
  func.func @transform_9(%arg0: i32) -> (i32, i32) {
    %c0_i32 = arith.constant 0 : i32
    %c0_i32_0 = arith.constant 0 : i32
    %c0_i32_1 = arith.constant 0 : i32
    return %c0_i32, %c0_i32_0 : i32, i32
  }
  func.func @transform_10(%arg0: i32) -> (i32, i32) {
    %c0_i32 = arith.constant 0 : i32
    %c0_i32_0 = arith.constant 0 : i32
    %c0_i32_1 = arith.constant 0 : i32
    return %c0_i32, %c0_i32_0 : i32, i32
  }
  func.func @transform_11(%arg0: i32) -> (i32, i32) {
    %c0_i32 = arith.constant 0 : i32
    %c0_i32_0 = arith.constant 0 : i32
    %c0_i32_1 = arith.constant 0 : i32
    return %c0_i32, %c0_i32_0 : i32, i32
  }
  func.func @transform_12(%arg0: i32) -> (i32, i32) {
    %c0_i32 = arith.constant 0 : i32
    %c0_i32_0 = arith.constant 0 : i32
    return %arg0, %c0_i32 : i32, i32
  }
  func.func @transform_13(%arg0: i32) -> (i32, i32) {
    %c0_i32 = arith.constant 0 : i32
    %c0_i32_0 = arith.constant 0 : i32
    return %arg0, %c0_i32 : i32, i32
  }
  func.func @transform_14(%arg0: i32) -> (i32, i32) {
    %c0_i32 = arith.constant 0 : i32
    %c0_i32_0 = arith.constant 0 : i32
    return %arg0, %c0_i32 : i32, i32
  }
}

module attributes {stable_mosaic.version = 14 : i64} {
  func.func @_post_body(%arg0: i32, %arg1: memref<1000x128xf32, #tpu.memory_space<vmem>>, %arg2: memref<1000x128xf32, #tpu.memory_space<vmem>>, %arg3: memref<1000x128xf32, #tpu.memory_space<vmem>>, %arg4: memref<1000x128xf32, #tpu.memory_space<vmem>>, %arg5: memref<16x128xf32, #tpu.memory_space<vmem>>, %arg6: memref<1x128xf32, #tpu.memory_space<vmem>>, %arg7: memref<1x128xf32, #tpu.memory_space<vmem>>, %arg8: memref<128x512xf32, #tpu.memory_space<vmem>>, %arg9: memref<1x512xf32, #tpu.memory_space<vmem>>, %arg10: memref<512x128xf32, #tpu.memory_space<vmem>>, %arg11: memref<1x128xf32, #tpu.memory_space<vmem>>, %arg12: memref<1000x128xf32, #tpu.memory_space<vmem>>) attributes {dimension_semantics = [#tpu.dimension_semantics<arbitrary>], iteration_bounds = array<i64: 10>, scalar_prefetch = 0 : i64, scratch_operands = 0 : i64, tpu.core_type = #tpu.core_type<tc>, window_params = [{transform_indices = @transform_0, window_bounds = array<i64: 1000, 128>}, {transform_indices = @transform_1, window_bounds = array<i64: 1000, 128>}, {transform_indices = @transform_2, window_bounds = array<i64: 1000, 128>}, {transform_indices = @transform_3, window_bounds = array<i64: 1000, 128>}, {pipeline_mode = #tpu.pipeline_mode<synchronous>, transform_indices = @transform_4, window_bounds = array<i64: 16, 128>}, {pipeline_mode = #tpu.pipeline_mode<synchronous>, transform_indices = @transform_5, window_bounds = array<i64: 1, 128>}, {pipeline_mode = #tpu.pipeline_mode<synchronous>, transform_indices = @transform_6, window_bounds = array<i64: 1, 128>}, {pipeline_mode = #tpu.pipeline_mode<synchronous>, transform_indices = @transform_7, window_bounds = array<i64: 128, 512>}, {pipeline_mode = #tpu.pipeline_mode<synchronous>, transform_indices = @transform_8, window_bounds = array<i64: 1, 512>}, {pipeline_mode = #tpu.pipeline_mode<synchronous>, transform_indices = @transform_9, window_bounds = array<i64: 512, 128>}, {pipeline_mode = #tpu.pipeline_mode<synchronous>, transform_indices = @transform_10, window_bounds = array<i64: 1, 128>}, {transform_indices = @transform_11, window_bounds = array<i64: 1000, 128>}]} {
    %get3A = arith.constant 0 : index
    %get3A_0 = arith.constant 0 : index
    %get3A_1 = vector.load %arg3[%get3A, %get3A_0] : memref<1000x128xf32, #tpu.memory_space<vmem>>, vector<1000x128xf32>
    %get3A_2 = arith.constant 0 : index
    %get3A_3 = arith.constant 0 : index
    %get3A_4 = vector.load %arg4[%get3A_2, %get3A_3] : memref<1000x128xf32, #tpu.memory_space<vmem>>, vector<1000x128xf32>
    %get3A_5 = arith.constant 0 : index
    %get3A_6 = arith.constant 0 : index
    %get3A_7 = vector.load %arg5[%get3A_5, %get3A_6] : memref<16x128xf32, #tpu.memory_space<vmem>>, vector<16x128xf32>
    %slice3A = vector.extract_strided_slice %get3A_1 {offsets = [0, 0], sizes = [1000, 32], strides = [1, 1]} : vector<1000x128xf32> to vector<1000x32xf32>
    %slice3A_8 = vector.extract_strided_slice %get3A_4 {offsets = [0, 0], sizes = [1000, 16], strides = [1, 1]} : vector<1000x128xf32> to vector<1000x16xf32>
    %slice3A_9 = vector.extract_strided_slice %get3A_4 {offsets = [0, 64], sizes = [1000, 1], strides = [1, 1]} : vector<1000x128xf32> to vector<1000x1xf32>
    %slice3A_10 = vector.extract_strided_slice %get3A_7 {offsets = [0, 0], sizes = [16, 32], strides = [1, 1]} : vector<16x128xf32> to vector<16x32xf32>
    %dot_general3A = arith.constant dense<0.000000e+00> : vector<1000x32xf32>
    %dot_general3A_11 = tpu.matmul %slice3A_8, %slice3A_10, %dot_general3A {dimension_numbers = #tpu.dot_dimension_numbers<[1], [0], [0], [1], [0, 0, 1, 1], [], []>, transpose_lhs_hint = false} : vector<1000x16xf32>, vector<16x32xf32>, vector<1000x32xf32> -> vector<1000x32xf32>
    %add3A = arith.addf %slice3A, %dot_general3A_11 : vector<1000x32xf32>
    %add3A_12 = arith.constant 1.000000e-16 : f32
    %add3A_13 = vector.broadcast %add3A_12 : f32 to vector<1000x1xf32>
    %add3A_14 = arith.addf %slice3A_9, %add3A_13 : vector<1000x1xf32>
    %div3A = vector.broadcast %add3A_14 : vector<1000x1xf32> to vector<1000x32xf32>
    %div3A_15 = arith.divf %add3A, %div3A : vector<1000x32xf32>
    %slice3A_16 = vector.extract_strided_slice %get3A_1 {offsets = [0, 32], sizes = [1000, 32], strides = [1, 1]} : vector<1000x128xf32> to vector<1000x32xf32>
    %slice3A_17 = vector.extract_strided_slice %get3A_4 {offsets = [0, 16], sizes = [1000, 16], strides = [1, 1]} : vector<1000x128xf32> to vector<1000x16xf32>
    %slice3A_18 = vector.extract_strided_slice %get3A_4 {offsets = [0, 65], sizes = [1000, 1], strides = [1, 1]} : vector<1000x128xf32> to vector<1000x1xf32>
    %slice3A_19 = vector.extract_strided_slice %get3A_7 {offsets = [0, 32], sizes = [16, 32], strides = [1, 1]} : vector<16x128xf32> to vector<16x32xf32>
    %dot_general3A_20 = arith.constant dense<0.000000e+00> : vector<1000x32xf32>
    %dot_general3A_21 = tpu.matmul %slice3A_17, %slice3A_19, %dot_general3A_20 {dimension_numbers = #tpu.dot_dimension_numbers<[1], [0], [0], [1], [0, 0, 1, 1], [], []>, transpose_lhs_hint = false} : vector<1000x16xf32>, vector<16x32xf32>, vector<1000x32xf32> -> vector<1000x32xf32>
    %add3A_22 = arith.addf %slice3A_16, %dot_general3A_21 : vector<1000x32xf32>
    %add3A_23 = arith.constant 1.000000e-16 : f32
    %add3A_24 = vector.broadcast %add3A_23 : f32 to vector<1000x1xf32>
    %add3A_25 = arith.addf %slice3A_18, %add3A_24 : vector<1000x1xf32>
    %div3A_26 = vector.broadcast %add3A_25 : vector<1000x1xf32> to vector<1000x32xf32>
    %div3A_27 = arith.divf %add3A_22, %div3A_26 : vector<1000x32xf32>
    %slice3A_28 = vector.extract_strided_slice %get3A_1 {offsets = [0, 64], sizes = [1000, 32], strides = [1, 1]} : vector<1000x128xf32> to vector<1000x32xf32>
    %slice3A_29 = vector.extract_strided_slice %get3A_4 {offsets = [0, 32], sizes = [1000, 16], strides = [1, 1]} : vector<1000x128xf32> to vector<1000x16xf32>
    %slice3A_30 = vector.extract_strided_slice %get3A_4 {offsets = [0, 66], sizes = [1000, 1], strides = [1, 1]} : vector<1000x128xf32> to vector<1000x1xf32>
    %slice3A_31 = vector.extract_strided_slice %get3A_7 {offsets = [0, 64], sizes = [16, 32], strides = [1, 1]} : vector<16x128xf32> to vector<16x32xf32>
    %dot_general3A_32 = arith.constant dense<0.000000e+00> : vector<1000x32xf32>
    %dot_general3A_33 = tpu.matmul %slice3A_29, %slice3A_31, %dot_general3A_32 {dimension_numbers = #tpu.dot_dimension_numbers<[1], [0], [0], [1], [0, 0, 1, 1], [], []>, transpose_lhs_hint = false} : vector<1000x16xf32>, vector<16x32xf32>, vector<1000x32xf32> -> vector<1000x32xf32>
    %add3A_34 = arith.addf %slice3A_28, %dot_general3A_33 : vector<1000x32xf32>
    %add3A_35 = arith.constant 1.000000e-16 : f32
    %add3A_36 = vector.broadcast %add3A_35 : f32 to vector<1000x1xf32>
    %add3A_37 = arith.addf %slice3A_30, %add3A_36 : vector<1000x1xf32>
    %div3A_38 = vector.broadcast %add3A_37 : vector<1000x1xf32> to vector<1000x32xf32>
    %div3A_39 = arith.divf %add3A_34, %div3A_38 : vector<1000x32xf32>
    %slice3A_40 = vector.extract_strided_slice %get3A_1 {offsets = [0, 96], sizes = [1000, 32], strides = [1, 1]} : vector<1000x128xf32> to vector<1000x32xf32>
    %slice3A_41 = vector.extract_strided_slice %get3A_4 {offsets = [0, 48], sizes = [1000, 16], strides = [1, 1]} : vector<1000x128xf32> to vector<1000x16xf32>
    %slice3A_42 = vector.extract_strided_slice %get3A_4 {offsets = [0, 67], sizes = [1000, 1], strides = [1, 1]} : vector<1000x128xf32> to vector<1000x1xf32>
    %slice3A_43 = vector.extract_strided_slice %get3A_7 {offsets = [0, 96], sizes = [16, 32], strides = [1, 1]} : vector<16x128xf32> to vector<16x32xf32>
    %dot_general3A_44 = arith.constant dense<0.000000e+00> : vector<1000x32xf32>
    %dot_general3A_45 = tpu.matmul %slice3A_41, %slice3A_43, %dot_general3A_44 {dimension_numbers = #tpu.dot_dimension_numbers<[1], [0], [0], [1], [0, 0, 1, 1], [], []>, transpose_lhs_hint = false} : vector<1000x16xf32>, vector<16x32xf32>, vector<1000x32xf32> -> vector<1000x32xf32>
    %add3A_46 = arith.addf %slice3A_40, %dot_general3A_45 : vector<1000x32xf32>
    %add3A_47 = arith.constant 1.000000e-16 : f32
    %add3A_48 = vector.broadcast %add3A_47 : f32 to vector<1000x1xf32>
    %add3A_49 = arith.addf %slice3A_42, %add3A_48 : vector<1000x1xf32>
    %div3A_50 = vector.broadcast %add3A_49 : vector<1000x1xf32> to vector<1000x32xf32>
    %div3A_51 = arith.divf %add3A_46, %div3A_50 : vector<1000x32xf32>
    %concatenate3A = tpu.concatenate %div3A_15, %div3A_27, %div3A_39, %div3A_51 in 1 : vector<1000x32xf32>, vector<1000x32xf32>, vector<1000x32xf32>, vector<1000x32xf32> -> vector<1000x128xf32>
    %get3A_52 = arith.constant 0 : index
    %get3A_53 = arith.constant 0 : index
    %get3A_54 = vector.load %arg2[%get3A_52, %get3A_53] : memref<1000x128xf32, #tpu.memory_space<vmem>>, vector<1000x128xf32>
    %add3A_55 = arith.addf %concatenate3A, %get3A_54 : vector<1000x128xf32>
    %get3A_56 = arith.constant 0 : index
    %get3A_57 = arith.constant 0 : index
    %get3A_58 = vector.load %arg1[%get3A_56, %get3A_57] : memref<1000x128xf32, #tpu.memory_space<vmem>>, vector<1000x128xf32>
    %add3A_59 = arith.addf %get3A_58, %add3A_55 : vector<1000x128xf32>
    %reduce_sum3A = arith.constant dense<0.000000e+00> : vector<1000xf32>
    %reduce_sum3A_60 = vector.multi_reduction <add>, %add3A_59, %reduce_sum3A [1] : vector<1000x128xf32> to vector<1000xf32>
    %broadcast_in_dim3A = vector.shape_cast %reduce_sum3A_60 : vector<1000xf32> to vector<1000x1xf32>
    %div3A_61 = arith.constant 1.280000e+02 : f32
    %div3A_62 = vector.broadcast %div3A_61 : f32 to vector<1000x1xf32>
    %div3A_63 = arith.divf %broadcast_in_dim3A, %div3A_62 : vector<1000x1xf32>
    %sub3A = vector.broadcast %div3A_63 : vector<1000x1xf32> to vector<1000x128xf32>
    %sub3A_64 = arith.subf %add3A_59, %sub3A : vector<1000x128xf32>
    %integer_pow3A = arith.mulf %sub3A_64, %sub3A_64 : vector<1000x128xf32>
    %reduce_sum3A_65 = arith.constant dense<0.000000e+00> : vector<1000xf32>
    %reduce_sum3A_66 = vector.multi_reduction <add>, %integer_pow3A, %reduce_sum3A_65 [1] : vector<1000x128xf32> to vector<1000xf32>
    %broadcast_in_dim3A_67 = vector.shape_cast %reduce_sum3A_66 : vector<1000xf32> to vector<1000x1xf32>
    %div3A_68 = arith.constant 1.280000e+02 : f32
    %div3A_69 = vector.broadcast %div3A_68 : f32 to vector<1000x1xf32>
    %div3A_70 = arith.divf %broadcast_in_dim3A_67, %div3A_69 : vector<1000x1xf32>
    %sub3A_71 = vector.broadcast %div3A_63 : vector<1000x1xf32> to vector<1000x128xf32>
    %sub3A_72 = arith.subf %add3A_59, %sub3A_71 : vector<1000x128xf32>
    %add3A_73 = arith.constant 9.99999974E-6 : f32
    %add3A_74 = vector.broadcast %add3A_73 : f32 to vector<1000x1xf32>
    %add3A_75 = arith.addf %div3A_70, %add3A_74 : vector<1000x1xf32>
    %sqrt3A = math.sqrt %add3A_75 : vector<1000x1xf32>
    %div3A_76 = vector.broadcast %sqrt3A : vector<1000x1xf32> to vector<1000x128xf32>
    %div3A_77 = arith.divf %sub3A_72, %div3A_76 : vector<1000x128xf32>
    %get3A_78 = arith.constant 0 : index
    %get3A_79 = arith.constant 0 : index
    %get3A_80 = vector.load %arg6[%get3A_78, %get3A_79] : memref<1x128xf32, #tpu.memory_space<vmem>>, vector<1x128xf32>
    %mul3A = vector.broadcast %get3A_80 : vector<1x128xf32> to vector<1000x128xf32>
    %mul3A_81 = arith.mulf %div3A_77, %mul3A : vector<1000x128xf32>
    %get3A_82 = arith.constant 0 : index
    %get3A_83 = arith.constant 0 : index
    %get3A_84 = vector.load %arg7[%get3A_82, %get3A_83] : memref<1x128xf32, #tpu.memory_space<vmem>>, vector<1x128xf32>
    %add3A_85 = vector.broadcast %get3A_84 : vector<1x128xf32> to vector<1000x128xf32>
    %add3A_86 = arith.addf %mul3A_81, %add3A_85 : vector<1000x128xf32>
    %get3A_87 = arith.constant 0 : index
    %get3A_88 = arith.constant 0 : index
    %get3A_89 = vector.load %arg8[%get3A_87, %get3A_88] : memref<128x512xf32, #tpu.memory_space<vmem>>, vector<128x512xf32>
    %dot_general3A_90 = arith.constant dense<0.000000e+00> : vector<1000x512xf32>
    %dot_general3A_91 = tpu.matmul %add3A_86, %get3A_89, %dot_general3A_90 {dimension_numbers = #tpu.dot_dimension_numbers<[1], [0], [0], [1], [0, 0, 1, 1], [], []>, transpose_lhs_hint = false} : vector<1000x128xf32>, vector<128x512xf32>, vector<1000x512xf32> -> vector<1000x512xf32>
    %get3A_92 = arith.constant 0 : index
    %get3A_93 = arith.constant 0 : index
    %get3A_94 = vector.load %arg9[%get3A_92, %get3A_93] : memref<1x512xf32, #tpu.memory_space<vmem>>, vector<1x512xf32>
    %add3A_95 = vector.broadcast %get3A_94 : vector<1x512xf32> to vector<1000x512xf32>
    %add3A_96 = arith.addf %dot_general3A_91, %add3A_95 : vector<1000x512xf32>
    %mul3A_97 = arith.constant 5.000000e-01 : f32
    %mul3A_98 = vector.broadcast %mul3A_97 : f32 to vector<1000x512xf32>
    %mul3A_99 = arith.mulf %mul3A_98, %add3A_96 : vector<1000x512xf32>
    %mul3A_100 = arith.constant 0.707106769 : f32
    %mul3A_101 = vector.broadcast %mul3A_100 : f32 to vector<1000x512xf32>
    %mul3A_102 = arith.mulf %add3A_96, %mul3A_101 : vector<1000x512xf32>
    %erf3A = math.erf %mul3A_102 : vector<1000x512xf32>
    %add3A_103 = arith.constant 1.000000e+00 : f32
    %add3A_104 = vector.broadcast %add3A_103 : f32 to vector<1000x512xf32>
    %add3A_105 = arith.addf %add3A_104, %erf3A : vector<1000x512xf32>
    %mul3A_106 = arith.mulf %mul3A_99, %add3A_105 : vector<1000x512xf32>
    %get3A_107 = arith.constant 0 : index
    %get3A_108 = arith.constant 0 : index
    %get3A_109 = vector.load %arg10[%get3A_107, %get3A_108] : memref<512x128xf32, #tpu.memory_space<vmem>>, vector<512x128xf32>
    %dot_general3A_110 = arith.constant dense<0.000000e+00> : vector<1000x128xf32>
    %dot_general3A_111 = tpu.matmul %mul3A_106, %get3A_109, %dot_general3A_110 {dimension_numbers = #tpu.dot_dimension_numbers<[1], [0], [0], [1], [0, 0, 1, 1], [], []>, transpose_lhs_hint = false} : vector<1000x512xf32>, vector<512x128xf32>, vector<1000x128xf32> -> vector<1000x128xf32>
    %get3A_112 = arith.constant 0 : index
    %get3A_113 = arith.constant 0 : index
    %get3A_114 = vector.load %arg11[%get3A_112, %get3A_113] : memref<1x128xf32, #tpu.memory_space<vmem>>, vector<1x128xf32>
    %add3A_115 = vector.broadcast %get3A_114 : vector<1x128xf32> to vector<1000x128xf32>
    %add3A_116 = arith.addf %dot_general3A_111, %add3A_115 : vector<1000x128xf32>
    %add3A_117 = arith.addf %add3A_59, %add3A_116 : vector<1000x128xf32>
    %swap3A = arith.constant 0 : index
    %swap3A_118 = arith.constant 0 : index
    %swap3A_119 = vector.load %arg12[%swap3A, %swap3A_118] : memref<1000x128xf32, #tpu.memory_space<vmem>>, vector<1000x128xf32>
    tpu.vector_store %arg12[%swap3A, %swap3A_118], %add3A_117 {strides = array<i32>} : memref<1000x128xf32, #tpu.memory_space<vmem>>, vector<1000x128xf32>,
    return
  }
  func.func @transform_0(%arg0: i32) -> (i32, i32) {
    %c0_i32 = arith.constant 0 : i32
    %c0_i32_0 = arith.constant 0 : i32
    return %arg0, %c0_i32 : i32, i32
  }
  func.func @transform_1(%arg0: i32) -> (i32, i32) {
    %c0_i32 = arith.constant 0 : i32
    %c0_i32_0 = arith.constant 0 : i32
    return %arg0, %c0_i32 : i32, i32
  }
  func.func @transform_2(%arg0: i32) -> (i32, i32) {
    %c0_i32 = arith.constant 0 : i32
    %c0_i32_0 = arith.constant 0 : i32
    return %arg0, %c0_i32 : i32, i32
  }
  func.func @transform_3(%arg0: i32) -> (i32, i32) {
    %c0_i32 = arith.constant 0 : i32
    %c0_i32_0 = arith.constant 0 : i32
    return %arg0, %c0_i32 : i32, i32
  }
  func.func @transform_4(%arg0: i32) -> (i32, i32) {
    %c0_i32 = arith.constant 0 : i32
    %c0_i32_0 = arith.constant 0 : i32
    %c0_i32_1 = arith.constant 0 : i32
    return %c0_i32, %c0_i32_0 : i32, i32
  }
  func.func @transform_5(%arg0: i32) -> (i32, i32) {
    %c0_i32 = arith.constant 0 : i32
    %c0_i32_0 = arith.constant 0 : i32
    %c0_i32_1 = arith.constant 0 : i32
    return %c0_i32, %c0_i32_0 : i32, i32
  }
  func.func @transform_6(%arg0: i32) -> (i32, i32) {
    %c0_i32 = arith.constant 0 : i32
    %c0_i32_0 = arith.constant 0 : i32
    %c0_i32_1 = arith.constant 0 : i32
    return %c0_i32, %c0_i32_0 : i32, i32
  }
  func.func @transform_7(%arg0: i32) -> (i32, i32) {
    %c0_i32 = arith.constant 0 : i32
    %c0_i32_0 = arith.constant 0 : i32
    %c0_i32_1 = arith.constant 0 : i32
    return %c0_i32, %c0_i32_0 : i32, i32
  }
  func.func @transform_8(%arg0: i32) -> (i32, i32) {
    %c0_i32 = arith.constant 0 : i32
    %c0_i32_0 = arith.constant 0 : i32
    %c0_i32_1 = arith.constant 0 : i32
    return %c0_i32, %c0_i32_0 : i32, i32
  }
  func.func @transform_9(%arg0: i32) -> (i32, i32) {
    %c0_i32 = arith.constant 0 : i32
    %c0_i32_0 = arith.constant 0 : i32
    %c0_i32_1 = arith.constant 0 : i32
    return %c0_i32, %c0_i32_0 : i32, i32
  }
  func.func @transform_10(%arg0: i32) -> (i32, i32) {
    %c0_i32 = arith.constant 0 : i32
    %c0_i32_0 = arith.constant 0 : i32
    %c0_i32_1 = arith.constant 0 : i32
    return %c0_i32, %c0_i32_0 : i32, i32
  }
  func.func @transform_11(%arg0: i32) -> (i32, i32) {
    %c0_i32 = arith.constant 0 : i32
    %c0_i32_0 = arith.constant 0 : i32
    return %arg0, %c0_i32 : i32, i32
  }
}

</mosaic_0001>

<sc_bundles>
// kernel: _run.5.cloned.1.call-start
scs
__scs_entry_jumppad:
0x0: {  	(pc) =	sbr.rel $0x88, $3  }
0x1: {  	(tag) =	ssettag $0x0;
	lr =	simm.s32 $0x1  }
0x2: {  	[smem:$0x3F8D] =	sst lr;
	_ =	strace $0xD0000000  }
0x3: {  	_ = 	snop  }
0x4: {  	_ = 	snop  }
0x5: {  	_ = 	snop  }
0x6: {  	_ = 	snop  }
0x7: {  	_ = 	snop  }
__scs_overlays_trampoline_lowered:
0x8: {  	[smem:$0x3F9C] =	sst s0  }
0x9: {  	[smem:$0x3F9D] =	sst s1  }
0xa: {  	[smem:$0x3F9E] =	sst s2  }
0xb: {  	[smem:$0x3F9F] =	sst s3  }
0xc: {  	[smem:$0x3FA0] =	sst s4  }
0xd: {  	[smem:$0x3FA1] =	sst s5  }
0xe: {  	[smem:$0x3FA2] =	sst s6  }
0xf: {  	[smem:$0x3FA3] =	sst s7  }
0x10: {  	[smem:$0x3FA4] =	sst s8  }
0x11: {  	[smem:$0x3FA5] =	sst s9;
	s0 =	simm.s32 @!p0 $0x0  }
0x12: {  	s1 =	sld [smem:$0x3F8B];
	s0 =	simm.s32 @p0 $0x1  }
0x13: {  	[smem:$0x3FA6] =	sst s0;
	s0 =	simm.s32 @!p1 $0x0  }
0x14: {  	s2 =	sld [smem:$0x3F8A];
	s0 =	simm.s32 @p1 $0x1  }
0x15: {  	[smem:$0x3FA7] =	sst s0;
	s0 =	simm.s32 @!p2 $0x0  }
0x16: {  	s3 =	sld [smem:$0x3FDB];
	s0 =	simm.s32 @p2 $0x1  }
0x17: {  	s4 =	simm.s32 $0x1BF5;
	[smem:$0x3FA9] =	sst s0  }
0x18: {  	s0 =	sld [smem:$0x3F8C];
	_ =	swait.ge [sflag:s4], $0x0  }
0x19: {  	s7 =	sld [smem:$0x3F8D]  }
0x1a: {  	s8 =	sadd.s32 $0xFFFFE003, lr  }
0x1b: {  	s9 =	sadd.s32 $0xFFFFFEF7, lr;
	s5 =	simm.s32 $0xFFFFFFFF;
	p2 =	slt.u32 s8, $0xFFFFF086  }
0x1c: {  	p1 =	slt.u32 s9, $0xF7A;
	s5 =	simm.s32 @!p2 $0x0  }
0x1d: {  	s5 =	simm.s32 @p1 $0x1;
	p0 =	seq.s32 s7, s2  }
0x1e: {  	s7 =	smul.u32 @!p0 $0xF7A, s2;
	p2 =	seq.s32 @!p0 s5, $0x0  }
0x1f: {  	s9 =	smul.u32 $0xF7A, s1;
	s8 =	simm.s32 @!p0 $0x1BF5;
	p2 =	por !p2, p0  }
0x20: {  	[sflag:s8] =	ssyncset.s32 @!p0 $0xFFFFF086;
	s6 =	sadd.s32 @!p0 s3, s7;
	s7 =	simm.s32 @!p0 $0x108  }
0x21: {  	s3 =	sadd.s32 s3, s9;
	s6 =	sadd.s32 @!p0 $0x88, s6;
	s7 =	simm.s32 @p2 $0x1082  }
0x22: {  	[simem:s7], [sflag:s8] =	dma.local @!p0 [hbm:s6], $0xF7A  }
0x23: {  	s9 =	sor.u32 $0xD0000000, s2;
	s6 =	simm.s32 $0x108;
	_ =	swait.ge @!p0 [sflag:s8], $0x0  }
0x24: {  	s3 =	sadd.s32 $0x88, s3;
	s6 =	simm.s32 @!p1 $0x1082;
	[sflag:s4] =	ssyncset.s32 $0xFFFFF086  }
0x25: {  	[simem:s6], [sflag:s4] =	dma.local [hbm:s3], $0xF7A  }
0x26: {  	[smem:$0x3F8D] =	sst s1;
	(tag) =	ssettag s2;
	_ =	strace s9  }
0x27: {  	s1 =	sld [smem:$0x3F9D]  }
0x28: {  	s2 =	sld [smem:$0x3F9E]  }
0x29: {  	s4 =	sld [smem:$0x3FA0]  }
0x2a: {  	p0 =	seq.s32 s5, $0x0;
	s5 =	sld [smem:$0x3FA1]  }
0x2b: {  	s6 =	sld [smem:$0x3FA2]  }
0x2c: {  	s7 =	sld [smem:$0x3FA3]  }
0x2d: {  	s3 =	simm.s32 $0x108;
	s8 =	sld [smem:$0x3FA4]  }
0x2e: {  	s3 =	simm.s32 @!p0 $0x1082;
	s9 =	sld [smem:$0x3FA5]  }
0x2f: {  	lr =	sadd.s32 s0, s3;
	s0 =	sld [smem:$0x3F9C]  }
0x30: {  	s3 =	sld [smem:$0x3F9F]  }
0x31: {  	[smem:$0x3FA8] =	sst s10  }
0x32: {  	s10 =	sld [smem:$0x3FA6];
	_ =	sdelay $0x3  }
0x33: {  	p0 =	seq.s32 s10, $0x1;
	s10 =	sld [smem:$0x3FA8];
	_ =	sdelay $0x3  }
0x34: {  	[smem:$0x3FA8] =	sst s10  }
0x35: {  	s10 =	sld [smem:$0x3FA7];
	_ =	sdelay $0x3  }
0x36: {  	p1 =	seq.s32 s10, $0x1;
	s10 =	sld [smem:$0x3FA8];
	_ =	sdelay $0x3  }
0x37: {  	[smem:$0x3FA8] =	sst s10  }
0x38: {  	s10 =	sld [smem:$0x3FA9]  }
0x39: {  	_ = 	snop;
	(pc) =	sbr.ind lr, $3  }
0x3a: {  	_ = 	snop  }
0x3b: {  	_ = 	snop  }
0x3c: {  	p2 =	seq.s32 s10, $0x1;
	s10 =	sld [smem:$0x3FA8]  }
0x3d: {  	_ =	shalt  }
0x3e: {  	_ =	shalt  }
0x3f: {  	_ =	shalt  }
0x40: {  	_ =	shalt  }
0x41: {  	_ =	shalt  }
0x42: {  	_ =	shalt  }
0x43: {  	_ =	shalt  }
0x44: {  	_ =	shalt  }
0x45: {  	_ =	shalt  }
0x46: {  	_ =	shalt  }
0x47: {  	_ =	shalt  }
0x48: {  	_ =	shalt  }
0x49: {  	_ =	shalt  }
0x4a: {  	_ =	shalt  }
0x4b: {  	_ =	shalt  }
0x4c: {  	_ =	shalt  }
0x4d: {  	_ =	shalt  }
0x4e: {  	_ =	shalt  }
0x4f: {  	_ =	shalt  }
0x50: {  	_ =	shalt  }
0x51: {  	_ =	shalt  }
0x52: {  	_ =	shalt  }
0x53: {  	_ =	shalt  }
0x54: {  	_ =	shalt  }
0x55: {  	_ =	shalt  }
0x56: {  	_ =	shalt  }
0x57: {  	_ =	shalt  }
0x58: {  	_ =	shalt  }
0x59: {  	_ =	shalt  }
0x5a: {  	_ =	shalt  }
0x5b: {  	_ =	shalt  }
0x5c: {  	_ =	shalt  }
0x5d: {  	_ =	shalt  }
0x5e: {  	_ =	shalt  }
0x5f: {  	_ =	shalt  }
0x60: {  	_ =	shalt  }
0x61: {  	_ =	shalt  }
0x62: {  	_ =	shalt  }
0x63: {  	_ =	shalt  }
0x64: {  	_ =	shalt  }
0x65: {  	_ =	shalt  }
0x66: {  	_ =	shalt  }
0x67: {  	_ =	shalt  }
0x68: {  	_ =	shalt  }
0x69: {  	_ =	shalt  }
0x6a: {  	_ =	shalt  }
0x6b: {  	_ =	shalt  }
0x6c: {  	_ =	shalt  }
0x6d: {  	_ =	shalt  }
0x6e: {  	_ =	shalt  }
0x6f: {  	_ =	shalt  }
0x70: {  	_ =	shalt  }
0x71: {  	_ =	shalt  }
0x72: {  	_ =	shalt  }
0x73: {  	_ =	shalt  }
0x74: {  	_ =	shalt  }
0x75: {  	_ =	shalt  }
0x76: {  	_ =	shalt  }
0x77: {  	_ =	shalt  }
0x78: {  	_ =	shalt  }
0x79: {  	_ =	shalt  }
0x7a: {  	_ =	shalt  }
0x7b: {  	_ =	shalt  }
0x7c: {  	_ =	shalt  }
0x7d: {  	_ =	shalt  }
0x7e: {  	_ =	shalt  }
0x7f: {  	_ =	shalt  }
0x80: {  	_ =	shalt  }
0x81: {  	_ =	shalt  }
0x82: {  	_ =	shalt  }
0x83: {  	_ =	shalt  }
0x84: {  	_ =	shalt  }
0x85: {  	_ =	shalt  }
0x86: {  	_ =	shalt  }
0x87: {  	_ =	shalt  }
.Lfunc_end0:
.L_simem_size_0:
called_computation_lowered:
.L_overlay_start_0:
0x88: {  	s2 =	sld [smem:$0x3FD9]  }
0x89: {  	s3 =	sld [smem:$0x3FFE];
	_ =	sdelay $0x1  }
0x8a: {  	s1 =	srdreg.scid  }
0x8b: {  	s0 =	sand.u32 $0x1, s1  }
0x8c: {  	s17 =	sshll.u32 s0, $0xA;
	s2 =	sadd.s32 s3, s2  }
0x8d: {  	s2 =	sadd.s32 s2, s17  }
0x8e: {  	[smem:$0x3FB4] =	sst s2  }
0x8f: {  	_ = 	snop  }
0x90: {  	s2 =	sld [smem:$0x3FD0];
	(tm) =	ssettm $0x1  }
0x91: {  	s18 =	sld [smem:$0x3FFB];
	_ =	sdelay $0x3  }
0x92: {  	_ =	strace s18  }
0x93: {  	s3 =	sld [smem:$0x3FFC];
	_ =	sdelay $0x3  }
0x94: {  	_ =	strace s3  }
0x95: {  	s3 =	sld [smem:$0x3FFD];
	_ =	sdelay $0x3  }
0x96: {  	_ =	strace s3  }
0x97: {  	_ =	strace $0x8FFFFFFF  }
0x98: {  	s19 =	sld [smem:$0x3FDB];
	_ =	sdelay $0x1  }
0x99: {  	s4 =	simm.s32 $_scs_section_size  }
0x9a: {  	s5 =	simm.s32 $_size__tile_overlayer_lowered;
	s6 =	simm.s32 $_tile_overlayer_lowered  }
0x9b: {  	s22 =	simm.s32 $0x1BFF;
	s21 =	sshll.u32 s6, $0x1;
	s3 =	sadd.s32 s4, s19  }
0x9c: {  	s7 =	simm.s32 $0x0;
	s20 =	sshll.u32 s5, $0x1;
	s5 =	sadd.s32 s21, s3  }
0x9d: {  	[timem:s7], [sflag:s22] =	dma.local [hbm:s5], s20  }
0x9e: {  	_ =	swait.ge [sflag:s22], s20  }
0x9f: {  	s4 =	ssub.s32 $0x0, s20;
	[sflag:s22] =	ssyncset.done $0x0  }
0xa0: {  	[sflag:s22] =	ssyncadd.s32 s4;
	_ =	sdelay $0x1  }
0xa1: {  	s23 =	simm.s32 $0x1B8B  }
0xa2: {  	_ =	swait.ge [sflag:s23], $0x1  }
0xa3: {  	[sflag:s23] =	ssyncset.done $0x0  }
0xa4: {  	s25 =	simm.s32 $0x1B8E;
	s24 =	sld [smem:$0x3FFE];
	[sflag:s23] =	ssyncadd.s32 $0xFFFFFFFF  }
0xa5: {  	s26 =	simm.s32 $execute0_lowered;
	[smem:$0x3FD2] =	sst s25  }
0xa6: {  	s5 =	sshll.u32 s26, $0x1;
	_ =	strace $0x80000046;
	[dreg:$0x1] =	wrdreg $0xFFFFFFFF  }
0xa7: {  	s28 =	simm.s32 $_size_execute0_lowered;
	s3 =	sadd.s32 s3, s5;
	[dreg:$0x0] =	wrdreg $0x0  }
0xa8: {  	s5 =	sshll.u32 s28, $0x1;
	[dreg:$0x2] =	wrdreg s3  }
0xa9: {  	[dreg:$0x3] =	wrdreg s5  }
0xaa: {  	[dreg:$0x4] =	wrdreg $0xC0  }
0xab: {  	_ =	task [dreg:s7], $0x5FFFF  }
0xac: {  	[dreg:$0x1] =	wrdreg $0xFFFFFFFF  }
0xad: {  	[dreg:$0x0] =	wrdreg $0x60  }
0xae: {  	[dreg:$0x2] =	wrdreg s24  }
0xaf: {  	[dreg:$0x3] =	wrdreg s2  }
0xb0: {  	[dreg:$0x4] =	wrdreg $0x0  }
0xb1: {  	[dreg:$0x5] =	wrdreg $0xA0000  }
0xb2: {  	[dreg:$0x6] =	wrdreg $0x9  }
0xb3: {  	_ =	task.clear_ibuf [dreg:s7], $0x7FFFF;
	_ =	strace $0x90000046  }
0xb4: {  	s29 =	simm.s32 $0x9;
	_ =	strace $0x80000048  }
0xb5: {  	_ =	swait.ge [sflag:s29], $0x1  }
0xb6: {  	[sflag:s29] =	ssyncadd.s32 $0xFFFFFFFF  }
0xb7: {  	_ =	strace $0x90000048  }
0xb8: {  	_ =	sfence  }
0xb9: {  	s30 =	sld [smem:$0x0];
	_ =	sdelay $0x2  }
0xba: {  	s31 =	sshll.u32 s1, $0xD;
	s1 =	sshrl.u32 s1, $0x2  }
0xbb: {  	s3 =	sand.u32 $0x4000, s31;
	s1 =	sadd.s32 s1, s30  }
0xbc: {  	s0 =	sor.u32 s3, s0;
	s1 =	sshll.u32 s1, $0x11  }
0xbd: {  	s0 =	sor.u32 s1, s0  }
0xbe: {  	s0 =	sadd.s32 $0x8F2B, s0  }
0xbf: {  	[sflag:s0] =	ssyncadd.remote.s32 $0x1  }
0xc0: {  	_ =	sfence.sel $0xFFFF  }
0xc1: {  	[dreg:$0x0] =	wrdreg $0xFFFFFFFF;
	(pc) =	sbr.abs _section_cstart, $3  }
0xc2: {  	[dreg:$0x1] =	wrdreg $0xFFFFFFFF  }
0xc3: {  	_ =	task.clear_ibuf [dreg:s7], $0x2FFFF;
	_ =	strace $0x9FFFFFFF  }
0xc4: {  	(tm) =	ssettm $0x7FFFFFFF  }
0xc5: {  	_ =	shalt  }
tec
execute0_lowered:
.L_overlay_start_1:
0x0: {  	(tag) =	ssettag $0x1  }
0x1: {  	s0 =	rddreg [dreg:$0x0]  }
0x2: {  	s13 =	rddreg [dreg:$0x1]  }
0x3: {  	s15 =	rddreg [dreg:$0x2]  }
0x4: {  	s14 =	rddreg [dreg:$0x3]  }
0x5: {  	s1 =	srdreg.scid;
	s4 =	stileid.u32  }
0x6: {  	s26 =	simm.s32 $0x0;
	v0 =	vimm.s32 $0x3210FEDC;
	v1 =	vimm.s32 $0xBA987654;
	s18 =	simm.s32 $0x1E680;
	s21 =	simm.s32 $0x7  }
0x7: {  	v4 =	vlaneseq.u32;
	v5 =	vimm.s32 $0x76543210;
	v6 =	vimm.s32 $0x10FEDCBA;
	s22 =	simm.s32 $0x3;
	s19 =	simm.s32 $0x4;
	s20 =	simm.s32 $0x6  }
0x8: {  	v8 =	vimm.s32 $0x87654321;
	s1 =	sand.u32 $0x1, s1;
	s2 =	smul.u32 $0xA000, s4;
	[smem:$0x7FF] =	sst s26;
	v2 =	vunpack.c.l.s4.s8 v0;
	v3 =	vunpack.c.l.s4.s8 v1  }
0x9: {  	v9 =	vimm.s32 $0xFEDCBA98;
	vm0 =	vmmov $0xffff;
	vm1 =	vmmov $0x1;
	s6 =	sadd.s32 $0x5B200, s0;
	s7 =	sadd.s32 $0xD000, s0;
	s8 =	sadd.s32 $0x4E5200, s0  }
0xa: {  	vm2 =	vcmask $0x310;
	s9 =	sadd.s32 $0x3200, s0;
	s5 =	sor.u32 $0x2700, s4;
	s12 =	smul.u32 $0x28000, s4;
	v2 =	vunpack.c.0.s8.s32 v2;
	v3 =	vunpack.c.0.s8.s32 v3  }
0xb: {  	vm3 =	vcmask $0x710;
	vm4 =	vcmask $0xB10;
	v1 =	vimm.f32 $0.0e+00;
	s3 =	smul.u32 $0xA0000, s1;
	_ =	strace $0x80000047;
	s23 =	ssub.s32 $0x2, s1  }
0xc: {  	v8 =	vunpack.c.l.s4.s8 v8;
	s1 =	smul.u32 $0x1388, s1;
	s11 =	sshll.u32 s5, $0x2;
	s29 =	sshll.u32 s5, $0x6;
	v7 =	vcombine.low v3, v2;
	v3 =	vimm.s32 $0x98765432  }
0xd: {  	s5 =	simm.s32 $0x1D680;
	s10 =	sshrl.u32 s23, $0x1;
	s25 =	sadd.s32 s9, s11;
	v2 =	vunpack.c.l.s4.s8 v6;
	v6 =	vimm.s32 $0xFEDCBA9;
	v3 =	vunpack.c.l.s4.s8 v3  }
0xe: {  	v9 =	vunpack.c.l.s4.s8 v9;
	v5 =	vunpack.c.l.s4.s8 v5;
	s28 =	sadd.s32 s13, s11;
	s30 =	sshrl.u32 s12, $0x2;
	s12 =	simm.s32 $0x2;
	v6 =	vunpack.c.l.s4.s8 v6  }
0xf: {  	v8 =	vunpack.c.0.s8.s32 v8;
	s2 =	sadd.s32 s2, s3;
	s24 =	ssub.s32 s23, s10;
	[dreg:$0x6] =	wrdreg s25;
	v2 =	vunpack.c.0.s8.s32 v2;
	v3 =	vunpack.c.0.s8.s32 v3  }
0x10: {  	v9 =	vunpack.c.0.s8.s32 v9;
	v0 =	vmov s1;
	[dreg:$0x7] =	wrdreg s28;
	s1 =	sadd.s32 s8, s29;
	s14 =	sadd.s32 s30, s14;
	v6 =	vunpack.c.0.s8.s32 v6  }
0x11: {  	v5 =	vunpack.c.0.s8.s32 v5;
	s15 =	sadd.s32 s30, s15;
	s25 =	simm.s32 $0x1;
	s23 =	simm.s32 $0x5;
	v10 =	vcombine.low v3, v2;
	v2 =	vand.u32 $0x7, v4  }
0x12: {  	s2 =	sshrl.u32 s2, $0x3;
	[dreg:$0x8] =	wrdreg s1;
	s31 =	smax.u32 s24, $0x1;
	v8 =	vcombine.low v8, v6;
	v3 =	vshrl.u32 v4, $0x3;
	v6 =	vand.u32 $0xF, v9  }
0x13: {  	s24 =	simm.s32 $0x20;
	s0 =	sadd.s32 s2, s0;
	[dreg:$0x9] =	wrdreg s31;
	v4 =	vor.u32 $0x8, v4;
	v3 =	vmul.u32 $0x8, v3;
	v5 =	vcombine.low v6, v5  }
0x14: {  	s2 =	simm.s32 $0x14200;
	s16 =	sadd.s32 $0xD1400, s0;
	s17 =	sadd.s32 $0xA9400, s0;
	v6 =	vand.u32 $0xF, v7;
	v7 =	vand.u32 $0xF, v10;
	v8 =	vand.u32 $0xF, v8  }
.LBB2_1:
0x15: {  	[dreg:$0x5] =	wrdreg s26;
	s0 =	simm.s32 $0x0;
	s1 =	simm.s32 $0x200  }
.LBB2_2:
0x16: {  	p0 =	sne.s32 s1, $0x1E00;
	[tilespmem:s0+$0x1E6F0] =	vst v1  }
0x17: {  	[tilespmem:s0+$0x1E680] =	vst v1  }
0x18: {  	[tilespmem:s0+$0x1E690] =	vst v1  }
.Ltmp0:
0x19: {  	[tilespmem:s0+$0x1E6A0] =	vst v1;
	(pc) =	sbr.rel @p0 .LBB2_2-.Ltmp0, $4  }
0x1a: {  	[tilespmem:s0+$0x1E6B0] =	vst v1  }
0x1b: {  	[tilespmem:s0+$0x1E6C0] =	vst v1  }
0x1c: {  	[tilespmem:s0+$0x1E6D0] =	vst v1  }
0x1d: {  	[tilespmem:s0+$0x1E6E0] =	vst v1;
	s0 =	sshra.s32 s1, $0x2;
	s1 =	sadd.s32 $0x200, s1  }
0x1e: {  	[tilespmem:s0+$0x1E6F0] =	vst v1  }
0x1f: {  	[tilespmem:s0+$0x1E680] =	vst v1  }
0x20: {  	[tilespmem:s0+$0x1E690] =	vst v1  }
0x21: {  	[tilespmem:s0+$0x1E6A0] =	vst v1  }
0x22: {  	[tilespmem:s0+$0x1E6B0] =	vst v1  }
0x23: {  	[tilespmem:s0+$0x1E6C0] =	vst v1  }
0x24: {  	[tilespmem:s0+$0x1E6D0] =	vst v1  }
0x25: {  	[tilespmem:s0+$0x1E6E0] =	vst v1;
	s30 =	sadd.s32 $0x0, s15  }
0x26: {  	[spmem:s30] =	stream.linear.scatter [tilespmem:s18], [sflag:$0x7], $0x800, $0x38;
	[tilespmem:$0x1EE80] =	vst v63  }
0x27: {  	_ =	swait.ge [sflag:s21], $0x800  }
0x28: {  	[sflag:s21] =	ssyncset.done $0x0  }
0x29: {  	s31 =	sadd.s32 $0x0, s14;
	[sflag:s21] =	ssyncadd.s32 $0xFFFFF800  }
0x2a: {  	[spmem:s31] =	stream.linear.scatter [tilespmem:s18], [sflag:$0x7], $0x800, $0x38;
	[tilespmem:$0x1EE80] =	vst v63  }
0x2b: {  	s0 =	simm.s32 $0x0;
	_ =	swait.ge [sflag:s21], $0x800  }
0x2c: {  	s3 =	simm.s32 $0x4000;
	s1 =	simm.s32 $0x800;
	[sflag:s21] =	ssyncset.done $0x0  }
.LBB2_4:
0x2d: {  	s10 =	sadd.s32 s1, s15  }
0x2e: {  	[sflag:s21] =	ssyncadd.s32 $0xFFFFF800;
	s11 =	smov.u32 s3;
	s26 =	sadd.s32 $0x2000, s3  }
0x2f: {  	[spmem:s10] =	stream.linear.scatter [tilespmem:s18], [sflag:$0x7], $0x800, $0x38;
	[tilespmem:$0x1EE80] =	vst v63  }
0x30: {  	p0 =	sne.s32 s3, $0x26000;
	_ =	swait.ge [sflag:s21], $0x800  }
.Ltmp1:
0x31: {  	[sflag:s21] =	ssyncset.done $0x0;
	(pc) =	sbr.rel @p0 .LBB2_4-.Ltmp1, $4  }
0x32: {  	s1 =	sadd.s32 s1, s14;
	[sflag:s21] =	ssyncadd.s32 $0xFFFFF800  }
0x33: {  	[spmem:s1] =	stream.linear.scatter [tilespmem:s18], [sflag:$0x7], $0x800, $0x38;
	[tilespmem:$0x1EE80] =	vst v63  }
0x34: {  	_ =	swait.ge [sflag:s21], $0x800  }
0x35: {  	s3 =	smov.u32 s26;
	s1 =	sshra.s32 s11, $0x2;
	[sflag:s21] =	ssyncset.done $0x0  }
0x36: {  	s3 =	sadd.s32 s1, s15;
	[sflag:s21] =	ssyncadd.s32 $0xFFFFF800  }
0x37: {  	[spmem:s3] =	stream.linear.scatter [tilespmem:s18], [sflag:$0x7], $0x800, $0x38;
	[tilespmem:$0x1EE80] =	vst v63  }
0x38: {  	_ =	swait.ge [sflag:s21], $0x800  }
0x39: {  	[sflag:s21] =	ssyncset.done $0x0  }
0x3a: {  	s31 =	sadd.s32 s1, s14;
	[sflag:s21] =	ssyncadd.s32 $0xFFFFF800  }
0x3b: {  	[spmem:s31] =	stream.linear.scatter [tilespmem:s18], [sflag:$0x7], $0x800, $0x38;
	[tilespmem:$0x1EE80] =	vst v63  }
0x3c: {  	_ =	swait.ge [sflag:s21], $0x800  }
0x3d: {  	[sflag:s21] =	ssyncset.done $0x0  }
0x3e: {  	s1 =	simm.s32 $0x200;
	[sflag:s21] =	ssyncadd.s32 $0xFFFFF800  }
.LBB2_6:
0x3f: {  	p0 =	sne.s32 s1, $0x3E00;
	[tilespmem:s0+$0x1D6F0] =	vst v1;
	s3 =	smov.u32 s1;
	s1 =	sadd.s32 $0x200, s1  }
.Ltmp2:
0x40: {  	[tilespmem:s0+$0x1D6D0] =	vst v1;
	(pc) =	sbr.rel @p0 .LBB2_6-.Ltmp2, $2  }
0x41: {  	[tilespmem:s0+$0x1D6E0] =	vst v1;
	_ =	sdelay $0x2  }
0x42: {  	s0 =	sshra.s32 s3, $0x2  }
0x43: {  	[tilespmem:s0+$0x1D6F0] =	vst v1  }
0x44: {  	[tilespmem:s0+$0x1D6D0] =	vst v1  }
0x45: {  	[tilespmem:s0+$0x1D6E0] =	vst v1  }
0x46: {  	s26 =	simm.s32 $0x0;
	s28 =	simm.s32 $0x0;
	[bflag:$0x0] =	sbarrier.arrive $0xFFFF  }
.LBB2_8:
0x47: {  	s0 =	sshll.u32 s28, $0x5;
	s1 =	stileid.u32  }
0x48: {  	s0 =	sor.u32 s1, s0  }
0x49: {  	s1 =	sshll.u32 s0, $0x2  }
0x4a: {  	s4 =	simm.s32 $0x14000;
	s10 =	sshll.u32 s0, $0x6;
	s3 =	sadd.s32 s9, s1  }
0x4b: {  	[tilespmem:s4], [sflag:$0x1] =	stream.linear.gather [hbm4b:s3+s26], $0x20, $0x38;
	[tilespmem:$0x1EE80] =	vst v63  }
0x4c: {  	s0 =	sor.u32 $0x10, s0;
	s1 =	sadd.s32 s13, s1;
	s4 =	simm.s32 $0x14100  }
0x4d: {  	[tilespmem:s4], [sflag:$0x1] =	stream.linear.gather [hbm4b:s1+s26], $0x20, $0x38;
	[tilespmem:$0x1EE80] =	vst v63  }
0x4e: {  	s29 =	simm.s32 $0x14280;
	s11 =	sshll.u32 s0, $0x2;
	s1 =	sadd.s32 s8, s10  }
0x4f: {  	[tilespmem:s29], [sflag:$0x1] =	stream.linear.gather [hbm4b:s1+s26], $0x200, $0x38;
	[tilespmem:$0x1EE80] =	vst v63  }
0x50: {  	s4 =	sadd.s32 s9, s11;
	s10 =	simm.s32 $0x14080  }
0x51: {  	[tilespmem:s10], [sflag:$0x2] =	stream.linear.gather [hbm4b:s4+s26], $0x20, $0x38;
	[tilespmem:$0x1EE80] =	vst v63  }
0x52: {  	s0 =	sshll.u32 s0, $0x6;
	s1 =	sadd.s32 s13, s11;
	s11 =	simm.s32 $0x14180  }
0x53: {  	[tilespmem:s11], [sflag:$0x2] =	stream.linear.gather [hbm4b:s1+s26], $0x20, $0x38;
	[tilespmem:$0x1EE80] =	vst v63  }
0x54: {  	s0 =	sadd.s32 s8, s0;
	s3 =	simm.s32 $0x14480  }
0x55: {  	[tilespmem:s3], [sflag:$0x2] =	stream.linear.gather [hbm4b:s0+s26], $0x200, $0x38;
	[tilespmem:$0x1EE80] =	vst v63  }
0x56: {  	_ =	swait.ge [sflag:s25], $0x20  }
0x57: {  	[sflag:s25] =	ssyncset.done $0x0  }
0x58: {  	[sflag:s25] =	ssyncadd.s32 $0xFFFFFFE0  }
0x59: {  	_ =	swait.ge [sflag:s25], $0x20  }
0x5a: {  	[sflag:s25] =	ssyncset.done $0x0  }
0x5b: {  	[sflag:s25] =	ssyncadd.s32 $0xFFFFFFE0  }
0x5c: {  	_ =	swait.ge [sflag:s25], $0x200  }
0x5d: {  	[sflag:s25] =	ssyncset.done $0x0  }
0x5e: {  	[sflag:s25] =	ssyncadd.s32 $0xFFFFFE00  }
0x5f: {  	v9 =	vld [tilespmem:$0x14000];
	_ =	sdelay $0x4  }
0x60: {  	v10 =	vshll.u32 v9, $0x1  }
0x61: {  	v9 =	vand.u32 $0x7, v9;
	v10 =	vand.u32 $0xFFFFFFF0, v10  }
0x62: {  	v9 =	vor.u32 v9, v10  }
0x63: {  	v10 =	vperm.xlane v9, v2;
	_ =	sdelay $0x1  }
0x64: {  	v9 =	vperm.xlane v9, v4;
	v10 =	vadd.s32 v3, v10;
	_ =	sdelay $0x1  }
0x65: {  	v9 =	vadd.s32 v3, v9;
	_ =	sdelay $0x1  }
0x66: {  	s4 =	simm.s32 $0x14680  }
0x67: {  	[tilespmem:s4], [sflag:$0x3] =	stream.indirect_vreg.gather [hbm4b:s7+s26], $0x80, v10, vm0, $0xb8;
	[tilespmem:$0x1EE80] =	vst v63  }
0x68: {  	s10 =	simm.s32 $0x14E80  }
0x69: {  	[tilespmem:s10], [sflag:$0x3] =	stream.indirect_vreg.gather [hbm4b:s7+s26], $0x80, v9, vm0, $0xb8;
	[tilespmem:$0x1EE80] =	vst v63  }
0x6a: {  	v9 =	vld [tilespmem:$0x14010];
	_ =	sdelay $0x4  }
0x6b: {  	v10 =	vshll.u32 v9, $0x1  }
0x6c: {  	v9 =	vand.u32 $0x7, v9;
	v10 =	vand.u32 $0xFFFFFFF0, v10  }
0x6d: {  	v9 =	vor.u32 v9, v10  }
0x6e: {  	v10 =	vperm.xlane v9, v2;
	_ =	sdelay $0x1  }
0x6f: {  	v9 =	vperm.xlane v9, v4;
	v10 =	vadd.s32 v3, v10;
	_ =	sdelay $0x1  }
0x70: {  	v9 =	vadd.s32 v3, v9;
	_ =	sdelay $0x1  }
0x71: {  	s11 =	simm.s32 $0x15680  }
0x72: {  	[tilespmem:s11], [sflag:$0x3] =	stream.indirect_vreg.gather [hbm4b:s7+s26], $0x80, v10, vm0, $0xb8;
	[tilespmem:$0x1EE80] =	vst v63  }
0x73: {  	s1 =	simm.s32 $0x15E80  }
0x74: {  	[tilespmem:s1], [sflag:$0x3] =	stream.indirect_vreg.gather [hbm4b:s7+s26], $0x80, v9, vm0, $0xb8;
	[tilespmem:$0x1EE80] =	vst v63  }
0x75: {  	v9 =	vld [tilespmem:$0x14100];
	_ =	sdelay $0x4  }
0x76: {  	v10 =	vshll.u32 v9, $0x1  }
0x77: {  	v9 =	vand.u32 $0x7, v9;
	v10 =	vand.u32 $0xFFFFFFF0, v10  }
0x78: {  	v9 =	vor.u32 v9, v10  }
0x79: {  	v10 =	vperm.xlane v9, v2;
	_ =	sdelay $0x1  }
0x7a: {  	v9 =	vperm.xlane v9, v4;
	v10 =	vadd.s32 v3, v10;
	_ =	sdelay $0x1  }
0x7b: {  	v9 =	vadd.s32 v3, v9;
	_ =	sdelay $0x1  }
0x7c: {  	s3 =	simm.s32 $0x18680  }
0x7d: {  	[tilespmem:s3], [sflag:$0x5] =	stream.indirect_vreg.gather [hbm4b:s6+s26], $0x80, v10, vm0, $0xb8;
	[tilespmem:$0x1EE80] =	vst v63  }
0x7e: {  	s4 =	simm.s32 $0x18E80  }
0x7f: {  	[tilespmem:s4], [sflag:$0x5] =	stream.indirect_vreg.gather [hbm4b:s6+s26], $0x80, v9, vm0, $0xb8;
	[tilespmem:$0x1EE80] =	vst v63  }
0x80: {  	v9 =	vld [tilespmem:$0x14110];
	_ =	sdelay $0x4  }
0x81: {  	v10 =	vshll.u32 v9, $0x1  }
0x82: {  	v9 =	vand.u32 $0x7, v9;
	v10 =	vand.u32 $0xFFFFFFF0, v10  }
0x83: {  	v9 =	vor.u32 v9, v10  }
0x84: {  	v10 =	vperm.xlane v9, v2;
	_ =	sdelay $0x1  }
0x85: {  	v9 =	vperm.xlane v9, v4;
	v10 =	vadd.s32 v3, v10;
	_ =	sdelay $0x1  }
0x86: {  	v9 =	vadd.s32 v3, v9;
	_ =	sdelay $0x1  }
0x87: {  	s10 =	simm.s32 $0x19680  }
0x88: {  	[tilespmem:s10], [sflag:$0x5] =	stream.indirect_vreg.gather [hbm4b:s6+s26], $0x80, v10, vm0, $0xb8;
	[tilespmem:$0x1EE80] =	vst v63  }
0x89: {  	s11 =	simm.s32 $0x19E80  }
0x8a: {  	[tilespmem:s11], [sflag:$0x5] =	stream.indirect_vreg.gather [hbm4b:s6+s26], $0x80, v9, vm0, $0xb8;
	[tilespmem:$0x1EE80] =	vst v63  }
0x8b: {  	_ =	swait.ge [sflag:s12], $0x20  }
0x8c: {  	[sflag:s12] =	ssyncset.done $0x0  }
0x8d: {  	[sflag:s12] =	ssyncadd.s32 $0xFFFFFFE0  }
0x8e: {  	_ =	swait.ge [sflag:s12], $0x20  }
0x8f: {  	[sflag:s12] =	ssyncset.done $0x0  }
0x90: {  	[sflag:s12] =	ssyncadd.s32 $0xFFFFFFE0  }
0x91: {  	_ =	swait.ge [sflag:s12], $0x200  }
0x92: {  	[sflag:s12] =	ssyncset.done $0x0  }
0x93: {  	[sflag:s12] =	ssyncadd.s32 $0xFFFFFE00  }
0x94: {  	v9 =	vld [tilespmem:$0x14080];
	_ =	sdelay $0x4  }
0x95: {  	v10 =	vshll.u32 v9, $0x1  }
0x96: {  	v9 =	vand.u32 $0x7, v9;
	v10 =	vand.u32 $0xFFFFFFF0, v10  }
0x97: {  	v9 =	vor.u32 v9, v10  }
0x98: {  	v10 =	vperm.xlane v9, v2;
	_ =	sdelay $0x1  }
0x99: {  	v9 =	vperm.xlane v9, v4;
	v10 =	vadd.s32 v3, v10;
	_ =	sdelay $0x1  }
0x9a: {  	v9 =	vadd.s32 v3, v9;
	_ =	sdelay $0x1  }
0x9b: {  	s1 =	simm.s32 $0x16680  }
0x9c: {  	[tilespmem:s1], [sflag:$0x4] =	stream.indirect_vreg.gather [hbm4b:s7+s26], $0x80, v10, vm0, $0xb8;
	[tilespmem:$0x1EE80] =	vst v63  }
0x9d: {  	s3 =	simm.s32 $0x16E80  }
0x9e: {  	[tilespmem:s3], [sflag:$0x4] =	stream.indirect_vreg.gather [hbm4b:s7+s26], $0x80, v9, vm0, $0xb8;
	[tilespmem:$0x1EE80] =	vst v63  }
0x9f: {  	v9 =	vld [tilespmem:$0x14090];
	_ =	sdelay $0x4  }
0xa0: {  	v10 =	vshll.u32 v9, $0x1  }
0xa1: {  	v9 =	vand.u32 $0x7, v9;
	v10 =	vand.u32 $0xFFFFFFF0, v10  }
0xa2: {  	v9 =	vor.u32 v9, v10  }
0xa3: {  	v10 =	vperm.xlane v9, v2;
	_ =	sdelay $0x1  }
0xa4: {  	v9 =	vperm.xlane v9, v4;
	v10 =	vadd.s32 v3, v10;
	_ =	sdelay $0x1  }
0xa5: {  	v9 =	vadd.s32 v3, v9;
	_ =	sdelay $0x1  }
0xa6: {  	s4 =	simm.s32 $0x17680  }
0xa7: {  	[tilespmem:s4], [sflag:$0x4] =	stream.indirect_vreg.gather [hbm4b:s7+s26], $0x80, v10, vm0, $0xb8;
	[tilespmem:$0x1EE80] =	vst v63  }
0xa8: {  	s10 =	simm.s32 $0x17E80  }
0xa9: {  	[tilespmem:s10], [sflag:$0x4] =	stream.indirect_vreg.gather [hbm4b:s7+s26], $0x80, v9, vm0, $0xb8;
	[tilespmem:$0x1EE80] =	vst v63  }
0xaa: {  	v9 =	vld [tilespmem:$0x14180];
	_ =	sdelay $0x4  }
0xab: {  	v10 =	vshll.u32 v9, $0x1  }
0xac: {  	v9 =	vand.u32 $0x7, v9;
	v10 =	vand.u32 $0xFFFFFFF0, v10  }
0xad: {  	v9 =	vor.u32 v9, v10  }
0xae: {  	v10 =	vperm.xlane v9, v2;
	_ =	sdelay $0x1  }
0xaf: {  	v9 =	vperm.xlane v9, v4;
	v10 =	vadd.s32 v3, v10;
	_ =	sdelay $0x1  }
0xb0: {  	v9 =	vadd.s32 v3, v9;
	_ =	sdelay $0x1  }
0xb1: {  	s11 =	simm.s32 $0x1A680  }
0xb2: {  	[tilespmem:s11], [sflag:$0x6] =	stream.indirect_vreg.gather [hbm4b:s6+s26], $0x80, v10, vm0, $0xb8;
	[tilespmem:$0x1EE80] =	vst v63  }
0xb3: {  	s1 =	simm.s32 $0x1AE80  }
0xb4: {  	[tilespmem:s1], [sflag:$0x6] =	stream.indirect_vreg.gather [hbm4b:s6+s26], $0x80, v9, vm0, $0xb8;
	[tilespmem:$0x1EE80] =	vst v63  }
0xb5: {  	v9 =	vld [tilespmem:$0x14190];
	_ =	sdelay $0x4  }
0xb6: {  	v10 =	vshll.u32 v9, $0x1  }
0xb7: {  	v9 =	vand.u32 $0x7, v9;
	v10 =	vand.u32 $0xFFFFFFF0, v10  }
0xb8: {  	v9 =	vor.u32 v9, v10  }
0xb9: {  	v10 =	vperm.xlane v9, v2;
	_ =	sdelay $0x1  }
0xba: {  	v9 =	vperm.xlane v9, v4;
	v10 =	vadd.s32 v3, v10;
	_ =	sdelay $0x1  }
0xbb: {  	v9 =	vadd.s32 v3, v9;
	_ =	sdelay $0x1  }
0xbc: {  	s3 =	simm.s32 $0x1B680  }
0xbd: {  	[tilespmem:s3], [sflag:$0x6] =	stream.indirect_vreg.gather [hbm4b:s6+s26], $0x80, v10, vm0, $0xb8;
	[tilespmem:$0x1EE80] =	vst v63  }
0xbe: {  	s4 =	simm.s32 $0x1BE80  }
0xbf: {  	[tilespmem:s4], [sflag:$0x6] =	stream.indirect_vreg.gather [hbm4b:s6+s26], $0x80, v9, vm0, $0xb8;
	[tilespmem:$0x1EE80] =	vst v63  }
0xc0: {  	_ =	swait.ge [sflag:s22], $0x2000  }
0xc1: {  	[sflag:s22] =	ssyncset.done $0x0  }
0xc2: {  	[sflag:s22] =	ssyncadd.s32 $0xFFFFE000  }
0xc3: {  	_ =	swait.ge [sflag:s23], $0x2000  }
0xc4: {  	[sflag:s23] =	ssyncset.done $0x0  }
0xc5: {  	[sflag:s23] =	ssyncadd.s32 $0xFFFFE000  }
0xc6: {  	v9 =	vld [tilespmem:$0x14100]  }
0xc7: {  	v10 =	vld [tilespmem:$0x14110];
	_ =	sdelay $0x3  }
0xc8: {  	v9 =	vsub.s32 v9, v0  }
0xc9: {  	v10 =	vsub.s32 v10, v0;
	v9 =	vmin.u32 v9, $0x1388  }
0xca: {  	s10 =	sand.u32 $0x1800, s26;
	s11 =	sand.u32 $0x380, s26;
	[tilespmem:$0x14200] =	vst v9;
	v9 =	vmin.u32 v10, $0x1388  }
0xcb: {  	s30 =	sor.u32 s11, s10;
	[tilespmem:$0x14210] =	vst v9  }
0xcc: {  	v10 =	vld [tilespmem:s30+$0x14690]  }
0xcd: {  	v11 =	vld [tilespmem:s30+$0x14680]  }
0xce: {  	v12 =	vld [tilespmem:s30+$0x18690]  }
0xcf: {  	v13 =	vld [tilespmem:s30+$0x18680]  }
0xd0: {  	v9 =	vld [tilespmem:s29+$0x0]  }
0xd1: {  	v14 =	vld [tilespmem:s30+$0x18A80];
	_ =	sdelay $0x2  }
0xd2: {  	v10 =	vmul.f32 v10, v12;
	v11 =	vmul.f32 v11, v13;
	_ =	sdelay $0x1  }
0xd3: {  	v10 =	vadd.f32 v10, v11;
	v11 =	vmul.f32 v14, v9;
	_ =	sdelay $0x1  }
0xd4: {  	v10 =	vadd.f32 v11, v10;
	_ =	sdelay $0x1  }
0xd5: {  	v11 =	vperm.xlane v10, v5;
	_ =	sdelay $0x1  }
0xd6: {  	v10 =	vadd.f32 v10, v11;
	_ =	sdelay $0x1  }
0xd7: {  	v11 =	vperm.xlane v10, v6;
	_ =	sdelay $0x1  }
0xd8: {  	v10 =	vadd.f32 v10, v11;
	_ =	sdelay $0x1  }
0xd9: {  	v11 =	vperm.xlane v10, v7;
	_ =	sdelay $0x1  }
0xda: {  	v10 =	vadd.f32 v10, v11;
	_ =	sdelay $0x1  }
0xdb: {  	v11 =	vperm.xlane v10, v8;
	_ =	sdelay $0x1  }
0xdc: {  	v10 =	vadd.f32 v10, v11;
	_ =	sdelay $0x1  }
0xdd: {  	v10 =	vmul.f32 $1.767766920e-01, v10;
	_ =	sdelay $0x1  }
0xde: {  	v10 =	vmax.f32 v10, $-5.000000000e+01  }
0xdf: {  	v10 =	vmin.f32 v10, $5.000000000e+01  }
0xe0: {  	v10 =	vmul.f32 $1.442695020e+00, v10;
	_ =	sdelay $0x1  }
0xe1: {  	(erf) = vpow2.f32 v10;
	_ =	sdelay $0x4  }
0xe2: {  	v11 =	vld [tilespmem:s30+$0x14A80];
	_ =	sdelay $0x3  }
0xe3: {  	v10 =	vpop (erf)  }
0xe4: {  	v11 =	vmul.f32 v10, v11  }
0xe5: {  	s31 =	simm.s32 $0x1C6C0  }
0xe6: {  	[tilespmem:s31+$0xFFFFFFC0] =	vst v11  }
0xe7: {  	v11 =	vld [tilespmem:s30+$0x14A90];
	_ =	sdelay $0x4  }
0xe8: {  	v11 =	vmul.f32 v10, v11  }
0xe9: {  	v12 =	vmul.f32 v10, v9  }
0xea: {  	s0 =	simm.s32 $0x1D6A0;
	[tilespmem:s31+$0xFFFFFFD0] =	vst v11  }
0xeb: {  	[tilespmem:s0+$0xFFFFFFE0] =	vst v12  }
0xec: {  	v11 =	vld [tilespmem:s30+$0x186A0]  }
0xed: {  	v12 =	vld [tilespmem:s30+$0x146A0]  }
0xee: {  	v13 =	vld [tilespmem:s30+$0x146B0]  }
0xef: {  	v14 =	vld [tilespmem:s30+$0x186B0];
	_ =	sdelay $0x1  }
0xf0: {  	v15 =	vld [tilespmem:s30+$0x18A90];
	_ =	sdelay $0x2  }
0xf1: {  	v11 =	vmul.f32 v12, v11;
	v12 =	vmul.f32 v13, v14;
	_ =	sdelay $0x1  }
0xf2: {  	v13 =	vmul.f32 v15, v9;
	v11 =	vadd.f32 v12, v11;
	_ =	sdelay $0x1  }
0xf3: {  	v11 =	vadd.f32 v13, v11;
	_ =	sdelay $0x1  }
0xf4: {  	v12 =	vperm.xlane v11, v5;
	_ =	sdelay $0x1  }
0xf5: {  	v11 =	vadd.f32 v11, v12;
	_ =	sdelay $0x1  }
0xf6: {  	v12 =	vperm.xlane v11, v6;
	_ =	sdelay $0x1  }
0xf7: {  	v11 =	vadd.f32 v11, v12;
	_ =	sdelay $0x1  }
0xf8: {  	v12 =	vperm.xlane v11, v7;
	_ =	sdelay $0x1  }
0xf9: {  	v11 =	vadd.f32 v11, v12;
	_ =	sdelay $0x1  }
0xfa: {  	v12 =	vperm.xlane v11, v8;
	_ =	sdelay $0x1  }
0xfb: {  	v11 =	vadd.f32 v11, v12;
	_ =	sdelay $0x1  }
0xfc: {  	v11 =	vmul.f32 $1.767766920e-01, v11;
	_ =	sdelay $0x1  }
0xfd: {  	v11 =	vmax.f32 v11, $-5.000000000e+01  }
0xfe: {  	v11 =	vmin.f32 v11, $5.000000000e+01  }
0xff: {  	v11 =	vmul.f32 $1.442695020e+00, v11;
	_ =	sdelay $0x1  }
0x100: {  	(erf) = vpow2.f32 v11;
	_ =	sdelay $0x4  }
0x101: {  	v12 =	vld [tilespmem:s30+$0x14AA0];
	_ =	sdelay $0x3  }
0x102: {  	v11 =	vpop (erf)  }
0x103: {  	v12 =	vmul.f32 v11, v12;
	_ =	sdelay $0x1  }
0x104: {  	[tilespmem:s31+$0xFFFFFFE0] =	vst v12  }
0x105: {  	v12 =	vld [tilespmem:s30+$0x14AB0];
	_ =	sdelay $0x4  }
0x106: {  	v12 =	vmul.f32 v11, v12  }
0x107: {  	v13 =	vmul.f32 v11, v9  }
0x108: {  	[tilespmem:s31+$0xFFFFFFF0] =	vst v12  }
0x109: {  	[tilespmem:s0+$0xFFFFFFF0] =	vst v13  }
0x10a: {  	v12 =	vld [tilespmem:s30+$0x146C0]  }
0x10b: {  	v13 =	vld [tilespmem:s30+$0x186C0]  }
0x10c: {  	v14 =	vld [tilespmem:s30+$0x146D0]  }
0x10d: {  	v15 =	vld [tilespmem:s30+$0x186D0];
	_ =	sdelay $0x1  }
0x10e: {  	v16 =	vld [tilespmem:s30+$0x18AA0];
	_ =	sdelay $0x2  }
0x10f: {  	v12 =	vmul.f32 v12, v13;
	v13 =	vmul.f32 v14, v15;
	_ =	sdelay $0x1  }
0x110: {  	v12 =	vadd.f32 v13, v12;
	v13 =	vmul.f32 v16, v9;
	_ =	sdelay $0x1  }
0x111: {  	v12 =	vadd.f32 v13, v12;
	_ =	sdelay $0x1  }
0x112: {  	v13 =	vperm.xlane v12, v5;
	_ =	sdelay $0x1  }
0x113: {  	v12 =	vadd.f32 v12, v13;
	_ =	sdelay $0x1  }
0x114: {  	v13 =	vperm.xlane v12, v6;
	_ =	sdelay $0x1  }
0x115: {  	v12 =	vadd.f32 v12, v13;
	_ =	sdelay $0x1  }
0x116: {  	v13 =	vperm.xlane v12, v7;
	_ =	sdelay $0x1  }
0x117: {  	v12 =	vadd.f32 v12, v13;
	_ =	sdelay $0x1  }
0x118: {  	v13 =	vperm.xlane v12, v8;
	_ =	sdelay $0x1  }
0x119: {  	v12 =	vadd.f32 v12, v13;
	_ =	sdelay $0x1  }
0x11a: {  	v12 =	vmul.f32 $1.767766920e-01, v12;
	_ =	sdelay $0x1  }
0x11b: {  	v12 =	vmax.f32 v12, $-5.000000000e+01  }
0x11c: {  	v12 =	vmin.f32 v12, $5.000000000e+01  }
0x11d: {  	v12 =	vmul.f32 $1.442695020e+00, v12;
	_ =	sdelay $0x1  }
0x11e: {  	(erf) = vpow2.f32 v12;
	_ =	sdelay $0x4  }
0x11f: {  	v13 =	vld [tilespmem:s30+$0x14AC0];
	_ =	sdelay $0x3  }
0x120: {  	v12 =	vpop (erf)  }
0x121: {  	v13 =	vmul.f32 v12, v13;
	_ =	sdelay $0x1  }
0x122: {  	[tilespmem:s31+$0x0] =	vst v13  }
0x123: {  	v13 =	vld [tilespmem:s30+$0x14AD0];
	_ =	sdelay $0x4  }
0x124: {  	v13 =	vmul.f32 v12, v13  }
0x125: {  	v14 =	vmul.f32 v12, v9  }
0x126: {  	[tilespmem:s31+$0x10] =	vst v13  }
0x127: {  	[tilespmem:s0+$0x0] =	vst v14  }
0x128: {  	v13 =	vld [tilespmem:s30+$0x186E0]  }
0x129: {  	v14 =	vld [tilespmem:s30+$0x146E0]  }
0x12a: {  	v15 =	vld [tilespmem:s30+$0x146F0]  }
0x12b: {  	v63 =	vld [tilespmem:s30+$0x186F0];
	_ =	sdelay $0x1  }
0x12c: {  	v17 =	vld [tilespmem:s30+$0x18AB0];
	_ =	sdelay $0x2  }
0x12d: {  	v13 =	vmul.f32 v14, v13;
	v14 =	vmul.f32 v15, v63;
	_ =	sdelay $0x1  }
0x12e: {  	v15 =	vmul.f32 v17, v9;
	v13 =	vadd.f32 v14, v13;
	_ =	sdelay $0x1  }
0x12f: {  	v13 =	vadd.f32 v15, v13;
	_ =	sdelay $0x1  }
0x130: {  	v14 =	vperm.xlane v13, v5;
	_ =	sdelay $0x1  }
0x131: {  	v13 =	vadd.f32 v13, v14;
	_ =	sdelay $0x1  }
0x132: {  	v14 =	vperm.xlane v13, v6;
	_ =	sdelay $0x1  }
0x133: {  	v13 =	vadd.f32 v13, v14;
	_ =	sdelay $0x1  }
0x134: {  	v14 =	vperm.xlane v13, v7;
	_ =	sdelay $0x1  }
0x135: {  	v13 =	vadd.f32 v13, v14;
	_ =	sdelay $0x1  }
0x136: {  	v14 =	vperm.xlane v13, v8;
	_ =	sdelay $0x1  }
0x137: {  	v13 =	vadd.f32 v13, v14;
	_ =	sdelay $0x1  }
0x138: {  	v13 =	vmul.f32 $1.767766920e-01, v13;
	_ =	sdelay $0x1  }
0x139: {  	v13 =	vmax.f32 v13, $-5.000000000e+01  }
0x13a: {  	v13 =	vmin.f32 v13, $5.000000000e+01  }
0x13b: {  	v14 =	vmul.f32 $1.442695020e+00, v13;
	_ =	sdelay $0x1  }
0x13c: {  	(erf) = vpow2.f32 v14;
	_ =	sdelay $0x4  }
0x13d: {  	v13 =	vld [tilespmem:s30+$0x14AE0];
	_ =	sdelay $0x1  }
0x13e: {  	s11 =	simm.s32 $0x100  }
0x13f: {  	s10 =	simm.s32 $0x1D6A0;
	s1 =	simm.s32 $0x1C740;
	s3 =	simm.s32 $0x0  }
.LBB2_9:
0x140: {  	s29 =	sadd.s32 $0x10, s29;
	s3 =	sadd.s32 $0x80, s3;
	s0 =	sadd.s32 $0x80, s0;
	v14 =	vpop (erf)  }
0x141: {  	p0 =	sne.s32 s11, $0x1F00;
	s4 =	smov.u32 s11;
	s11 =	sadd.s32 $0x100, s11;
	v13 =	vmul.f32 v14, v13;
	v9 =	vmul.f32 v14, v9  }
0x142: {  	_ = 	snop  }
0x143: {  	[tilespmem:s31+$0x20] =	vst v13  }
0x144: {  	v13 =	vld [tilespmem:s30+$0x14AF0];
	_ =	sdelay $0x3  }
0x145: {  	v10 =	vnsel vm1, $0x0, v10  }
0x146: {  	v10 =	vsel vm2, v10, v11;
	v11 =	vmul.f32 v14, v13  }
0x147: {  	v10 =	vsel vm3, v10, v12  }
0x148: {  	v10 =	vsel vm4, v10, v14;
	[tilespmem:s31+$0x30] =	vst v11;
	s31 =	smov.u32 s1  }
0x149: {  	s4 =	sand.u32 $0x1800, s4;
	s30 =	sand.u32 $0x380, s3;
	[tilespmem:s10+$0x10] =	vst v9  }
0x14a: {  	s30 =	sor.u32 s30, s4;
	[tilespmem:s10+$0x20] =	vst v10;
	s10 =	smov.u32 s0  }
0x14b: {  	v10 =	vld [tilespmem:s30+$0x14690]  }
0x14c: {  	v11 =	vld [tilespmem:s30+$0x14680]  }
0x14d: {  	v12 =	vld [tilespmem:s30+$0x18690]  }
0x14e: {  	v13 =	vld [tilespmem:s30+$0x18680]  }
0x14f: {  	v9 =	vld [tilespmem:s29+$0x0]  }
0x150: {  	v14 =	vld [tilespmem:s30+$0x18A80];
	_ =	sdelay $0x1  }
0x151: {  	v10 =	vmul.f32 v10, v12  }
0x152: {  	v11 =	vmul.f32 v11, v13;
	_ =	sdelay $0x1  }
0x153: {  	v10 =	vadd.f32 v10, v11;
	v11 =	vmul.f32 v14, v9;
	_ =	sdelay $0x1  }
0x154: {  	v10 =	vadd.f32 v11, v10;
	_ =	sdelay $0x1  }
0x155: {  	v11 =	vperm.xlane v10, v5;
	_ =	sdelay $0x1  }
0x156: {  	v10 =	vadd.f32 v10, v11;
	_ =	sdelay $0x1  }
0x157: {  	v11 =	vperm.xlane v10, v6;
	_ =	sdelay $0x1  }
0x158: {  	v10 =	vadd.f32 v10, v11;
	_ =	sdelay $0x1  }
0x159: {  	v11 =	vperm.xlane v10, v7;
	_ =	sdelay $0x1  }
0x15a: {  	v10 =	vadd.f32 v10, v11;
	_ =	sdelay $0x1  }
0x15b: {  	v11 =	vperm.xlane v10, v8;
	_ =	sdelay $0x1  }
0x15c: {  	v10 =	vadd.f32 v10, v11;
	_ =	sdelay $0x1  }
0x15d: {  	v10 =	vmul.f32 $1.767766920e-01, v10;
	_ =	sdelay $0x1  }
0x15e: {  	v10 =	vmax.f32 v10, $-5.000000000e+01  }
0x15f: {  	v10 =	vmin.f32 v10, $5.000000000e+01  }
0x160: {  	v10 =	vmul.f32 $1.442695020e+00, v10;
	_ =	sdelay $0x1  }
0x161: {  	(erf) = vpow2.f32 v10;
	_ =	sdelay $0x4  }
0x162: {  	v11 =	vld [tilespmem:s30+$0x14A80];
	_ =	sdelay $0x3  }
0x163: {  	v10 =	vpop (erf)  }
0x164: {  	v11 =	vmul.f32 v10, v11;
	v12 =	vmul.f32 v10, v9;
	_ =	sdelay $0x1  }
0x165: {  	[tilespmem:s1+$0xFFFFFFC0] =	vst v11  }
0x166: {  	v11 =	vld [tilespmem:s30+$0x14A90];
	_ =	sdelay $0x4  }
0x167: {  	v11 =	vmul.f32 v10, v11;
	_ =	sdelay $0x1  }
0x168: {  	[tilespmem:s1+$0xFFFFFFD0] =	vst v11  }
0x169: {  	[tilespmem:s0+$0xFFFFFFE0] =	vst v12  }
0x16a: {  	v11 =	vld [tilespmem:s30+$0x186A0]  }
0x16b: {  	v12 =	vld [tilespmem:s30+$0x146A0]  }
0x16c: {  	v13 =	vld [tilespmem:s30+$0x146B0]  }
0x16d: {  	v14 =	vld [tilespmem:s30+$0x186B0]  }
0x16e: {  	v15 =	vld [tilespmem:s30+$0x18A90];
	_ =	sdelay $0x1  }
0x16f: {  	v11 =	vmul.f32 v12, v11;
	_ =	sdelay $0x1  }
0x170: {  	v12 =	vmul.f32 v13, v14  }
0x171: {  	v13 =	vmul.f32 v15, v9  }
0x172: {  	v11 =	vadd.f32 v12, v11;
	_ =	sdelay $0x1  }
0x173: {  	v11 =	vadd.f32 v13, v11;
	_ =	sdelay $0x1  }
0x174: {  	v12 =	vperm.xlane v11, v5;
	_ =	sdelay $0x1  }
0x175: {  	v11 =	vadd.f32 v11, v12;
	_ =	sdelay $0x1  }
0x176: {  	v12 =	vperm.xlane v11, v6;
	_ =	sdelay $0x1  }
0x177: {  	v11 =	vadd.f32 v11, v12;
	_ =	sdelay $0x1  }
0x178: {  	v12 =	vperm.xlane v11, v7;
	_ =	sdelay $0x1  }
0x179: {  	v11 =	vadd.f32 v11, v12;
	_ =	sdelay $0x1  }
0x17a: {  	v12 =	vperm.xlane v11, v8;
	_ =	sdelay $0x1  }
0x17b: {  	v11 =	vadd.f32 v11, v12;
	_ =	sdelay $0x1  }
0x17c: {  	v11 =	vmul.f32 $1.767766920e-01, v11;
	_ =	sdelay $0x1  }
0x17d: {  	v11 =	vmax.f32 v11, $-5.000000000e+01  }
0x17e: {  	v11 =	vmin.f32 v11, $5.000000000e+01  }
0x17f: {  	v11 =	vmul.f32 $1.442695020e+00, v11;
	_ =	sdelay $0x1  }
0x180: {  	(erf) = vpow2.f32 v11;
	_ =	sdelay $0x4  }
0x181: {  	v12 =	vld [tilespmem:s30+$0x14AA0];
	_ =	sdelay $0x3  }
0x182: {  	v11 =	vpop (erf)  }
0x183: {  	v12 =	vmul.f32 v11, v12;
	v13 =	vmul.f32 v11, v9;
	_ =	sdelay $0x1  }
0x184: {  	[tilespmem:s1+$0xFFFFFFE0] =	vst v12  }
0x185: {  	v12 =	vld [tilespmem:s30+$0x14AB0];
	_ =	sdelay $0x4  }
0x186: {  	v12 =	vmul.f32 v11, v12;
	_ =	sdelay $0x1  }
0x187: {  	[tilespmem:s1+$0xFFFFFFF0] =	vst v12  }
0x188: {  	[tilespmem:s0+$0xFFFFFFF0] =	vst v13  }
0x189: {  	v12 =	vld [tilespmem:s30+$0x146C0]  }
0x18a: {  	v13 =	vld [tilespmem:s30+$0x186C0]  }
0x18b: {  	v14 =	vld [tilespmem:s30+$0x146D0]  }
0x18c: {  	v15 =	vld [tilespmem:s30+$0x186D0];
	_ =	sdelay $0x1  }
0x18d: {  	v16 =	vld [tilespmem:s30+$0x18AA0]  }
0x18e: {  	v12 =	vmul.f32 v12, v13;
	_ =	sdelay $0x1  }
0x18f: {  	v13 =	vmul.f32 v14, v15;
	_ =	sdelay $0x1  }
0x190: {  	v12 =	vadd.f32 v13, v12;
	v13 =	vmul.f32 v16, v9;
	_ =	sdelay $0x1  }
0x191: {  	v12 =	vadd.f32 v13, v12;
	_ =	sdelay $0x1  }
0x192: {  	v13 =	vperm.xlane v12, v5;
	_ =	sdelay $0x1  }
0x193: {  	v12 =	vadd.f32 v12, v13;
	_ =	sdelay $0x1  }
0x194: {  	v13 =	vperm.xlane v12, v6;
	_ =	sdelay $0x1  }
0x195: {  	v12 =	vadd.f32 v12, v13;
	_ =	sdelay $0x1  }
0x196: {  	v13 =	vperm.xlane v12, v7;
	_ =	sdelay $0x1  }
0x197: {  	v12 =	vadd.f32 v12, v13;
	_ =	sdelay $0x1  }
0x198: {  	v13 =	vperm.xlane v12, v8;
	_ =	sdelay $0x1  }
0x199: {  	v12 =	vadd.f32 v12, v13;
	_ =	sdelay $0x1  }
0x19a: {  	v12 =	vmul.f32 $1.767766920e-01, v12;
	_ =	sdelay $0x1  }
0x19b: {  	v12 =	vmax.f32 v12, $-5.000000000e+01  }
0x19c: {  	v12 =	vmin.f32 v12, $5.000000000e+01  }
0x19d: {  	v12 =	vmul.f32 $1.442695020e+00, v12;
	_ =	sdelay $0x1  }
0x19e: {  	(erf) = vpow2.f32 v12;
	_ =	sdelay $0x4  }
0x19f: {  	v13 =	vld [tilespmem:s30+$0x14AC0];
	_ =	sdelay $0x3  }
0x1a0: {  	v12 =	vpop (erf)  }
0x1a1: {  	v13 =	vmul.f32 v12, v13;
	v14 =	vmul.f32 v12, v9;
	_ =	sdelay $0x1  }
0x1a2: {  	[tilespmem:s1+$0x0] =	vst v13  }
0x1a3: {  	v13 =	vld [tilespmem:s30+$0x14AD0];
	_ =	sdelay $0x4  }
0x1a4: {  	v13 =	vmul.f32 v12, v13;
	_ =	sdelay $0x1  }
0x1a5: {  	[tilespmem:s1+$0x10] =	vst v13  }
0x1a6: {  	[tilespmem:s0+$0x0] =	vst v14  }
0x1a7: {  	v14 =	vld [tilespmem:s30+$0x186E0]  }
0x1a8: {  	v15 =	vld [tilespmem:s30+$0x146E0]  }
0x1a9: {  	v16 =	vld [tilespmem:s30+$0x146F0]  }
0x1aa: {  	v17 =	vld [tilespmem:s30+$0x186F0]  }
0x1ab: {  	v18 =	vld [tilespmem:s30+$0x18AB0]  }
0x1ac: {  	v13 =	vld [tilespmem:s30+$0x14AE0]  }
0x1ad: {  	v14 =	vmul.f32 v15, v14;
	_ =	sdelay $0x1  }
0x1ae: {  	v15 =	vmul.f32 v16, v17  }
0x1af: {  	v16 =	vmul.f32 v18, v9  }
0x1b0: {  	v14 =	vadd.f32 v15, v14;
	_ =	sdelay $0x1  }
0x1b1: {  	v14 =	vadd.f32 v16, v14;
	_ =	sdelay $0x1  }
0x1b2: {  	v15 =	vperm.xlane v14, v5;
	_ =	sdelay $0x1  }
0x1b3: {  	v14 =	vadd.f32 v14, v15;
	_ =	sdelay $0x1  }
0x1b4: {  	v15 =	vperm.xlane v14, v6;
	_ =	sdelay $0x1  }
0x1b5: {  	v14 =	vadd.f32 v14, v15;
	_ =	sdelay $0x1  }
0x1b6: {  	v15 =	vperm.xlane v14, v7;
	_ =	sdelay $0x1  }
0x1b7: {  	v14 =	vadd.f32 v14, v15;
	_ =	sdelay $0x1  }
0x1b8: {  	v15 =	vperm.xlane v14, v8;
	_ =	sdelay $0x1  }
0x1b9: {  	v14 =	vadd.f32 v14, v15;
	_ =	sdelay $0x1  }
0x1ba: {  	v14 =	vmul.f32 $1.767766920e-01, v14;
	_ =	sdelay $0x1  }
0x1bb: {  	v14 =	vmax.f32 v14, $-5.000000000e+01  }
0x1bc: {  	v14 =	vmin.f32 v14, $5.000000000e+01  }
0x1bd: {  	v14 =	vmul.f32 $1.442695020e+00, v14;
	_ =	sdelay $0x1  }
0x1be: {  	(erf) = vpow2.f32 v14;
	_ =	sdelay $0x3  }
.Ltmp3:
0x1bf: {  	(pc) =	sbr.rel @p0 .LBB2_9-.Ltmp3, $2  }
0x1c0: {  	_ =	sdelay $0x2  }
0x1c1: {  	s1 =	sadd.s32 $0x80, s1  }
0x1c2: {  	v14 =	vpop (erf)  }
0x1c3: {  	v13 =	vmul.f32 v14, v13;
	_ =	sdelay $0x1  }
0x1c4: {  	[tilespmem:s31+$0x20] =	vst v13  }
0x1c5: {  	v13 =	vld [tilespmem:s30+$0x14AF0];
	_ =	sdelay $0x4  }
0x1c6: {  	v10 =	vnsel vm1, $0x0, v10;
	v13 =	vmul.f32 v14, v13  }
0x1c7: {  	v9 =	vmul.f32 v14, v9;
	v10 =	vsel vm2, v10, v11  }
0x1c8: {  	v10 =	vsel vm3, v10, v12;
	[tilespmem:s31+$0x30] =	vst v13  }
0x1c9: {  	v10 =	vsel vm4, v10, v14;
	[tilespmem:s10+$0x10] =	vst v9  }
0x1ca: {  	s0 =	rddreg [dreg:$0x2];
	s1 =	simm.s32 $0x1C680;
	[tilespmem:s10+$0x20] =	vst v10  }
0x1cb: {  	[spmem:s0] =	stream.indirect.scatter.add.f32 [tilespmem:s1], [sflag:$0x7], $0x80, s2, s24, $0xb8;
	[tilespmem:$0x1EE80] =	vst v63  }
0x1cc: {  	_ =	swait.ge [sflag:s21], $0x1000  }
0x1cd: {  	[sflag:s21] =	ssyncset.done $0x0  }
0x1ce: {  	[sflag:s21] =	ssyncadd.s32 $0xFFFFF000  }
0x1cf: {  	s4 =	rddreg [dreg:$0x3]  }
0x1d0: {  	[spmem:s4] =	stream.indirect.scatter.add.f32 [tilespmem:s5], [sflag:$0x7], $0x80, s2, s24, $0xb8;
	[tilespmem:$0x1EE80] =	vst v63  }
0x1d1: {  	_ =	swait.ge [sflag:s21], $0x1000  }
0x1d2: {  	[sflag:s21] =	ssyncset.done $0x0  }
0x1d3: {  	[sflag:s21] =	ssyncadd.s32 $0xFFFFF000  }
0x1d4: {  	_ =	swait.ge [sflag:s19], $0x2000  }
0x1d5: {  	[sflag:s19] =	ssyncset.done $0x0  }
0x1d6: {  	[sflag:s19] =	ssyncadd.s32 $0xFFFFE000  }
0x1d7: {  	_ =	swait.ge [sflag:s20], $0x2000  }
0x1d8: {  	[sflag:s20] =	ssyncset.done $0x0  }
0x1d9: {  	[sflag:s20] =	ssyncadd.s32 $0xFFFFE000  }
0x1da: {  	v9 =	vld [tilespmem:$0x14180]  }
0x1db: {  	v10 =	vld [tilespmem:$0x14190];
	_ =	sdelay $0x3  }
0x1dc: {  	v9 =	vsub.s32 v9, v0  }
0x1dd: {  	s29 =	simm.s32 $0x0;
	v10 =	vsub.s32 v10, v0;
	v9 =	vmin.u32 v9, $0x1388  }
0x1de: {  	s11 =	sand.u32 $0x380, s29;
	s10 =	sand.u32 $0x1800, s29;
	[tilespmem:$0x14200] =	vst v9;
	v9 =	vmin.u32 v10, $0x1388  }
0x1df: {  	s31 =	sor.u32 s11, s10;
	[tilespmem:$0x14210] =	vst v9  }
0x1e0: {  	v10 =	vld [tilespmem:s31+$0x16690]  }
0x1e1: {  	v11 =	vld [tilespmem:s31+$0x16680]  }
0x1e2: {  	v12 =	vld [tilespmem:s31+$0x1A690]  }
0x1e3: {  	s30 =	simm.s32 $0x14480;
	v13 =	vld [tilespmem:s31+$0x1A680]  }
0x1e4: {  	v9 =	vld [tilespmem:s30+$0x0]  }
0x1e5: {  	v14 =	vld [tilespmem:s31+$0x1AA80];
	_ =	sdelay $0x2  }
0x1e6: {  	v10 =	vmul.f32 v10, v12;
	v11 =	vmul.f32 v11, v13;
	_ =	sdelay $0x1  }
0x1e7: {  	v10 =	vadd.f32 v10, v11;
	v11 =	vmul.f32 v14, v9;
	_ =	sdelay $0x1  }
0x1e8: {  	v10 =	vadd.f32 v11, v10;
	_ =	sdelay $0x1  }
0x1e9: {  	v11 =	vperm.xlane v10, v5;
	_ =	sdelay $0x1  }
0x1ea: {  	v10 =	vadd.f32 v10, v11;
	_ =	sdelay $0x1  }
0x1eb: {  	v11 =	vperm.xlane v10, v6;
	_ =	sdelay $0x1  }
0x1ec: {  	v10 =	vadd.f32 v10, v11;
	_ =	sdelay $0x1  }
0x1ed: {  	v11 =	vperm.xlane v10, v7;
	_ =	sdelay $0x1  }
0x1ee: {  	v10 =	vadd.f32 v10, v11;
	_ =	sdelay $0x1  }
0x1ef: {  	v11 =	vperm.xlane v10, v8;
	_ =	sdelay $0x1  }
0x1f0: {  	v10 =	vadd.f32 v10, v11;
	_ =	sdelay $0x1  }
0x1f1: {  	v10 =	vmul.f32 $1.767766920e-01, v10;
	_ =	sdelay $0x1  }
0x1f2: {  	v10 =	vmax.f32 v10, $-5.000000000e+01  }
0x1f3: {  	v10 =	vmin.f32 v10, $5.000000000e+01  }
0x1f4: {  	v10 =	vmul.f32 $1.442695020e+00, v10;
	_ =	sdelay $0x1  }
0x1f5: {  	(erf) = vpow2.f32 v10;
	_ =	sdelay $0x4  }
0x1f6: {  	v11 =	vld [tilespmem:s31+$0x16A80];
	_ =	sdelay $0x3  }
0x1f7: {  	v10 =	vpop (erf)  }
0x1f8: {  	v11 =	vmul.f32 v10, v11  }
0x1f9: {  	s0 =	simm.s32 $0x1C6C0  }
0x1fa: {  	[tilespmem:s0+$0xFFFFFFC0] =	vst v11  }
0x1fb: {  	v11 =	vld [tilespmem:s31+$0x16A90];
	_ =	sdelay $0x4  }
0x1fc: {  	v11 =	vmul.f32 v10, v11  }
0x1fd: {  	v12 =	vmul.f32 v10, v9  }
0x1fe: {  	s10 =	simm.s32 $0x1D6A0;
	[tilespmem:s0+$0xFFFFFFD0] =	vst v11  }
0x1ff: {  	[tilespmem:s10+$0xFFFFFFE0] =	vst v12  }
0x200: {  	v11 =	vld [tilespmem:s31+$0x1A6A0]  }
0x201: {  	v12 =	vld [tilespmem:s31+$0x166A0]  }
0x202: {  	v13 =	vld [tilespmem:s31+$0x166B0]  }
0x203: {  	v14 =	vld [tilespmem:s31+$0x1A6B0];
	_ =	sdelay $0x1  }
0x204: {  	v15 =	vld [tilespmem:s31+$0x1AA90];
	_ =	sdelay $0x2  }
0x205: {  	v11 =	vmul.f32 v12, v11;
	v12 =	vmul.f32 v13, v14;
	_ =	sdelay $0x1  }
0x206: {  	v13 =	vmul.f32 v15, v9;
	v11 =	vadd.f32 v12, v11;
	_ =	sdelay $0x1  }
0x207: {  	v11 =	vadd.f32 v13, v11;
	_ =	sdelay $0x1  }
0x208: {  	v12 =	vperm.xlane v11, v5;
	_ =	sdelay $0x1  }
0x209: {  	v11 =	vadd.f32 v11, v12;
	_ =	sdelay $0x1  }
0x20a: {  	v12 =	vperm.xlane v11, v6;
	_ =	sdelay $0x1  }
0x20b: {  	v11 =	vadd.f32 v11, v12;
	_ =	sdelay $0x1  }
0x20c: {  	v12 =	vperm.xlane v11, v7;
	_ =	sdelay $0x1  }
0x20d: {  	v11 =	vadd.f32 v11, v12;
	_ =	sdelay $0x1  }
0x20e: {  	v12 =	vperm.xlane v11, v8;
	_ =	sdelay $0x1  }
0x20f: {  	v11 =	vadd.f32 v11, v12;
	_ =	sdelay $0x1  }
0x210: {  	v11 =	vmul.f32 $1.767766920e-01, v11;
	_ =	sdelay $0x1  }
0x211: {  	v11 =	vmax.f32 v11, $-5.000000000e+01  }
0x212: {  	v11 =	vmin.f32 v11, $5.000000000e+01  }
0x213: {  	v11 =	vmul.f32 $1.442695020e+00, v11;
	_ =	sdelay $0x1  }
0x214: {  	(erf) = vpow2.f32 v11;
	_ =	sdelay $0x4  }
0x215: {  	v12 =	vld [tilespmem:s31+$0x16AA0];
	_ =	sdelay $0x3  }
0x216: {  	v11 =	vpop (erf)  }
0x217: {  	v12 =	vmul.f32 v11, v12;
	_ =	sdelay $0x1  }
0x218: {  	[tilespmem:s0+$0xFFFFFFE0] =	vst v12  }
0x219: {  	v12 =	vld [tilespmem:s31+$0x16AB0];
	_ =	sdelay $0x4  }
0x21a: {  	v12 =	vmul.f32 v11, v12  }
0x21b: {  	v13 =	vmul.f32 v11, v9  }
0x21c: {  	[tilespmem:s0+$0xFFFFFFF0] =	vst v12  }
0x21d: {  	[tilespmem:s10+$0xFFFFFFF0] =	vst v13  }
0x21e: {  	v12 =	vld [tilespmem:s31+$0x166C0]  }
0x21f: {  	v13 =	vld [tilespmem:s31+$0x1A6C0]  }
0x220: {  	v14 =	vld [tilespmem:s31+$0x166D0]  }
0x221: {  	v15 =	vld [tilespmem:s31+$0x1A6D0];
	_ =	sdelay $0x1  }
0x222: {  	v16 =	vld [tilespmem:s31+$0x1AAA0];
	_ =	sdelay $0x2  }
0x223: {  	v12 =	vmul.f32 v12, v13;
	v13 =	vmul.f32 v14, v15;
	_ =	sdelay $0x1  }
0x224: {  	v12 =	vadd.f32 v13, v12;
	v13 =	vmul.f32 v16, v9;
	_ =	sdelay $0x1  }
0x225: {  	v12 =	vadd.f32 v13, v12;
	_ =	sdelay $0x1  }
0x226: {  	v13 =	vperm.xlane v12, v5;
	_ =	sdelay $0x1  }
0x227: {  	v12 =	vadd.f32 v12, v13;
	_ =	sdelay $0x1  }
0x228: {  	v13 =	vperm.xlane v12, v6;
	_ =	sdelay $0x1  }
0x229: {  	v12 =	vadd.f32 v12, v13;
	_ =	sdelay $0x1  }
0x22a: {  	v13 =	vperm.xlane v12, v7;
	_ =	sdelay $0x1  }
0x22b: {  	v12 =	vadd.f32 v12, v13;
	_ =	sdelay $0x1  }
0x22c: {  	v13 =	vperm.xlane v12, v8;
	_ =	sdelay $0x1  }
0x22d: {  	v12 =	vadd.f32 v12, v13;
	_ =	sdelay $0x1  }
0x22e: {  	v12 =	vmul.f32 $1.767766920e-01, v12;
	_ =	sdelay $0x1  }
0x22f: {  	v12 =	vmax.f32 v12, $-5.000000000e+01  }
0x230: {  	v12 =	vmin.f32 v12, $5.000000000e+01  }
0x231: {  	v12 =	vmul.f32 $1.442695020e+00, v12;
	_ =	sdelay $0x1  }
0x232: {  	(erf) = vpow2.f32 v12;
	_ =	sdelay $0x4  }
0x233: {  	v13 =	vld [tilespmem:s31+$0x16AC0];
	_ =	sdelay $0x3  }
0x234: {  	v12 =	vpop (erf)  }
0x235: {  	v13 =	vmul.f32 v12, v13;
	_ =	sdelay $0x1  }
0x236: {  	[tilespmem:s0+$0x0] =	vst v13  }
0x237: {  	v13 =	vld [tilespmem:s31+$0x16AD0];
	_ =	sdelay $0x4  }
0x238: {  	v13 =	vmul.f32 v12, v13  }
0x239: {  	v14 =	vmul.f32 v12, v9  }
0x23a: {  	[tilespmem:s0+$0x10] =	vst v13  }
0x23b: {  	[tilespmem:s10+$0x0] =	vst v14  }
0x23c: {  	v13 =	vld [tilespmem:s31+$0x1A6E0]  }
0x23d: {  	v14 =	vld [tilespmem:s31+$0x166E0]  }
0x23e: {  	v15 =	vld [tilespmem:s31+$0x166F0]  }
0x23f: {  	v63 =	vld [tilespmem:s31+$0x1A6F0];
	_ =	sdelay $0x1  }
0x240: {  	v17 =	vld [tilespmem:s31+$0x1AAB0];
	_ =	sdelay $0x2  }
0x241: {  	v13 =	vmul.f32 v14, v13;
	v14 =	vmul.f32 v15, v63;
	_ =	sdelay $0x1  }
0x242: {  	v15 =	vmul.f32 v17, v9;
	v13 =	vadd.f32 v14, v13;
	_ =	sdelay $0x1  }
0x243: {  	v13 =	vadd.f32 v15, v13;
	_ =	sdelay $0x1  }
0x244: {  	v14 =	vperm.xlane v13, v5;
	_ =	sdelay $0x1  }
0x245: {  	v13 =	vadd.f32 v13, v14;
	_ =	sdelay $0x1  }
0x246: {  	v14 =	vperm.xlane v13, v6;
	_ =	sdelay $0x1  }
0x247: {  	v13 =	vadd.f32 v13, v14;
	_ =	sdelay $0x1  }
0x248: {  	v14 =	vperm.xlane v13, v7;
	_ =	sdelay $0x1  }
0x249: {  	v13 =	vadd.f32 v13, v14;
	_ =	sdelay $0x1  }
0x24a: {  	v14 =	vperm.xlane v13, v8;
	_ =	sdelay $0x1  }
0x24b: {  	v13 =	vadd.f32 v13, v14;
	_ =	sdelay $0x1  }
0x24c: {  	v13 =	vmul.f32 $1.767766920e-01, v13;
	_ =	sdelay $0x1  }
0x24d: {  	v13 =	vmax.f32 v13, $-5.000000000e+01  }
0x24e: {  	v13 =	vmin.f32 v13, $5.000000000e+01  }
0x24f: {  	v14 =	vmul.f32 $1.442695020e+00, v13;
	_ =	sdelay $0x1  }
0x250: {  	(erf) = vpow2.f32 v14;
	_ =	sdelay $0x4  }
0x251: {  	v13 =	vld [tilespmem:s31+$0x16AE0];
	_ =	sdelay $0x2  }
0x252: {  	s3 =	simm.s32 $0x1C740;
	s1 =	simm.s32 $0x100;
	s11 =	simm.s32 $0x1D6A0  }
.LBB2_11:
0x253: {  	s30 =	sadd.s32 $0x10, s30;
	s29 =	sadd.s32 $0x80, s29;
	s10 =	sadd.s32 $0x80, s10;
	v14 =	vpop (erf)  }
0x254: {  	p0 =	sne.s32 s1, $0x1F00;
	s4 =	smov.u32 s1;
	s1 =	sadd.s32 $0x100, s1;
	v13 =	vmul.f32 v14, v13;
	v9 =	vmul.f32 v14, v9  }
0x255: {  	_ = 	snop  }
0x256: {  	[tilespmem:s0+$0x20] =	vst v13  }
0x257: {  	v13 =	vld [tilespmem:s31+$0x16AF0];
	_ =	sdelay $0x3  }
0x258: {  	v10 =	vnsel vm1, $0x0, v10  }
0x259: {  	v10 =	vsel vm2, v10, v11;
	v11 =	vmul.f32 v14, v13  }
0x25a: {  	v10 =	vsel vm3, v10, v12  }
0x25b: {  	v10 =	vsel vm4, v10, v14;
	[tilespmem:s0+$0x30] =	vst v11;
	s0 =	smov.u32 s3  }
0x25c: {  	s4 =	sand.u32 $0x1800, s4;
	s31 =	sand.u32 $0x380, s29;
	[tilespmem:s11+$0x10] =	vst v9  }
0x25d: {  	s31 =	sor.u32 s31, s4;
	[tilespmem:s11+$0x20] =	vst v10;
	s11 =	smov.u32 s10  }
0x25e: {  	v10 =	vld [tilespmem:s31+$0x16690]  }
0x25f: {  	v11 =	vld [tilespmem:s31+$0x16680]  }
0x260: {  	v12 =	vld [tilespmem:s31+$0x1A690]  }
0x261: {  	v13 =	vld [tilespmem:s31+$0x1A680]  }
0x262: {  	v9 =	vld [tilespmem:s30+$0x0]  }
0x263: {  	v14 =	vld [tilespmem:s31+$0x1AA80];
	_ =	sdelay $0x1  }
0x264: {  	v10 =	vmul.f32 v10, v12  }
0x265: {  	v11 =	vmul.f32 v11, v13;
	_ =	sdelay $0x1  }
0x266: {  	v10 =	vadd.f32 v10, v11;
	v11 =	vmul.f32 v14, v9;
	_ =	sdelay $0x1  }
0x267: {  	v10 =	vadd.f32 v11, v10;
	_ =	sdelay $0x1  }
0x268: {  	v11 =	vperm.xlane v10, v5;
	_ =	sdelay $0x1  }
0x269: {  	v10 =	vadd.f32 v10, v11;
	_ =	sdelay $0x1  }
0x26a: {  	v11 =	vperm.xlane v10, v6;
	_ =	sdelay $0x1  }
0x26b: {  	v10 =	vadd.f32 v10, v11;
	_ =	sdelay $0x1  }
0x26c: {  	v11 =	vperm.xlane v10, v7;
	_ =	sdelay $0x1  }
0x26d: {  	v10 =	vadd.f32 v10, v11;
	_ =	sdelay $0x1  }
0x26e: {  	v11 =	vperm.xlane v10, v8;
	_ =	sdelay $0x1  }
0x26f: {  	v10 =	vadd.f32 v10, v11;
	_ =	sdelay $0x1  }
0x270: {  	v10 =	vmul.f32 $1.767766920e-01, v10;
	_ =	sdelay $0x1  }
0x271: {  	v10 =	vmax.f32 v10, $-5.000000000e+01  }
0x272: {  	v10 =	vmin.f32 v10, $5.000000000e+01  }
0x273: {  	v10 =	vmul.f32 $1.442695020e+00, v10;
	_ =	sdelay $0x1  }
0x274: {  	(erf) = vpow2.f32 v10;
	_ =	sdelay $0x4  }
0x275: {  	v11 =	vld [tilespmem:s31+$0x16A80];
	_ =	sdelay $0x3  }
0x276: {  	v10 =	vpop (erf)  }
0x277: {  	v11 =	vmul.f32 v10, v11;
	v12 =	vmul.f32 v10, v9;
	_ =	sdelay $0x1  }
0x278: {  	[tilespmem:s3+$0xFFFFFFC0] =	vst v11  }
0x279: {  	v11 =	vld [tilespmem:s31+$0x16A90];
	_ =	sdelay $0x4  }
0x27a: {  	v11 =	vmul.f32 v10, v11;
	_ =	sdelay $0x1  }
0x27b: {  	[tilespmem:s3+$0xFFFFFFD0] =	vst v11  }
0x27c: {  	[tilespmem:s10+$0xFFFFFFE0] =	vst v12  }
0x27d: {  	v11 =	vld [tilespmem:s31+$0x1A6A0]  }
0x27e: {  	v12 =	vld [tilespmem:s31+$0x166A0]  }
0x27f: {  	v13 =	vld [tilespmem:s31+$0x166B0]  }
0x280: {  	v14 =	vld [tilespmem:s31+$0x1A6B0]  }
0x281: {  	v15 =	vld [tilespmem:s31+$0x1AA90];
	_ =	sdelay $0x1  }
0x282: {  	v11 =	vmul.f32 v12, v11;
	_ =	sdelay $0x1  }
0x283: {  	v12 =	vmul.f32 v13, v14  }
0x284: {  	v13 =	vmul.f32 v15, v9  }
0x285: {  	v11 =	vadd.f32 v12, v11;
	_ =	sdelay $0x1  }
0x286: {  	v11 =	vadd.f32 v13, v11;
	_ =	sdelay $0x1  }
0x287: {  	v12 =	vperm.xlane v11, v5;
	_ =	sdelay $0x1  }
0x288: {  	v11 =	vadd.f32 v11, v12;
	_ =	sdelay $0x1  }
0x289: {  	v12 =	vperm.xlane v11, v6;
	_ =	sdelay $0x1  }
0x28a: {  	v11 =	vadd.f32 v11, v12;
	_ =	sdelay $0x1  }
0x28b: {  	v12 =	vperm.xlane v11, v7;
	_ =	sdelay $0x1  }
0x28c: {  	v11 =	vadd.f32 v11, v12;
	_ =	sdelay $0x1  }
0x28d: {  	v12 =	vperm.xlane v11, v8;
	_ =	sdelay $0x1  }
0x28e: {  	v11 =	vadd.f32 v11, v12;
	_ =	sdelay $0x1  }
0x28f: {  	v11 =	vmul.f32 $1.767766920e-01, v11;
	_ =	sdelay $0x1  }
0x290: {  	v11 =	vmax.f32 v11, $-5.000000000e+01  }
0x291: {  	v11 =	vmin.f32 v11, $5.000000000e+01  }
0x292: {  	v11 =	vmul.f32 $1.442695020e+00, v11;
	_ =	sdelay $0x1  }
0x293: {  	(erf) = vpow2.f32 v11;
	_ =	sdelay $0x4  }
0x294: {  	v12 =	vld [tilespmem:s31+$0x16AA0];
	_ =	sdelay $0x3  }
0x295: {  	v11 =	vpop (erf)  }
0x296: {  	v12 =	vmul.f32 v11, v12;
	v13 =	vmul.f32 v11, v9;
	_ =	sdelay $0x1  }
0x297: {  	[tilespmem:s3+$0xFFFFFFE0] =	vst v12  }
0x298: {  	v12 =	vld [tilespmem:s31+$0x16AB0];
	_ =	sdelay $0x4  }
0x299: {  	v12 =	vmul.f32 v11, v12;
	_ =	sdelay $0x1  }
0x29a: {  	[tilespmem:s3+$0xFFFFFFF0] =	vst v12  }
0x29b: {  	[tilespmem:s10+$0xFFFFFFF0] =	vst v13  }
0x29c: {  	v12 =	vld [tilespmem:s31+$0x166C0]  }
0x29d: {  	v13 =	vld [tilespmem:s31+$0x1A6C0]  }
0x29e: {  	v14 =	vld [tilespmem:s31+$0x166D0]  }
0x29f: {  	v15 =	vld [tilespmem:s31+$0x1A6D0];
	_ =	sdelay $0x1  }
0x2a0: {  	v16 =	vld [tilespmem:s31+$0x1AAA0]  }
0x2a1: {  	v12 =	vmul.f32 v12, v13;
	_ =	sdelay $0x1  }
0x2a2: {  	v13 =	vmul.f32 v14, v15;
	_ =	sdelay $0x1  }
0x2a3: {  	v12 =	vadd.f32 v13, v12;
	v13 =	vmul.f32 v16, v9;
	_ =	sdelay $0x1  }
0x2a4: {  	v12 =	vadd.f32 v13, v12;
	_ =	sdelay $0x1  }
0x2a5: {  	v13 =	vperm.xlane v12, v5;
	_ =	sdelay $0x1  }
0x2a6: {  	v12 =	vadd.f32 v12, v13;
	_ =	sdelay $0x1  }
0x2a7: {  	v13 =	vperm.xlane v12, v6;
	_ =	sdelay $0x1  }
0x2a8: {  	v12 =	vadd.f32 v12, v13;
	_ =	sdelay $0x1  }
0x2a9: {  	v13 =	vperm.xlane v12, v7;
	_ =	sdelay $0x1  }
0x2aa: {  	v12 =	vadd.f32 v12, v13;
	_ =	sdelay $0x1  }
0x2ab: {  	v13 =	vperm.xlane v12, v8;
	_ =	sdelay $0x1  }
0x2ac: {  	v12 =	vadd.f32 v12, v13;
	_ =	sdelay $0x1  }
0x2ad: {  	v12 =	vmul.f32 $1.767766920e-01, v12;
	_ =	sdelay $0x1  }
0x2ae: {  	v12 =	vmax.f32 v12, $-5.000000000e+01  }
0x2af: {  	v12 =	vmin.f32 v12, $5.000000000e+01  }
0x2b0: {  	v12 =	vmul.f32 $1.442695020e+00, v12;
	_ =	sdelay $0x1  }
0x2b1: {  	(erf) = vpow2.f32 v12;
	_ =	sdelay $0x4  }
0x2b2: {  	v13 =	vld [tilespmem:s31+$0x16AC0];
	_ =	sdelay $0x3  }
0x2b3: {  	v12 =	vpop (erf)  }
0x2b4: {  	v13 =	vmul.f32 v12, v13;
	v14 =	vmul.f32 v12, v9;
	_ =	sdelay $0x1  }
0x2b5: {  	[tilespmem:s3+$0x0] =	vst v13  }
0x2b6: {  	v13 =	vld [tilespmem:s31+$0x16AD0];
	_ =	sdelay $0x4  }
0x2b7: {  	v13 =	vmul.f32 v12, v13;
	_ =	sdelay $0x1  }
0x2b8: {  	[tilespmem:s3+$0x10] =	vst v13  }
0x2b9: {  	[tilespmem:s10+$0x0] =	vst v14  }
0x2ba: {  	v14 =	vld [tilespmem:s31+$0x1A6E0]  }
0x2bb: {  	v15 =	vld [tilespmem:s31+$0x166E0]  }
0x2bc: {  	v16 =	vld [tilespmem:s31+$0x166F0]  }
0x2bd: {  	v17 =	vld [tilespmem:s31+$0x1A6F0]  }
0x2be: {  	v18 =	vld [tilespmem:s31+$0x1AAB0]  }
0x2bf: {  	v13 =	vld [tilespmem:s31+$0x16AE0]  }
0x2c0: {  	v14 =	vmul.f32 v15, v14;
	_ =	sdelay $0x1  }
0x2c1: {  	v15 =	vmul.f32 v16, v17  }
0x2c2: {  	v16 =	vmul.f32 v18, v9  }
0x2c3: {  	v14 =	vadd.f32 v15, v14;
	_ =	sdelay $0x1  }
0x2c4: {  	v14 =	vadd.f32 v16, v14;
	_ =	sdelay $0x1  }
0x2c5: {  	v15 =	vperm.xlane v14, v5;
	_ =	sdelay $0x1  }
0x2c6: {  	v14 =	vadd.f32 v14, v15;
	_ =	sdelay $0x1  }
0x2c7: {  	v15 =	vperm.xlane v14, v6;
	_ =	sdelay $0x1  }
0x2c8: {  	v14 =	vadd.f32 v14, v15;
	_ =	sdelay $0x1  }
0x2c9: {  	v15 =	vperm.xlane v14, v7;
	_ =	sdelay $0x1  }
0x2ca: {  	v14 =	vadd.f32 v14, v15;
	_ =	sdelay $0x1  }
0x2cb: {  	v15 =	vperm.xlane v14, v8;
	_ =	sdelay $0x1  }
0x2cc: {  	v14 =	vadd.f32 v14, v15;
	_ =	sdelay $0x1  }
0x2cd: {  	v14 =	vmul.f32 $1.767766920e-01, v14;
	_ =	sdelay $0x1  }
0x2ce: {  	v14 =	vmax.f32 v14, $-5.000000000e+01  }
0x2cf: {  	v14 =	vmin.f32 v14, $5.000000000e+01  }
0x2d0: {  	v14 =	vmul.f32 $1.442695020e+00, v14;
	_ =	sdelay $0x1  }
0x2d1: {  	(erf) = vpow2.f32 v14;
	_ =	sdelay $0x3  }
.Ltmp4:
0x2d2: {  	(pc) =	sbr.rel @p0 .LBB2_11-.Ltmp4, $2  }
0x2d3: {  	_ =	sdelay $0x2  }
0x2d4: {  	s3 =	sadd.s32 $0x80, s3  }
0x2d5: {  	v14 =	vpop (erf)  }
0x2d6: {  	v13 =	vmul.f32 v14, v13;
	_ =	sdelay $0x1  }
0x2d7: {  	[tilespmem:s0+$0x20] =	vst v13  }
0x2d8: {  	v13 =	vld [tilespmem:s31+$0x16AF0];
	_ =	sdelay $0x4  }
0x2d9: {  	v10 =	vnsel vm1, $0x0, v10;
	v13 =	vmul.f32 v14, v13  }
0x2da: {  	v9 =	vmul.f32 v14, v9;
	v10 =	vsel vm2, v10, v11  }
0x2db: {  	v10 =	vsel vm3, v10, v12;
	[tilespmem:s0+$0x30] =	vst v13  }
0x2dc: {  	v10 =	vsel vm4, v10, v14;
	[tilespmem:s11+$0x10] =	vst v9  }
0x2dd: {  	s30 =	rddreg [dreg:$0x2];
	s1 =	simm.s32 $0x1C680;
	[tilespmem:s11+$0x20] =	vst v10  }
0x2de: {  	[spmem:s30] =	stream.indirect.scatter.add.f32 [tilespmem:s1], [sflag:$0x7], $0x80, s2, s24, $0xb8;
	[tilespmem:$0x1EE80] =	vst v63  }
0x2df: {  	_ =	swait.ge [sflag:s21], $0x1000  }
0x2e0: {  	s28 =	sadd.s32 $0x1, s28;
	[sflag:s21] =	ssyncset.done $0x0  }
0x2e1: {  	p0 =	sne.s32 s28, $0x138;
	[sflag:s21] =	ssyncadd.s32 $0xFFFFF000  }
.Ltmp5:
0x2e2: {  	s31 =	rddreg [dreg:$0x3];
	(pc) =	sbr.rel @p0 .LBB2_8-.Ltmp5, $4  }
0x2e3: {  	[spmem:s31] =	stream.indirect.scatter.add.f32 [tilespmem:s5], [sflag:$0x7], $0x80, s2, s24, $0xb8;
	[tilespmem:$0x1EE80] =	vst v63  }
0x2e4: {  	_ =	swait.ge [sflag:s21], $0x1000  }
0x2e5: {  	[sflag:s21] =	ssyncset.done $0x0  }
0x2e6: {  	[sflag:s21] =	ssyncadd.s32 $0xFFFFF000  }
0x2e7: {  	s26 =	simm.s32 $0x0;
	s0 =	rddreg [dreg:$0x6];
	s1 =	simm.s32 $0x14000  }
0x2e8: {  	[tilespmem:s1], [sflag:$0x1] =	stream.linear.gather [hbm4b:s0+s26], $0x20, $0x38;
	[tilespmem:$0x1EE80] =	vst v63  }
0x2e9: {  	s10 =	rddreg [dreg:$0x7];
	s11 =	simm.s32 $0x14100  }
0x2ea: {  	[tilespmem:s11], [sflag:$0x1] =	stream.linear.gather [hbm4b:s10+s26], $0x20, $0x38;
	[tilespmem:$0x1EE80] =	vst v63  }
0x2eb: {  	s28 =	simm.s32 $0x14280;
	s13 =	rddreg [dreg:$0x8]  }
0x2ec: {  	[tilespmem:s28], [sflag:$0x1] =	stream.linear.gather [hbm4b:s13+s26], $0x200, $0x38;
	[tilespmem:$0x1EE80] =	vst v63  }
0x2ed: {  	_ =	swait.ge [sflag:s25], $0x20  }
0x2ee: {  	[sflag:s25] =	ssyncset.done $0x0  }
0x2ef: {  	[sflag:s25] =	ssyncadd.s32 $0xFFFFFFE0  }
0x2f0: {  	_ =	swait.ge [sflag:s25], $0x20  }
0x2f1: {  	[sflag:s25] =	ssyncset.done $0x0  }
0x2f2: {  	[sflag:s25] =	ssyncadd.s32 $0xFFFFFFE0  }
0x2f3: {  	_ =	swait.ge [sflag:s25], $0x200  }
0x2f4: {  	[sflag:s25] =	ssyncset.done $0x0  }
0x2f5: {  	[sflag:s25] =	ssyncadd.s32 $0xFFFFFE00  }
0x2f6: {  	v9 =	vld [tilespmem:$0x14000];
	_ =	sdelay $0x4  }
0x2f7: {  	v10 =	vshll.u32 v9, $0x1  }
0x2f8: {  	v9 =	vand.u32 $0x7, v9;
	v10 =	vand.u32 $0xFFFFFFF0, v10  }
0x2f9: {  	v9 =	vor.u32 v9, v10  }
0x2fa: {  	v10 =	vperm.xlane v9, v2;
	_ =	sdelay $0x1  }
0x2fb: {  	v9 =	vperm.xlane v9, v4;
	v10 =	vadd.s32 v3, v10;
	_ =	sdelay $0x1  }
0x2fc: {  	v9 =	vadd.s32 v3, v9;
	_ =	sdelay $0x1  }
0x2fd: {  	s30 =	simm.s32 $0x14680  }
0x2fe: {  	[tilespmem:s30], [sflag:$0x3] =	stream.indirect_vreg.gather [hbm4b:s7+s26], $0x80, v10, vm0, $0xb8;
	[tilespmem:$0x1EE80] =	vst v63  }
0x2ff: {  	s31 =	simm.s32 $0x14E80  }
0x300: {  	[tilespmem:s31], [sflag:$0x3] =	stream.indirect_vreg.gather [hbm4b:s7+s26], $0x80, v9, vm0, $0xb8;
	[tilespmem:$0x1EE80] =	vst v63  }
0x301: {  	v9 =	vld [tilespmem:$0x14010];
	_ =	sdelay $0x4  }
0x302: {  	v10 =	vshll.u32 v9, $0x1  }
0x303: {  	v9 =	vand.u32 $0x7, v9;
	v10 =	vand.u32 $0xFFFFFFF0, v10  }
0x304: {  	v9 =	vor.u32 v9, v10  }
0x305: {  	v10 =	vperm.xlane v9, v2;
	_ =	sdelay $0x1  }
0x306: {  	v9 =	vperm.xlane v9, v4;
	v10 =	vadd.s32 v3, v10;
	_ =	sdelay $0x1  }
0x307: {  	v9 =	vadd.s32 v3, v9;
	_ =	sdelay $0x1  }
0x308: {  	s1 =	simm.s32 $0x15680  }
0x309: {  	[tilespmem:s1], [sflag:$0x3] =	stream.indirect_vreg.gather [hbm4b:s7+s26], $0x80, v10, vm0, $0xb8;
	[tilespmem:$0x1EE80] =	vst v63  }
0x30a: {  	s3 =	simm.s32 $0x15E80  }
0x30b: {  	[tilespmem:s3], [sflag:$0x3] =	stream.indirect_vreg.gather [hbm4b:s7+s26], $0x80, v9, vm0, $0xb8;
	[tilespmem:$0x1EE80] =	vst v63  }
0x30c: {  	v9 =	vld [tilespmem:$0x14100];
	_ =	sdelay $0x4  }
0x30d: {  	v10 =	vshll.u32 v9, $0x1  }
0x30e: {  	v9 =	vand.u32 $0x7, v9;
	v10 =	vand.u32 $0xFFFFFFF0, v10  }
0x30f: {  	v9 =	vor.u32 v9, v10  }
0x310: {  	v10 =	vperm.xlane v9, v2;
	_ =	sdelay $0x1  }
0x311: {  	v9 =	vperm.xlane v9, v4;
	v10 =	vadd.s32 v3, v10;
	_ =	sdelay $0x1  }
0x312: {  	v9 =	vadd.s32 v3, v9;
	_ =	sdelay $0x1  }
0x313: {  	s4 =	simm.s32 $0x18680  }
0x314: {  	[tilespmem:s4], [sflag:$0x5] =	stream.indirect_vreg.gather [hbm4b:s6+s26], $0x80, v10, vm0, $0xb8;
	[tilespmem:$0x1EE80] =	vst v63  }
0x315: {  	s10 =	simm.s32 $0x18E80  }
0x316: {  	[tilespmem:s10], [sflag:$0x5] =	stream.indirect_vreg.gather [hbm4b:s6+s26], $0x80, v9, vm0, $0xb8;
	[tilespmem:$0x1EE80] =	vst v63  }
0x317: {  	v9 =	vld [tilespmem:$0x14110];
	_ =	sdelay $0x4  }
0x318: {  	v10 =	vshll.u32 v9, $0x1  }
0x319: {  	v9 =	vand.u32 $0x7, v9;
	v10 =	vand.u32 $0xFFFFFFF0, v10  }
0x31a: {  	v9 =	vor.u32 v9, v10  }
0x31b: {  	v10 =	vperm.xlane v9, v2;
	_ =	sdelay $0x1  }
0x31c: {  	v9 =	vperm.xlane v9, v4;
	v10 =	vadd.s32 v3, v10;
	_ =	sdelay $0x1  }
0x31d: {  	v9 =	vadd.s32 v3, v9;
	_ =	sdelay $0x1  }
0x31e: {  	s11 =	simm.s32 $0x19680  }
0x31f: {  	[tilespmem:s11], [sflag:$0x5] =	stream.indirect_vreg.gather [hbm4b:s6+s26], $0x80, v10, vm0, $0xb8;
	[tilespmem:$0x1EE80] =	vst v63  }
0x320: {  	s13 =	simm.s32 $0x19E80  }
0x321: {  	[tilespmem:s13], [sflag:$0x5] =	stream.indirect_vreg.gather [hbm4b:s6+s26], $0x80, v9, vm0, $0xb8;
	[tilespmem:$0x1EE80] =	vst v63  }
0x322: {  	_ =	swait.ge [sflag:s22], $0x2000  }
0x323: {  	[sflag:s22] =	ssyncset.done $0x0  }
0x324: {  	[sflag:s22] =	ssyncadd.s32 $0xFFFFE000  }
0x325: {  	_ =	swait.ge [sflag:s23], $0x2000  }
0x326: {  	[sflag:s23] =	ssyncset.done $0x0  }
0x327: {  	[sflag:s23] =	ssyncadd.s32 $0xFFFFE000  }
0x328: {  	v9 =	vld [tilespmem:$0x14100]  }
0x329: {  	v10 =	vld [tilespmem:$0x14110];
	_ =	sdelay $0x3  }
0x32a: {  	v9 =	vsub.s32 v9, v0  }
0x32b: {  	v10 =	vsub.s32 v10, v0;
	v9 =	vmin.u32 v9, $0x1388  }
0x32c: {  	s30 =	sand.u32 $0x1800, s26;
	s31 =	sand.u32 $0x380, s26;
	[tilespmem:$0x14200] =	vst v9;
	v9 =	vmin.u32 v10, $0x1388  }
0x32d: {  	s29 =	sor.u32 s31, s30;
	[tilespmem:$0x14210] =	vst v9  }
0x32e: {  	v10 =	vld [tilespmem:s29+$0x14690]  }
0x32f: {  	v11 =	vld [tilespmem:s29+$0x14680]  }
0x330: {  	v12 =	vld [tilespmem:s29+$0x18690]  }
0x331: {  	v13 =	vld [tilespmem:s29+$0x18680]  }
0x332: {  	v9 =	vld [tilespmem:s28+$0x0]  }
0x333: {  	v14 =	vld [tilespmem:s29+$0x18A80];
	_ =	sdelay $0x2  }
0x334: {  	v10 =	vmul.f32 v10, v12;
	v11 =	vmul.f32 v11, v13;
	_ =	sdelay $0x1  }
0x335: {  	v10 =	vadd.f32 v10, v11;
	v11 =	vmul.f32 v14, v9;
	_ =	sdelay $0x1  }
0x336: {  	v10 =	vadd.f32 v11, v10;
	_ =	sdelay $0x1  }
0x337: {  	v11 =	vperm.xlane v10, v5;
	_ =	sdelay $0x1  }
0x338: {  	v10 =	vadd.f32 v10, v11;
	_ =	sdelay $0x1  }
0x339: {  	v11 =	vperm.xlane v10, v6;
	_ =	sdelay $0x1  }
0x33a: {  	v10 =	vadd.f32 v10, v11;
	_ =	sdelay $0x1  }
0x33b: {  	v11 =	vperm.xlane v10, v7;
	_ =	sdelay $0x1  }
0x33c: {  	v10 =	vadd.f32 v10, v11;
	_ =	sdelay $0x1  }
0x33d: {  	v11 =	vperm.xlane v10, v8;
	_ =	sdelay $0x1  }
0x33e: {  	v10 =	vadd.f32 v10, v11;
	_ =	sdelay $0x1  }
0x33f: {  	v10 =	vmul.f32 $1.767766920e-01, v10;
	_ =	sdelay $0x1  }
0x340: {  	v10 =	vmax.f32 v10, $-5.000000000e+01  }
0x341: {  	v10 =	vmin.f32 v10, $5.000000000e+01  }
0x342: {  	v10 =	vmul.f32 $1.442695020e+00, v10;
	_ =	sdelay $0x1  }
0x343: {  	(erf) = vpow2.f32 v10;
	_ =	sdelay $0x4  }
0x344: {  	v11 =	vld [tilespmem:s29+$0x14A80];
	_ =	sdelay $0x3  }
0x345: {  	v10 =	vpop (erf)  }
0x346: {  	v11 =	vmul.f32 v10, v11  }
0x347: {  	s0 =	simm.s32 $0x1C6C0  }
0x348: {  	[tilespmem:s0+$0xFFFFFFC0] =	vst v11  }
0x349: {  	v11 =	vld [tilespmem:s29+$0x14A90];
	_ =	sdelay $0x4  }
0x34a: {  	v11 =	vmul.f32 v10, v11  }
0x34b: {  	v12 =	vmul.f32 v10, v9  }
0x34c: {  	s10 =	simm.s32 $0x1D6A0;
	[tilespmem:s0+$0xFFFFFFD0] =	vst v11  }
0x34d: {  	[tilespmem:s10+$0xFFFFFFE0] =	vst v12  }
0x34e: {  	v11 =	vld [tilespmem:s29+$0x186A0]  }
0x34f: {  	v12 =	vld [tilespmem:s29+$0x146A0]  }
0x350: {  	v13 =	vld [tilespmem:s29+$0x146B0]  }
0x351: {  	v14 =	vld [tilespmem:s29+$0x186B0];
	_ =	sdelay $0x1  }
0x352: {  	v15 =	vld [tilespmem:s29+$0x18A90];
	_ =	sdelay $0x2  }
0x353: {  	v11 =	vmul.f32 v12, v11;
	v12 =	vmul.f32 v13, v14;
	_ =	sdelay $0x1  }
0x354: {  	v13 =	vmul.f32 v15, v9;
	v11 =	vadd.f32 v12, v11;
	_ =	sdelay $0x1  }
0x355: {  	v11 =	vadd.f32 v13, v11;
	_ =	sdelay $0x1  }
0x356: {  	v12 =	vperm.xlane v11, v5;
	_ =	sdelay $0x1  }
0x357: {  	v11 =	vadd.f32 v11, v12;
	_ =	sdelay $0x1  }
0x358: {  	v12 =	vperm.xlane v11, v6;
	_ =	sdelay $0x1  }
0x359: {  	v11 =	vadd.f32 v11, v12;
	_ =	sdelay $0x1  }
0x35a: {  	v12 =	vperm.xlane v11, v7;
	_ =	sdelay $0x1  }
0x35b: {  	v11 =	vadd.f32 v11, v12;
	_ =	sdelay $0x1  }
0x35c: {  	v12 =	vperm.xlane v11, v8;
	_ =	sdelay $0x1  }
0x35d: {  	v11 =	vadd.f32 v11, v12;
	_ =	sdelay $0x1  }
0x35e: {  	v11 =	vmul.f32 $1.767766920e-01, v11;
	_ =	sdelay $0x1  }
0x35f: {  	v11 =	vmax.f32 v11, $-5.000000000e+01  }
0x360: {  	v11 =	vmin.f32 v11, $5.000000000e+01  }
0x361: {  	v11 =	vmul.f32 $1.442695020e+00, v11;
	_ =	sdelay $0x1  }
0x362: {  	(erf) = vpow2.f32 v11;
	_ =	sdelay $0x4  }
0x363: {  	v12 =	vld [tilespmem:s29+$0x14AA0];
	_ =	sdelay $0x3  }
0x364: {  	v11 =	vpop (erf)  }
0x365: {  	v12 =	vmul.f32 v11, v12;
	_ =	sdelay $0x1  }
0x366: {  	[tilespmem:s0+$0xFFFFFFE0] =	vst v12  }
0x367: {  	v12 =	vld [tilespmem:s29+$0x14AB0];
	_ =	sdelay $0x4  }
0x368: {  	v12 =	vmul.f32 v11, v12  }
0x369: {  	v13 =	vmul.f32 v11, v9  }
0x36a: {  	[tilespmem:s0+$0xFFFFFFF0] =	vst v12  }
0x36b: {  	[tilespmem:s10+$0xFFFFFFF0] =	vst v13  }
0x36c: {  	v12 =	vld [tilespmem:s29+$0x146C0]  }
0x36d: {  	v13 =	vld [tilespmem:s29+$0x186C0]  }
0x36e: {  	v14 =	vld [tilespmem:s29+$0x146D0]  }
0x36f: {  	v15 =	vld [tilespmem:s29+$0x186D0];
	_ =	sdelay $0x1  }
0x370: {  	v16 =	vld [tilespmem:s29+$0x18AA0];
	_ =	sdelay $0x2  }
0x371: {  	v12 =	vmul.f32 v12, v13;
	v13 =	vmul.f32 v14, v15;
	_ =	sdelay $0x1  }
0x372: {  	v12 =	vadd.f32 v13, v12;
	v13 =	vmul.f32 v16, v9;
	_ =	sdelay $0x1  }
0x373: {  	v12 =	vadd.f32 v13, v12;
	_ =	sdelay $0x1  }
0x374: {  	v13 =	vperm.xlane v12, v5;
	_ =	sdelay $0x1  }
0x375: {  	v12 =	vadd.f32 v12, v13;
	_ =	sdelay $0x1  }
0x376: {  	v13 =	vperm.xlane v12, v6;
	_ =	sdelay $0x1  }
0x377: {  	v12 =	vadd.f32 v12, v13;
	_ =	sdelay $0x1  }
0x378: {  	v13 =	vperm.xlane v12, v7;
	_ =	sdelay $0x1  }
0x379: {  	v12 =	vadd.f32 v12, v13;
	_ =	sdelay $0x1  }
0x37a: {  	v13 =	vperm.xlane v12, v8;
	_ =	sdelay $0x1  }
0x37b: {  	v12 =	vadd.f32 v12, v13;
	_ =	sdelay $0x1  }
0x37c: {  	v12 =	vmul.f32 $1.767766920e-01, v12;
	_ =	sdelay $0x1  }
0x37d: {  	v12 =	vmax.f32 v12, $-5.000000000e+01  }
0x37e: {  	v12 =	vmin.f32 v12, $5.000000000e+01  }
0x37f: {  	v12 =	vmul.f32 $1.442695020e+00, v12;
	_ =	sdelay $0x1  }
0x380: {  	(erf) = vpow2.f32 v12;
	_ =	sdelay $0x4  }
0x381: {  	v13 =	vld [tilespmem:s29+$0x14AC0];
	_ =	sdelay $0x3  }
0x382: {  	v12 =	vpop (erf)  }
0x383: {  	v13 =	vmul.f32 v12, v13;
	_ =	sdelay $0x1  }
0x384: {  	[tilespmem:s0+$0x0] =	vst v13  }
0x385: {  	v13 =	vld [tilespmem:s29+$0x14AD0];
	_ =	sdelay $0x4  }
0x386: {  	v13 =	vmul.f32 v12, v13  }
0x387: {  	v14 =	vmul.f32 v12, v9  }
0x388: {  	[tilespmem:s0+$0x10] =	vst v13  }
0x389: {  	[tilespmem:s10+$0x0] =	vst v14  }
0x38a: {  	v13 =	vld [tilespmem:s29+$0x186E0]  }
0x38b: {  	v14 =	vld [tilespmem:s29+$0x146E0]  }
0x38c: {  	v15 =	vld [tilespmem:s29+$0x146F0]  }
0x38d: {  	v63 =	vld [tilespmem:s29+$0x186F0];
	_ =	sdelay $0x1  }
0x38e: {  	v17 =	vld [tilespmem:s29+$0x18AB0];
	_ =	sdelay $0x2  }
0x38f: {  	v13 =	vmul.f32 v14, v13;
	v14 =	vmul.f32 v15, v63;
	_ =	sdelay $0x1  }
0x390: {  	v15 =	vmul.f32 v17, v9;
	v13 =	vadd.f32 v14, v13;
	_ =	sdelay $0x1  }
0x391: {  	v13 =	vadd.f32 v15, v13;
	_ =	sdelay $0x1  }
0x392: {  	v14 =	vperm.xlane v13, v5;
	_ =	sdelay $0x1  }
0x393: {  	v13 =	vadd.f32 v13, v14;
	_ =	sdelay $0x1  }
0x394: {  	v14 =	vperm.xlane v13, v6;
	_ =	sdelay $0x1  }
0x395: {  	v13 =	vadd.f32 v13, v14;
	_ =	sdelay $0x1  }
0x396: {  	v14 =	vperm.xlane v13, v7;
	_ =	sdelay $0x1  }
0x397: {  	v13 =	vadd.f32 v13, v14;
	_ =	sdelay $0x1  }
0x398: {  	v14 =	vperm.xlane v13, v8;
	_ =	sdelay $0x1  }
0x399: {  	v13 =	vadd.f32 v13, v14;
	_ =	sdelay $0x1  }
0x39a: {  	v13 =	vmul.f32 $1.767766920e-01, v13;
	_ =	sdelay $0x1  }
0x39b: {  	v13 =	vmax.f32 v13, $-5.000000000e+01  }
0x39c: {  	v13 =	vmin.f32 v13, $5.000000000e+01  }
0x39d: {  	v14 =	vmul.f32 $1.442695020e+00, v13;
	_ =	sdelay $0x1  }
0x39e: {  	(erf) = vpow2.f32 v14;
	_ =	sdelay $0x4  }
0x39f: {  	v13 =	vld [tilespmem:s29+$0x14AE0];
	_ =	sdelay $0x2  }
0x3a0: {  	s1 =	simm.s32 $0x100;
	s3 =	simm.s32 $0x1C740;
	s11 =	simm.s32 $0x1D6A0  }
.LBB2_14:
0x3a1: {  	s28 =	sadd.s32 $0x10, s28;
	s26 =	sadd.s32 $0x80, s26;
	s10 =	sadd.s32 $0x80, s10;
	v14 =	vpop (erf)  }
0x3a2: {  	p0 =	sne.s32 s1, $0x1F00;
	s4 =	smov.u32 s1;
	s1 =	sadd.s32 $0x100, s1;
	v13 =	vmul.f32 v14, v13;
	v9 =	vmul.f32 v14, v9  }
0x3a3: {  	_ = 	snop  }
0x3a4: {  	[tilespmem:s0+$0x20] =	vst v13  }
0x3a5: {  	v13 =	vld [tilespmem:s29+$0x14AF0];
	_ =	sdelay $0x3  }
0x3a6: {  	v10 =	vnsel vm1, $0x0, v10  }
0x3a7: {  	v10 =	vsel vm2, v10, v11;
	v11 =	vmul.f32 v14, v13  }
0x3a8: {  	v10 =	vsel vm3, v10, v12  }
0x3a9: {  	v10 =	vsel vm4, v10, v14;
	[tilespmem:s0+$0x30] =	vst v11;
	s0 =	smov.u32 s3  }
0x3aa: {  	s4 =	sand.u32 $0x1800, s4;
	s29 =	sand.u32 $0x380, s26;
	[tilespmem:s11+$0x10] =	vst v9  }
0x3ab: {  	s29 =	sor.u32 s29, s4;
	[tilespmem:s11+$0x20] =	vst v10;
	s11 =	smov.u32 s10  }
0x3ac: {  	v10 =	vld [tilespmem:s29+$0x14690]  }
0x3ad: {  	v11 =	vld [tilespmem:s29+$0x14680]  }
0x3ae: {  	v12 =	vld [tilespmem:s29+$0x18690]  }
0x3af: {  	v13 =	vld [tilespmem:s29+$0x18680]  }
0x3b0: {  	v9 =	vld [tilespmem:s28+$0x0]  }
0x3b1: {  	v14 =	vld [tilespmem:s29+$0x18A80];
	_ =	sdelay $0x1  }
0x3b2: {  	v10 =	vmul.f32 v10, v12  }
0x3b3: {  	v11 =	vmul.f32 v11, v13;
	_ =	sdelay $0x1  }
0x3b4: {  	v10 =	vadd.f32 v10, v11;
	v11 =	vmul.f32 v14, v9;
	_ =	sdelay $0x1  }
0x3b5: {  	v10 =	vadd.f32 v11, v10;
	_ =	sdelay $0x1  }
0x3b6: {  	v11 =	vperm.xlane v10, v5;
	_ =	sdelay $0x1  }
0x3b7: {  	v10 =	vadd.f32 v10, v11;
	_ =	sdelay $0x1  }
0x3b8: {  	v11 =	vperm.xlane v10, v6;
	_ =	sdelay $0x1  }
0x3b9: {  	v10 =	vadd.f32 v10, v11;
	_ =	sdelay $0x1  }
0x3ba: {  	v11 =	vperm.xlane v10, v7;
	_ =	sdelay $0x1  }
0x3bb: {  	v10 =	vadd.f32 v10, v11;
	_ =	sdelay $0x1  }
0x3bc: {  	v11 =	vperm.xlane v10, v8;
	_ =	sdelay $0x1  }
0x3bd: {  	v10 =	vadd.f32 v10, v11;
	_ =	sdelay $0x1  }
0x3be: {  	v10 =	vmul.f32 $1.767766920e-01, v10;
	_ =	sdelay $0x1  }
0x3bf: {  	v10 =	vmax.f32 v10, $-5.000000000e+01  }
0x3c0: {  	v10 =	vmin.f32 v10, $5.000000000e+01  }
0x3c1: {  	v10 =	vmul.f32 $1.442695020e+00, v10;
	_ =	sdelay $0x1  }
0x3c2: {  	(erf) = vpow2.f32 v10;
	_ =	sdelay $0x4  }
0x3c3: {  	v11 =	vld [tilespmem:s29+$0x14A80];
	_ =	sdelay $0x3  }
0x3c4: {  	v10 =	vpop (erf)  }
0x3c5: {  	v11 =	vmul.f32 v10, v11;
	v12 =	vmul.f32 v10, v9;
	_ =	sdelay $0x1  }
0x3c6: {  	[tilespmem:s3+$0xFFFFFFC0] =	vst v11  }
0x3c7: {  	v11 =	vld [tilespmem:s29+$0x14A90];
	_ =	sdelay $0x4  }
0x3c8: {  	v11 =	vmul.f32 v10, v11;
	_ =	sdelay $0x1  }
0x3c9: {  	[tilespmem:s3+$0xFFFFFFD0] =	vst v11  }
0x3ca: {  	[tilespmem:s10+$0xFFFFFFE0] =	vst v12  }
0x3cb: {  	v11 =	vld [tilespmem:s29+$0x186A0]  }
0x3cc: {  	v12 =	vld [tilespmem:s29+$0x146A0]  }
0x3cd: {  	v13 =	vld [tilespmem:s29+$0x146B0]  }
0x3ce: {  	v14 =	vld [tilespmem:s29+$0x186B0]  }
0x3cf: {  	v15 =	vld [tilespmem:s29+$0x18A90];
	_ =	sdelay $0x1  }
0x3d0: {  	v11 =	vmul.f32 v12, v11;
	_ =	sdelay $0x1  }
0x3d1: {  	v12 =	vmul.f32 v13, v14  }
0x3d2: {  	v13 =	vmul.f32 v15, v9  }
0x3d3: {  	v11 =	vadd.f32 v12, v11;
	_ =	sdelay $0x1  }
0x3d4: {  	v11 =	vadd.f32 v13, v11;
	_ =	sdelay $0x1  }
0x3d5: {  	v12 =	vperm.xlane v11, v5;
	_ =	sdelay $0x1  }
0x3d6: {  	v11 =	vadd.f32 v11, v12;
	_ =	sdelay $0x1  }
0x3d7: {  	v12 =	vperm.xlane v11, v6;
	_ =	sdelay $0x1  }
0x3d8: {  	v11 =	vadd.f32 v11, v12;
	_ =	sdelay $0x1  }
0x3d9: {  	v12 =	vperm.xlane v11, v7;
	_ =	sdelay $0x1  }
0x3da: {  	v11 =	vadd.f32 v11, v12;
	_ =	sdelay $0x1  }
0x3db: {  	v12 =	vperm.xlane v11, v8;
	_ =	sdelay $0x1  }
0x3dc: {  	v11 =	vadd.f32 v11, v12;
	_ =	sdelay $0x1  }
0x3dd: {  	v11 =	vmul.f32 $1.767766920e-01, v11;
	_ =	sdelay $0x1  }
0x3de: {  	v11 =	vmax.f32 v11, $-5.000000000e+01  }
0x3df: {  	v11 =	vmin.f32 v11, $5.000000000e+01  }
0x3e0: {  	v11 =	vmul.f32 $1.442695020e+00, v11;
	_ =	sdelay $0x1  }
0x3e1: {  	(erf) = vpow2.f32 v11;
	_ =	sdelay $0x4  }
0x3e2: {  	v12 =	vld [tilespmem:s29+$0x14AA0];
	_ =	sdelay $0x3  }
0x3e3: {  	v11 =	vpop (erf)  }
0x3e4: {  	v12 =	vmul.f32 v11, v12;
	v13 =	vmul.f32 v11, v9;
	_ =	sdelay $0x1  }
0x3e5: {  	[tilespmem:s3+$0xFFFFFFE0] =	vst v12  }
0x3e6: {  	v12 =	vld [tilespmem:s29+$0x14AB0];
	_ =	sdelay $0x4  }
0x3e7: {  	v12 =	vmul.f32 v11, v12;
	_ =	sdelay $0x1  }
0x3e8: {  	[tilespmem:s3+$0xFFFFFFF0] =	vst v12  }
0x3e9: {  	[tilespmem:s10+$0xFFFFFFF0] =	vst v13  }
0x3ea: {  	v12 =	vld [tilespmem:s29+$0x146C0]  }
0x3eb: {  	v13 =	vld [tilespmem:s29+$0x186C0]  }
0x3ec: {  	v14 =	vld [tilespmem:s29+$0x146D0]  }
0x3ed: {  	v15 =	vld [tilespmem:s29+$0x186D0];
	_ =	sdelay $0x1  }
0x3ee: {  	v16 =	vld [tilespmem:s29+$0x18AA0]  }
0x3ef: {  	v12 =	vmul.f32 v12, v13;
	_ =	sdelay $0x1  }
0x3f0: {  	v13 =	vmul.f32 v14, v15;
	_ =	sdelay $0x1  }
0x3f1: {  	v12 =	vadd.f32 v13, v12;
	v13 =	vmul.f32 v16, v9;
	_ =	sdelay $0x1  }
0x3f2: {  	v12 =	vadd.f32 v13, v12;
	_ =	sdelay $0x1  }
0x3f3: {  	v13 =	vperm.xlane v12, v5;
	_ =	sdelay $0x1  }
0x3f4: {  	v12 =	vadd.f32 v12, v13;
	_ =	sdelay $0x1  }
0x3f5: {  	v13 =	vperm.xlane v12, v6;
	_ =	sdelay $0x1  }
0x3f6: {  	v12 =	vadd.f32 v12, v13;
	_ =	sdelay $0x1  }
0x3f7: {  	v13 =	vperm.xlane v12, v7;
	_ =	sdelay $0x1  }
0x3f8: {  	v12 =	vadd.f32 v12, v13;
	_ =	sdelay $0x1  }
0x3f9: {  	v13 =	vperm.xlane v12, v8;
	_ =	sdelay $0x1  }
0x3fa: {  	v12 =	vadd.f32 v12, v13;
	_ =	sdelay $0x1  }
0x3fb: {  	v12 =	vmul.f32 $1.767766920e-01, v12;
	_ =	sdelay $0x1  }
0x3fc: {  	v12 =	vmax.f32 v12, $-5.000000000e+01  }
0x3fd: {  	v12 =	vmin.f32 v12, $5.000000000e+01  }
0x3fe: {  	v12 =	vmul.f32 $1.442695020e+00, v12;
	_ =	sdelay $0x1  }
0x3ff: {  	(erf) = vpow2.f32 v12;
	_ =	sdelay $0x4  }
0x400: {  	v13 =	vld [tilespmem:s29+$0x14AC0];
	_ =	sdelay $0x3  }
0x401: {  	v12 =	vpop (erf)  }
0x402: {  	v13 =	vmul.f32 v12, v13;
	v14 =	vmul.f32 v12, v9;
	_ =	sdelay $0x1  }
0x403: {  	[tilespmem:s3+$0x0] =	vst v13  }
0x404: {  	v13 =	vld [tilespmem:s29+$0x14AD0];
	_ =	sdelay $0x4  }
0x405: {  	v13 =	vmul.f32 v12, v13;
	_ =	sdelay $0x1  }
0x406: {  	[tilespmem:s3+$0x10] =	vst v13  }
0x407: {  	[tilespmem:s10+$0x0] =	vst v14  }
0x408: {  	v14 =	vld [tilespmem:s29+$0x186E0]  }
0x409: {  	v15 =	vld [tilespmem:s29+$0x146E0]  }
0x40a: {  	v16 =	vld [tilespmem:s29+$0x146F0]  }
0x40b: {  	v17 =	vld [tilespmem:s29+$0x186F0]  }
0x40c: {  	v18 =	vld [tilespmem:s29+$0x18AB0]  }
0x40d: {  	v13 =	vld [tilespmem:s29+$0x14AE0]  }
0x40e: {  	v14 =	vmul.f32 v15, v14;
	_ =	sdelay $0x1  }
0x40f: {  	v15 =	vmul.f32 v16, v17  }
0x410: {  	v16 =	vmul.f32 v18, v9  }
0x411: {  	v14 =	vadd.f32 v15, v14;
	_ =	sdelay $0x1  }
0x412: {  	v14 =	vadd.f32 v16, v14;
	_ =	sdelay $0x1  }
0x413: {  	v15 =	vperm.xlane v14, v5;
	_ =	sdelay $0x1  }
0x414: {  	v14 =	vadd.f32 v14, v15;
	_ =	sdelay $0x1  }
0x415: {  	v15 =	vperm.xlane v14, v6;
	_ =	sdelay $0x1  }
0x416: {  	v14 =	vadd.f32 v14, v15;
	_ =	sdelay $0x1  }
0x417: {  	v15 =	vperm.xlane v14, v7;
	_ =	sdelay $0x1  }
0x418: {  	v14 =	vadd.f32 v14, v15;
	_ =	sdelay $0x1  }
0x419: {  	v15 =	vperm.xlane v14, v8;
	_ =	sdelay $0x1  }
0x41a: {  	v14 =	vadd.f32 v14, v15;
	_ =	sdelay $0x1  }
0x41b: {  	v14 =	vmul.f32 $1.767766920e-01, v14;
	_ =	sdelay $0x1  }
0x41c: {  	v14 =	vmax.f32 v14, $-5.000000000e+01  }
0x41d: {  	v14 =	vmin.f32 v14, $5.000000000e+01  }
0x41e: {  	v14 =	vmul.f32 $1.442695020e+00, v14;
	_ =	sdelay $0x1  }
0x41f: {  	(erf) = vpow2.f32 v14;
	_ =	sdelay $0x3  }
.Ltmp6:
0x420: {  	(pc) =	sbr.rel @p0 .LBB2_14-.Ltmp6, $2  }
0x421: {  	_ =	sdelay $0x2  }
0x422: {  	s3 =	sadd.s32 $0x80, s3  }
0x423: {  	v14 =	vpop (erf)  }
0x424: {  	v13 =	vmul.f32 v14, v13;
	_ =	sdelay $0x1  }
0x425: {  	[tilespmem:s0+$0x20] =	vst v13  }
0x426: {  	v13 =	vld [tilespmem:s29+$0x14AF0];
	_ =	sdelay $0x4  }
0x427: {  	v10 =	vnsel vm1, $0x0, v10;
	v13 =	vmul.f32 v14, v13  }
0x428: {  	v9 =	vmul.f32 v14, v9;
	v10 =	vsel vm2, v10, v11  }
0x429: {  	v10 =	vsel vm3, v10, v12;
	[tilespmem:s0+$0x30] =	vst v13  }
0x42a: {  	v10 =	vsel vm4, v10, v14;
	[tilespmem:s11+$0x10] =	vst v9  }
0x42b: {  	s1 =	simm.s32 $0x1C680;
	[tilespmem:s11+$0x20] =	vst v10;
	s11 =	rddreg [dreg:$0x2]  }
0x42c: {  	[spmem:s11] =	stream.indirect.scatter.add.f32 [tilespmem:s1], [sflag:$0x7], $0x80, s2, s24, $0xb8;
	[tilespmem:$0x1EE80] =	vst v63  }
0x42d: {  	_ =	swait.ge [sflag:s21], $0x1000  }
0x42e: {  	[sflag:s21] =	ssyncset.done $0x0  }
0x42f: {  	[sflag:s21] =	ssyncadd.s32 $0xFFFFF000  }
0x430: {  	s13 =	rddreg [dreg:$0x3]  }
0x431: {  	[spmem:s13] =	stream.indirect.scatter.add.f32 [tilespmem:s5], [sflag:$0x7], $0x80, s2, s24, $0xb8;
	[tilespmem:$0x1EE80] =	vst v63  }
0x432: {  	_ =	swait.ge [sflag:s21], $0x1000  }
0x433: {  	s26 =	stileid.u32;
	[sflag:s21] =	ssyncset.done $0x0  }
0x434: {  	s3 =	sshrl.u32 s15, $0x3;
	s1 =	sshll.u32 s26, $0x6;
	[sflag:s21] =	ssyncadd.s32 $0xFFFFF000  }
0x435: {  	s4 =	sadd.s32 $0x0, s17;
	s0 =	sor.u32 $0x1C07, s1;
	[bflag:$0x0] =	sbarrier.arrive $0xFFFF  }
0x436: {  	[hbm:s4], [sflag:s0] =	dma.local [spmem:s3], $0x100  }
0x437: {  	s30 =	sadd.s32 $0x800, s15;
	_ =	swait.ge [sflag:s21], $0x100  }
0x438: {  	s10 =	sadd.s32 $0x0, s16;
	s31 =	sshrl.u32 s14, $0x3;
	[sflag:s21] =	ssyncset.done $0x0  }
0x439: {  	s28 =	sshrl.u32 s30, $0x3;
	s29 =	simm.s32 $0x200;
	[sflag:s21] =	ssyncadd.s32 $0xFFFFFF00  }
0x43a: {  	[hbm:s10], [sflag:s0] =	dma.local [spmem:s31], $0x100  }
0x43b: {  	s11 =	sadd.s32 $0x100, s17;
	s26 =	sadd.s32 $0x800, s30;
	_ =	swait.ge [sflag:s21], $0x100  }
0x43c: {  	s3 =	simm.s32 $0x100;
	s10 =	sadd.s32 $0x800, s14;
	[sflag:s21] =	ssyncset.done $0x0  }
.LBB2_16:
0x43d: {  	s4 =	sshrl.u32 s26, $0x3;
	s30 =	sor.u32 $0x1C07, s1;
	[sflag:s21] =	ssyncadd.s32 $0xFFFFFF00  }
0x43e: {  	s31 =	smov.u32 s3;
	s3 =	smov.u32 s29;
	s13 =	sadd.s32 $0x100, s29  }
0x43f: {  	[hbm:s11], [sflag:s30] =	dma.local [spmem:s28], $0x100  }
0x440: {  	p0 =	sne.s32 s29, $0x1300;
	s11 =	sadd.s32 s3, s17;
	_ =	swait.ge [sflag:s21], $0x100  }
.Ltmp7:
0x441: {  	[sflag:s21] =	ssyncset.done $0x0;
	(pc) =	sbr.rel @p0 .LBB2_16-.Ltmp7, $4  }
0x442: {  	s29 =	sshrl.u32 s10, $0x3;
	s28 =	sadd.s32 s31, s16;
	[sflag:s21] =	ssyncadd.s32 $0xFFFFFF00  }
0x443: {  	[hbm:s28], [sflag:s30] =	dma.local [spmem:s29], $0x100  }
0x444: {  	s10 =	sadd.s32 $0x800, s10;
	s28 =	smov.u32 s4;
	_ =	swait.ge [sflag:s21], $0x100  }
0x445: {  	s26 =	sadd.s32 $0x800, s26;
	s29 =	smov.u32 s13;
	[sflag:s21] =	ssyncset.done $0x0  }
0x446: {  	[sflag:s21] =	ssyncadd.s32 $0xFFFFFF00  }
0x447: {  	[hbm:s11], [sflag:s0] =	dma.local [spmem:s28], $0x100  }
0x448: {  	_ =	swait.ge [sflag:s21], $0x100  }
0x449: {  	[sflag:s21] =	ssyncset.done $0x0  }
0x44a: {  	s1 =	sadd.s32 s3, s16;
	s30 =	sshrl.u32 s10, $0x3;
	[sflag:s21] =	ssyncadd.s32 $0xFFFFFF00  }
0x44b: {  	[hbm:s1], [sflag:s0] =	dma.local [spmem:s30], $0x100  }
0x44c: {  	_ =	swait.ge [sflag:s21], $0x100  }
0x44d: {  	s26 =	rddreg [dreg:$0x5]  }
0x44e: {  	s31 =	rddreg [dreg:$0x9];
	s26 =	sadd.s32 $0x1, s26  }
0x44f: {  	p0 =	sne.s32 s26, s31  }
.Ltmp8:
0x450: {  	_ = 	snop;
	(pc) =	sbr.rel @p0 .LBB2_1-.Ltmp8, $4  }
0x451: {  	_ = 	snop  }
0x452: {  	[sflag:s21] =	ssyncset.done $0x0  }
0x453: {  	[sflag:s21] =	ssyncadd.s32 $0xFFFFFF00  }
0x454: {  	s13 =	rddreg [dreg:$0x1]  }
0x455: {  	_ =	sfence.sel $0x180000  }
0x456: {  	[bflag:$0x0] =	sbarrier.arrive $0xFFFF  }
0x457: {  	_ =	strace $0x90000047  }
0x458: {  	s0 =	stileid.u32;
	[bflag:$0x2] =	sbarrier.arrive $0xFFFF  }
0x459: {  	p0 =	sne.s32 s0, $0x0;
	s0 =	rddreg [dreg:$0x4]  }
0x45a: {  	s0 =	sadd.s32 @!p0 $0x100000, s0  }
0x45b: {  	[sflag:s0] =	ssyncadd.tile.s32 @!p0 $0x1;
	_ =	shalt  }
.Lfunc_end2:
_tile_overlayer_lowered:
.L_overlay_start_2:
0x45c: {  	(tag) =	ssettag $0x2  }
0x45d: {  	s0 =	rddreg [dreg:$0x0];
	s2 =	stileid.u32  }
0x45e: {  	s1 =	rddreg [dreg:$0x1];
	p0 =	sne.s32 s2, $0x0  }
0x45f: {  	s3 =	rddreg [dreg:$0x2];
	[bflag:$0x3] =	sbarrier.arrive $0xFFFF;
	s2 =	simm.s32 @!p0 $0x1C07  }
0x460: {  	[timem:s3], [sflag:s2] =	dma.local @!p0 [hbm:s0], s1  }
0x461: {  	s0 =	simm.s32 @!p0 $0x7  }
0x462: {  	_ =	swait.ge @!p0 [sflag:s0], s1  }
0x463: {  	s1 =	ssub.s32 @!p0 $0x0, s1;
	[sflag:s0] =	ssyncset.done @!p0 $0x0  }
0x464: {  	[sflag:s0] =	ssyncadd.s32 @!p0 s1  }
0x465: {  	[bflag:$0x3] =	sbarrier.arrive $0xFFFF  }
0x466: {  	_ =	shalt  }

</sc_bundles>
